<compile_context>
chip_gen: v7x
topology: tpu7x:2x2x1
jax: 0.10.2.dev20260603
libtpu: 0.0.44.dev20260713+nightly
codegen_flags: <defaults>
</compile_context>

<pallas_src>
import functools

import numpy as np

import jax
import jax.numpy as jnp
from jax import lax
from jax.experimental import pallas as pl
from jax.experimental.pallas import tpu as pltpu
from jax.experimental.pallas import tpu_sc as plsc

_N = 10000
_D = 128
_E = 320000
_NEG = 0.2

_NC = 2
_NS = 16
_NW = _NC * _NS
_EPW = _E // _NW
_K = 80
_CH = _EPW // _K
_NPAD = 10240
_ZR = _NPAD // _NS
_ZC = _ZR // _K
_AR = _NPAD // 16
_APT = _AR // _NS


def _fc_body(x_ref, w_ref, al_ref, ar_ref, feat_ref, el_ref, er_ref):
    feat = jnp.dot(x_ref[...], w_ref[...], preferred_element_type=jnp.float32)
    feat_ref[...] = feat.astype(jnp.bfloat16)
    el_ref[...] = jnp.sum(feat * al_ref[...], axis=1)
    er_ref[...] = jnp.sum(feat * ar_ref[...], axis=1)


def _fc(x, W, attn_l, attn_r):
    return pl.pallas_call(
        _fc_body,
        out_shape=[
            jax.ShapeDtypeStruct((_N, _D), jnp.bfloat16),
            jax.ShapeDtypeStruct((_N,), jnp.float32),
            jax.ShapeDtypeStruct((_N,), jnp.float32),
        ],
    )(x, W, attn_l, attn_r)


def _edge_body(src_hbm, dst_hbm, el_hbm, er_hbm, feat_hbm,
               out_feat, out_p,
               src0, dst0, dsc0, p0, elg0, erg0, rows0, rowsb0,
               src1, dst1, dsc1, p1, elg1, erg1, rows1, rowsb1,
               asum_v, idt_v,
               acc_feat, acc_p,
               sem_idx, sem_gat, sem_sca0, sem_sca1):
    c = lax.axis_index("c")
    s = lax.axis_index("s")
    wid = s * _NC + c
    lane = lax.iota(jnp.int32, 16)
    bufs = (
        (src0, dst0, p0, elg0, erg0, rows0, sem_sca0, dsc0, rowsb0),
        (src1, dst1, p1, elg1, erg1, rows1, sem_sca1, dsc1, rowsb1),
    )

    def zero_rows(rows_v):
        def zrow(k, carry):
            z = jnp.zeros((16,), jnp.float32)
            for j in range(_D // 16):
                rows_v[k, pl.ds(j * 16, 16)] = z
            return carry

        lax.fori_loop(0, _K, zrow, 0)

    zero_rows(rows0)
    zero_rows(rows1)

    def zasum(k, carry):
        asum_v[k, :] = jnp.zeros((16,), jnp.float32)
        return carry

    lax.fori_loop(0, _AR, zasum, 0)
    for i in range(_AR // 128):
        for j in range(128 // 16):
            idt_v[i, pl.ds(j * 16, 16)] = i * 128 + j * 16 + lane
    for i in range(_ZC):
        r0 = s * _ZR + i * _K
        pltpu.sync_copy(rows0, acc_feat.at[pl.ds(r0, _K)])
    pltpu.sync_copy(
        asum_v.at[pl.ds(0, _APT)], acc_p.at[pl.ds(s * _APT, _APT)]
    )
    plsc.subcore_barrier()

    def issue_idx(ci, b):
        src_v, dst_v = bufs[b][0], bufs[b][1]
        base = jnp.minimum(wid * _EPW + ci * _K, _E - _K)
        pltpu.async_copy(src_hbm.at[pl.ds(base, _K)], src_v, sem_idx)
        pltpu.async_copy(dst_hbm.at[pl.ds(base, _K)], dst_v, sem_idx)

    def wait_idx(b):
        src_v, dst_v = bufs[b][0], bufs[b][1]
        pltpu.make_async_copy(src_hbm.at[pl.ds(0, _K)], src_v, sem_idx).wait()
        pltpu.make_async_copy(dst_hbm.at[pl.ds(0, _K)], dst_v, sem_idx).wait()

    def issue_gathers(b):
        src_v, dst_v, elg_v, erg_v, rowsb_v = (
            bufs[b][0], bufs[b][1], bufs[b][3], bufs[b][4], bufs[b][8]
        )
        pltpu.async_copy(feat_hbm.at[src_v], rowsb_v, sem_gat)
        pltpu.async_copy(el_hbm.at[src_v], elg_v, sem_gat)
        pltpu.async_copy(er_hbm.at[dst_v], erg_v, sem_gat)

    def wait_gathers(b):
        src_v, dst_v, elg_v, erg_v, rowsb_v = (
            bufs[b][0], bufs[b][1], bufs[b][3], bufs[b][4], bufs[b][8]
        )
        pltpu.make_async_copy(feat_hbm.at[src_v], rowsb_v, sem_gat).wait()
        pltpu.make_async_copy(el_hbm.at[src_v], elg_v, sem_gat).wait()
        pltpu.make_async_copy(er_hbm.at[dst_v], erg_v, sem_gat).wait()

    def issue_scatter(b):
        dst_v, rows_v, sem, dsc_v = (
            bufs[b][1], bufs[b][5], bufs[b][6], bufs[b][7]
        )
        for j in range(_K // 16):
            dsc_v[pl.ds(j * 16, 16)] = dst_v[pl.ds(j * 16, 16)]
        pltpu.async_copy(rows_v, acc_feat.at[dsc_v], sem, add=True)

    def wait_scatter(b):
        rows_v, sem, dsc_v = bufs[b][5], bufs[b][6], bufs[b][7]
        pltpu.make_async_copy(rows_v, acc_feat.at[dsc_v], sem).wait()

    def compute_p(b):
        dst_v, p_v, elg_v, erg_v = (
            bufs[b][1], bufs[b][2], bufs[b][3], bufs[b][4]
        )
        for j in range(_K // 16):
            e = elg_v[pl.ds(j * 16, 16)] + erg_v[pl.ds(j * 16, 16)]
            e = jnp.where(e >= 0.0, e, e * _NEG)
            p = jnp.exp(e)
            p_v[pl.ds(j * 16, 16)] = p
            di = dst_v[pl.ds(j * 16, 16)]
            plsc.addupdate_scatter(
                asum_v, [lax.shift_right_logical(di, 4), di & 15], p
            )

    def scale(b):
        p_v, rows_v, rowsb_v = bufs[b][2], bufs[b][5], bufs[b][8]

        @plsc.parallel_loop(0, _K, unroll=4)
        def body(k):
            pv = plsc.load_gather(p_v, [jnp.full((16,), 0, jnp.int32) + k])
            for j in range(_D // 32):
                v = rowsb_v[k, pl.ds(j * 32, 32)]
                lo, hi = plsc.unpack(v, format=plsc.PackFormat.INTERLEAVED)
                rows_v[k, pl.ds(j * 32, 16)] = lo * pv
                rows_v[k, pl.ds(j * 32 + 16, 16)] = hi * pv

    issue_idx(0, 0)
    issue_idx(1, 1)
    wait_idx(0)
    wait_idx(1)
    issue_scatter(1)
    issue_gathers(0)
    issue_idx(1, 1)

    def step(ci, b):
        wait_gathers(b)
        wait_idx(1 - b)
        wait_scatter(1 - b)
        issue_gathers(1 - b)
        compute_p(b)
        scale(b)
        issue_scatter(b)
        issue_idx(ci + 2, b)

    def pair(t, carry):
        step(2 * t, 0)
        step(2 * t + 1, 1)
        return carry

    lax.fori_loop(0, (_CH - 1) // 2, pair, 0)
    wait_gathers(0)
    wait_idx(1)
    wait_scatter(1)
    compute_p(0)
    scale(0)
    issue_scatter(0)
    wait_scatter(0)
    for i in range(_AR // 128):
        pltpu.sync_copy(
            asum_v.at[pl.ds(i * 128, 128)], acc_p.at[idt_v.at[i]], add=True
        )
    plsc.subcore_barrier()

    r0 = s * _ZR
    pltpu.sync_copy(
        acc_feat.at[pl.ds(r0, _ZR)], out_feat.at[c, pl.ds(r0, _ZR)]
    )
    pltpu.sync_copy(
        acc_p.at[pl.ds(s * _APT, _APT)], out_p.at[c, pl.ds(s * _APT, _APT)]
    )


def _edge(src, dst, el, er, feat):
    mesh = plsc.VectorSubcoreMesh(core_axis_name="c", subcore_axis_name="s")
    buf = [
        pltpu.VMEM((_K,), jnp.int32),
        pltpu.VMEM((_K,), jnp.int32),
        pltpu.VMEM((_K,), jnp.int32),
        pltpu.VMEM((_K,), jnp.float32),
        pltpu.VMEM((_K,), jnp.float32),
        pltpu.VMEM((_K,), jnp.float32),
        pltpu.VMEM((_K, _D), jnp.float32),
        pltpu.VMEM((_K, _D), jnp.bfloat16),
    ]
    f = functools.partial(
        pl.kernel,
        out_type=[
            jax.ShapeDtypeStruct((_NC, _NPAD, _D), jnp.float32),
            jax.ShapeDtypeStruct((_NC, _AR, 16), jnp.float32),
        ],
        mesh=mesh,
        compiler_params=pltpu.CompilerParams(
            use_tc_tiling_on_sc=False, needs_layout_passes=False
        ),
        scratch_types=[
            *buf,
            *buf,
            pltpu.VMEM((_AR, 16), jnp.float32),
            pltpu.VMEM((_AR // 128, 128), jnp.int32),
            pltpu.VMEM_SHARED((_NPAD, _D), jnp.float32),
            pltpu.VMEM_SHARED((_AR, 16), jnp.float32),
            pltpu.SemaphoreType.DMA,
            pltpu.SemaphoreType.DMA,
            pltpu.SemaphoreType.DMA,
            pltpu.SemaphoreType.DMA,
        ],
    )(_edge_body)
    return f(src, dst, el, er, feat)


def _fin_body(pf_ref, pp_ref, x_ref, b_ref, out_ref):
    ssum = pf_ref[0, : _N] + pf_ref[1, : _N]
    den = pp_ref[0, : _N] + pp_ref[1, : _N]
    den = jnp.where(den == 0.0, 1.0, den)
    out_ref[...] = ssum / den[:, None] + x_ref[...] + b_ref[...]


def _finalize(pf, pp, x, bias):
    return pl.pallas_call(
        _fin_body,
        out_shape=jax.ShapeDtypeStruct((_N, _D), jnp.float32),
    )(pf, pp, x, bias.reshape(1, _D))


_PERM = (
    np.arange(_D).reshape(_D // 32, 2, 16).swapaxes(1, 2).reshape(_D)
)


def kernel(x, edge_index, W, attn_l, attn_r, bias):
    featb, el, er = _fc(
        x, W[:, _PERM], attn_l[:, _PERM], attn_r[:, _PERM]
    )
    src = edge_index[0]
    dst = edge_index[1]
    pf, pp = _edge(src, dst, el, er, featb)
    return _finalize(pf, pp.reshape(_NC, _AR * 16), x, bias)

# --- scband reference (transcript-rebuilt; emitter-appended) ---
"""Pipeline reference for scband-gatlayer-90486370992270 (READ-ONLY COPY).

The authoritative reference and input builder live on the scoring server;
editing this copy changes nothing except your own understanding.
"""

import jax, jax.numpy as jnp
import numpy as np

N = 10000
E = 320000
D_IN = 128
H = 1
D_OUT = 128
NEG_SLOPE = 0.2


def setup_inputs(seed: int = 0) -> dict:
    key = jax.random.key(seed)
    k0, k1, k2, k3, k4, k5 = jax.random.split(key, 6)
    x = jax.random.normal(k0, (N, D_IN), dtype=jnp.float32)
    edge_index = jax.random.randint(k1, (2, E), 0, N, dtype=jnp.int32)
    # GATConv learned parameters (xavier-ish scale)
    W = jax.random.normal(k2, (D_IN, H * D_OUT), dtype=jnp.float32) * (1.0 / np.sqrt(D_IN))
    attn_l = jax.random.normal(k3, (H, D_OUT), dtype=jnp.float32) * (1.0 / np.sqrt(D_OUT))
    attn_r = jax.random.normal(k4, (H, D_OUT), dtype=jnp.float32) * (1.0 / np.sqrt(D_OUT))
    bias = jnp.zeros((H * D_OUT,), dtype=jnp.float32)
    return {"x": x, "edge_index": edge_index, "W": W, "attn_l": attn_l, "attn_r": attn_r, "bias": bias}


def reference(x, edge_index, W, attn_l, attn_r, bias):
    src = edge_index[0]
    dst = edge_index[1]
    # fc projection (shared for src/dst since homogeneous graph)
    feat = (x @ W).reshape(N, H, D_OUT)  # [N, H, D]
    # attention logits per node
    el = jnp.sum(feat * attn_l[None, :, :], axis=-1)  # [N, H]
    er = jnp.sum(feat * attn_r[None, :, :], axis=-1)  # [N, H]
    # per-edge logits: e = leaky_relu(el[src] + er[dst])
    e = el[src] + er[dst]  # [E, H]
    e = jax.nn.leaky_relu(e, negative_slope=NEG_SLOPE)
    # edge softmax over incoming edges of each dst node
    e_max = jax.ops.segment_max(e, dst, num_segments=N)  # [N, H]
    e_max = jnp.where(jnp.isfinite(e_max), e_max, 0.0)
    a_unnorm = jnp.exp(e - e_max[dst])  # [E, H]
    a_sum = jax.ops.segment_sum(a_unnorm, dst, num_segments=N)  # [N, H]
    a = a_unnorm / a_sum[dst]  # [E, H]
    # message passing: sum_{src->dst} a * feat_src
    msg = feat[src] * a[:, :, None]  # [E, H, D]
    rst = jax.ops.segment_sum(msg, dst, num_segments=N)  # [N, H, D]
    # residual (identity since in_feats == num_heads * out_feats)
    rst = rst + x.reshape(N, H, D_OUT)
    # bias
    rst = rst + bias.reshape(1, H, D_OUT)
    # concat=True -> flatten heads; dropout rate 0 -> identity
    out = rst.reshape(N, H * D_OUT)
    return out

if __name__ == "__main__":
    import jax
    _d = setup_inputs()
    print(jax.jit(kernel)(*tuple(_d.values())))

</pallas_src>

<mosaic_0001>
#map = affine_map<(d0, d1) -> (0)>
#map1 = affine_map<(d0, d1) -> (0, 0)>
#map2 = affine_map<(d0, d1) -> (0, 0, 0)>
module attributes {stable_mosaic.version = 14 : i64} {
  func.func @_edge_body(%arg0: i32, %arg1: i32, %arg2: memref<320000xi32, #tpu.memory_space<hbm>>, %arg3: memref<320000xi32, #tpu.memory_space<hbm>>, %arg4: memref<10000xf32, #tpu.memory_space<hbm>>, %arg5: memref<10000xf32, #tpu.memory_space<hbm>>, %arg6: memref<10000x128xbf16, #tpu.memory_space<hbm>>, %arg7: memref<2x10240x128xf32, #tpu.memory_space<hbm>>, %arg8: memref<2x640x16xf32, #tpu.memory_space<hbm>>, %arg9: memref<80xi32, #tpu.memory_space<vmem>>, %arg10: memref<80xi32, #tpu.memory_space<vmem>>, %arg11: memref<80xi32, #tpu.memory_space<vmem>>, %arg12: memref<80xf32, #tpu.memory_space<vmem>>, %arg13: memref<80xf32, #tpu.memory_space<vmem>>, %arg14: memref<80xf32, #tpu.memory_space<vmem>>, %arg15: memref<80x128xf32, #tpu.memory_space<vmem>>, %arg16: memref<80x128xbf16, #tpu.memory_space<vmem>>, %arg17: memref<80xi32, #tpu.memory_space<vmem>>, %arg18: memref<80xi32, #tpu.memory_space<vmem>>, %arg19: memref<80xi32, #tpu.memory_space<vmem>>, %arg20: memref<80xf32, #tpu.memory_space<vmem>>, %arg21: memref<80xf32, #tpu.memory_space<vmem>>, %arg22: memref<80xf32, #tpu.memory_space<vmem>>, %arg23: memref<80x128xf32, #tpu.memory_space<vmem>>, %arg24: memref<80x128xbf16, #tpu.memory_space<vmem>>, %arg25: memref<640x16xf32, #tpu.memory_space<vmem>>, %arg26: memref<5x128xi32, #tpu.memory_space<vmem>>, %arg27: memref<10240x128xf32, #tpu.memory_space<vmem_shared>>, %arg28: memref<640x16xf32, #tpu.memory_space<vmem_shared>>, %arg29: memref<!tpu.dma_semaphore, #tpu.memory_space<semaphore_mem>>, %arg30: memref<!tpu.dma_semaphore, #tpu.memory_space<semaphore_mem>>, %arg31: memref<!tpu.dma_semaphore, #tpu.memory_space<semaphore_mem>>, %arg32: memref<!tpu.dma_semaphore, #tpu.memory_space<semaphore_mem>>) attributes {dimension_semantics = [#tpu.dimension_semantics<core_parallel>, #tpu.dimension_semantics<subcore_parallel>], iteration_bounds = array<i64: 2, 16>, scalar_prefetch = 0 : i64, scratch_operands = 24 : i64, tpu.core_type = #tpu.core_type<sc_vector_subcore>, window_params = [{transform_indices = #map}, {transform_indices = #map}, {transform_indices = #map}, {transform_indices = #map}, {transform_indices = #map1}, {transform_indices = #map2}, {transform_indices = #map2}]} {
    %mul3A = arith.constant 2 : i32
    %mul3A_0 = arith.muli %arg1, %mul3A : i32
    %add3A = arith.addi %mul3A_0, %arg0 : i32
    %iota3A = tpu.iota {dimensions = array<i32: 0>} : vector<16xi32>
    %scan3A = arith.constant 0 : i32
    %scan3A_1 = arith.constant 0 : i32
    %scan3A_2 = arith.constant 80 : i32
    %scan3A_3 = arith.addi %scan3A_1, %scan3A_2 : i32
    %scan3A_4 = arith.constant 1 : i32
    scf.for %scan3A_576 = %scan3A_1 to %scan3A_3 step %scan3A_4  : i32 {
      %broadcast_in_dim3A = arith.constant 0.000000e+00 : f32
      %broadcast_in_dim3A_577 = vector.broadcast %broadcast_in_dim3A : f32 to vector<16xf32>
      %swap3A_578 = arith.index_cast %scan3A_576 : i32 to index
      %swap3A_579 = arith.constant 0 : index
      %swap3A_580 = tpu.vector_load %arg15[%swap3A_578, %swap3A_579] {strides = array<i32>} : memref<80x128xf32, #tpu.memory_space<vmem>>, vector<16xf32>,
      tpu.vector_store %arg15[%swap3A_578, %swap3A_579], %broadcast_in_dim3A_577 {strides = array<i32>} : memref<80x128xf32, #tpu.memory_space<vmem>>, vector<16xf32>,
      %swap3A_581 = arith.index_cast %scan3A_576 : i32 to index
      %swap3A_582 = arith.constant 16 : index
      %swap3A_583 = tpu.vector_load %arg15[%swap3A_581, %swap3A_582] {strides = array<i32>} : memref<80x128xf32, #tpu.memory_space<vmem>>, vector<16xf32>,
      tpu.vector_store %arg15[%swap3A_581, %swap3A_582], %broadcast_in_dim3A_577 {strides = array<i32>} : memref<80x128xf32, #tpu.memory_space<vmem>>, vector<16xf32>,
      %swap3A_584 = arith.index_cast %scan3A_576 : i32 to index
      %swap3A_585 = arith.constant 32 : index
      %swap3A_586 = tpu.vector_load %arg15[%swap3A_584, %swap3A_585] {strides = array<i32>} : memref<80x128xf32, #tpu.memory_space<vmem>>, vector<16xf32>,
      tpu.vector_store %arg15[%swap3A_584, %swap3A_585], %broadcast_in_dim3A_577 {strides = array<i32>} : memref<80x128xf32, #tpu.memory_space<vmem>>, vector<16xf32>,
      %swap3A_587 = arith.index_cast %scan3A_576 : i32 to index
      %swap3A_588 = arith.constant 48 : index
      %swap3A_589 = tpu.vector_load %arg15[%swap3A_587, %swap3A_588] {strides = array<i32>} : memref<80x128xf32, #tpu.memory_space<vmem>>, vector<16xf32>,
      tpu.vector_store %arg15[%swap3A_587, %swap3A_588], %broadcast_in_dim3A_577 {strides = array<i32>} : memref<80x128xf32, #tpu.memory_space<vmem>>, vector<16xf32>,
      %swap3A_590 = arith.index_cast %scan3A_576 : i32 to index
      %swap3A_591 = arith.constant 64 : index
      %swap3A_592 = tpu.vector_load %arg15[%swap3A_590, %swap3A_591] {strides = array<i32>} : memref<80x128xf32, #tpu.memory_space<vmem>>, vector<16xf32>,
      tpu.vector_store %arg15[%swap3A_590, %swap3A_591], %broadcast_in_dim3A_577 {strides = array<i32>} : memref<80x128xf32, #tpu.memory_space<vmem>>, vector<16xf32>,
      %swap3A_593 = arith.index_cast %scan3A_576 : i32 to index
      %swap3A_594 = arith.constant 80 : index
      %swap3A_595 = tpu.vector_load %arg15[%swap3A_593, %swap3A_594] {strides = array<i32>} : memref<80x128xf32, #tpu.memory_space<vmem>>, vector<16xf32>,
      tpu.vector_store %arg15[%swap3A_593, %swap3A_594], %broadcast_in_dim3A_577 {strides = array<i32>} : memref<80x128xf32, #tpu.memory_space<vmem>>, vector<16xf32>,
      %swap3A_596 = arith.index_cast %scan3A_576 : i32 to index
      %swap3A_597 = arith.constant 96 : index
      %swap3A_598 = tpu.vector_load %arg15[%swap3A_596, %swap3A_597] {strides = array<i32>} : memref<80x128xf32, #tpu.memory_space<vmem>>, vector<16xf32>,
      tpu.vector_store %arg15[%swap3A_596, %swap3A_597], %broadcast_in_dim3A_577 {strides = array<i32>} : memref<80x128xf32, #tpu.memory_space<vmem>>, vector<16xf32>,
      %swap3A_599 = arith.index_cast %scan3A_576 : i32 to index
      %swap3A_600 = arith.constant 112 : index
      %swap3A_601 = tpu.vector_load %arg15[%swap3A_599, %swap3A_600] {strides = array<i32>} : memref<80x128xf32, #tpu.memory_space<vmem>>, vector<16xf32>,
      tpu.vector_store %arg15[%swap3A_599, %swap3A_600], %broadcast_in_dim3A_577 {strides = array<i32>} : memref<80x128xf32, #tpu.memory_space<vmem>>, vector<16xf32>,
    }
    %scan3A_5 = arith.constant 80 : i32
    %scan3A_6 = arith.constant 0 : i32
    %scan3A_7 = arith.constant 0 : i32
    %scan3A_8 = arith.constant 80 : i32
    %scan3A_9 = arith.addi %scan3A_7, %scan3A_8 : i32
    %scan3A_10 = arith.constant 1 : i32
    scf.for %scan3A_576 = %scan3A_7 to %scan3A_9 step %scan3A_10  : i32 {
      %broadcast_in_dim3A = arith.constant 0.000000e+00 : f32
      %broadcast_in_dim3A_577 = vector.broadcast %broadcast_in_dim3A : f32 to vector<16xf32>
      %swap3A_578 = arith.index_cast %scan3A_576 : i32 to index
      %swap3A_579 = arith.constant 0 : index
      %swap3A_580 = tpu.vector_load %arg23[%swap3A_578, %swap3A_579] {strides = array<i32>} : memref<80x128xf32, #tpu.memory_space<vmem>>, vector<16xf32>,
      tpu.vector_store %arg23[%swap3A_578, %swap3A_579], %broadcast_in_dim3A_577 {strides = array<i32>} : memref<80x128xf32, #tpu.memory_space<vmem>>, vector<16xf32>,
      %swap3A_581 = arith.index_cast %scan3A_576 : i32 to index
      %swap3A_582 = arith.constant 16 : index
      %swap3A_583 = tpu.vector_load %arg23[%swap3A_581, %swap3A_582] {strides = array<i32>} : memref<80x128xf32, #tpu.memory_space<vmem>>, vector<16xf32>,
      tpu.vector_store %arg23[%swap3A_581, %swap3A_582], %broadcast_in_dim3A_577 {strides = array<i32>} : memref<80x128xf32, #tpu.memory_space<vmem>>, vector<16xf32>,
      %swap3A_584 = arith.index_cast %scan3A_576 : i32 to index
      %swap3A_585 = arith.constant 32 : index
      %swap3A_586 = tpu.vector_load %arg23[%swap3A_584, %swap3A_585] {strides = array<i32>} : memref<80x128xf32, #tpu.memory_space<vmem>>, vector<16xf32>,
      tpu.vector_store %arg23[%swap3A_584, %swap3A_585], %broadcast_in_dim3A_577 {strides = array<i32>} : memref<80x128xf32, #tpu.memory_space<vmem>>, vector<16xf32>,
      %swap3A_587 = arith.index_cast %scan3A_576 : i32 to index
      %swap3A_588 = arith.constant 48 : index
      %swap3A_589 = tpu.vector_load %arg23[%swap3A_587, %swap3A_588] {strides = array<i32>} : memref<80x128xf32, #tpu.memory_space<vmem>>, vector<16xf32>,
      tpu.vector_store %arg23[%swap3A_587, %swap3A_588], %broadcast_in_dim3A_577 {strides = array<i32>} : memref<80x128xf32, #tpu.memory_space<vmem>>, vector<16xf32>,
      %swap3A_590 = arith.index_cast %scan3A_576 : i32 to index
      %swap3A_591 = arith.constant 64 : index
      %swap3A_592 = tpu.vector_load %arg23[%swap3A_590, %swap3A_591] {strides = array<i32>} : memref<80x128xf32, #tpu.memory_space<vmem>>, vector<16xf32>,
      tpu.vector_store %arg23[%swap3A_590, %swap3A_591], %broadcast_in_dim3A_577 {strides = array<i32>} : memref<80x128xf32, #tpu.memory_space<vmem>>, vector<16xf32>,
      %swap3A_593 = arith.index_cast %scan3A_576 : i32 to index
      %swap3A_594 = arith.constant 80 : index
      %swap3A_595 = tpu.vector_load %arg23[%swap3A_593, %swap3A_594] {strides = array<i32>} : memref<80x128xf32, #tpu.memory_space<vmem>>, vector<16xf32>,
      tpu.vector_store %arg23[%swap3A_593, %swap3A_594], %broadcast_in_dim3A_577 {strides = array<i32>} : memref<80x128xf32, #tpu.memory_space<vmem>>, vector<16xf32>,
      %swap3A_596 = arith.index_cast %scan3A_576 : i32 to index
      %swap3A_597 = arith.constant 96 : index
      %swap3A_598 = tpu.vector_load %arg23[%swap3A_596, %swap3A_597] {strides = array<i32>} : memref<80x128xf32, #tpu.memory_space<vmem>>, vector<16xf32>,
      tpu.vector_store %arg23[%swap3A_596, %swap3A_597], %broadcast_in_dim3A_577 {strides = array<i32>} : memref<80x128xf32, #tpu.memory_space<vmem>>, vector<16xf32>,
      %swap3A_599 = arith.index_cast %scan3A_576 : i32 to index
      %swap3A_600 = arith.constant 112 : index
      %swap3A_601 = tpu.vector_load %arg23[%swap3A_599, %swap3A_600] {strides = array<i32>} : memref<80x128xf32, #tpu.memory_space<vmem>>, vector<16xf32>,
      tpu.vector_store %arg23[%swap3A_599, %swap3A_600], %broadcast_in_dim3A_577 {strides = array<i32>} : memref<80x128xf32, #tpu.memory_space<vmem>>, vector<16xf32>,
    }
    %scan3A_11 = arith.constant 80 : i32
    %scan3A_12 = arith.constant 0 : i32
    %scan3A_13 = arith.constant 0 : i32
    %scan3A_14 = arith.constant 640 : i32
    %scan3A_15 = arith.addi %scan3A_13, %scan3A_14 : i32
    %scan3A_16 = arith.constant 1 : i32
    scf.for %scan3A_576 = %scan3A_13 to %scan3A_15 step %scan3A_16  : i32 {
      %broadcast_in_dim3A = arith.constant 0.000000e+00 : f32
      %broadcast_in_dim3A_577 = vector.broadcast %broadcast_in_dim3A : f32 to vector<16xf32>
      %swap3A_578 = arith.index_cast %scan3A_576 : i32 to index
      %swap3A_579 = arith.constant 0 : index
      %swap3A_580 = tpu.vector_load %arg25[%swap3A_578, %swap3A_579] {strides = array<i32>} : memref<640x16xf32, #tpu.memory_space<vmem>>, vector<16xf32>,
      tpu.vector_store %arg25[%swap3A_578, %swap3A_579], %broadcast_in_dim3A_577 {strides = array<i32>} : memref<640x16xf32, #tpu.memory_space<vmem>>, vector<16xf32>,
    }
    %scan3A_17 = arith.constant 640 : i32
    %add3A_18 = arith.constant 0 : i32
    %add3A_19 = vector.broadcast %add3A_18 : i32 to vector<16xi32>
    %add3A_20 = arith.addi %add3A_19, %iota3A : vector<16xi32>
    %swap3A = arith.constant 0 : i32
    %swap3A_21 = arith.index_cast %swap3A : i32 to index
    %swap3A_22 = arith.constant 0 : index
    %swap3A_23 = tpu.vector_load %arg26[%swap3A_21, %swap3A_22] {strides = array<i32>} : memref<5x128xi32, #tpu.memory_space<vmem>>, vector<16xi32>,
    tpu.vector_store %arg26[%swap3A_21, %swap3A_22], %add3A_20 {strides = array<i32>} : memref<5x128xi32, #tpu.memory_space<vmem>>, vector<16xi32>,
    %add3A_24 = arith.constant 16 : i32
    %add3A_25 = vector.broadcast %add3A_24 : i32 to vector<16xi32>
    %add3A_26 = arith.addi %add3A_25, %iota3A : vector<16xi32>
    %swap3A_27 = arith.constant 0 : i32
    %swap3A_28 = arith.index_cast %swap3A_27 : i32 to index
    %swap3A_29 = arith.constant 16 : index
    %swap3A_30 = tpu.vector_load %arg26[%swap3A_28, %swap3A_29] {strides = array<i32>} : memref<5x128xi32, #tpu.memory_space<vmem>>, vector<16xi32>,
    tpu.vector_store %arg26[%swap3A_28, %swap3A_29], %add3A_26 {strides = array<i32>} : memref<5x128xi32, #tpu.memory_space<vmem>>, vector<16xi32>,
    %add3A_31 = arith.constant 32 : i32
    %add3A_32 = vector.broadcast %add3A_31 : i32 to vector<16xi32>
    %add3A_33 = arith.addi %add3A_32, %iota3A : vector<16xi32>
    %swap3A_34 = arith.constant 0 : i32
    %swap3A_35 = arith.index_cast %swap3A_34 : i32 to index
    %swap3A_36 = arith.constant 32 : index
    %swap3A_37 = tpu.vector_load %arg26[%swap3A_35, %swap3A_36] {strides = array<i32>} : memref<5x128xi32, #tpu.memory_space<vmem>>, vector<16xi32>,
    tpu.vector_store %arg26[%swap3A_35, %swap3A_36], %add3A_33 {strides = array<i32>} : memref<5x128xi32, #tpu.memory_space<vmem>>, vector<16xi32>,
    %add3A_38 = arith.constant 48 : i32
    %add3A_39 = vector.broadcast %add3A_38 : i32 to vector<16xi32>
    %add3A_40 = arith.addi %add3A_39, %iota3A : vector<16xi32>
    %swap3A_41 = arith.constant 0 : i32
    %swap3A_42 = arith.index_cast %swap3A_41 : i32 to index
    %swap3A_43 = arith.constant 48 : index
    %swap3A_44 = tpu.vector_load %arg26[%swap3A_42, %swap3A_43] {strides = array<i32>} : memref<5x128xi32, #tpu.memory_space<vmem>>, vector<16xi32>,
    tpu.vector_store %arg26[%swap3A_42, %swap3A_43], %add3A_40 {strides = array<i32>} : memref<5x128xi32, #tpu.memory_space<vmem>>, vector<16xi32>,
    %add3A_45 = arith.constant 64 : i32
    %add3A_46 = vector.broadcast %add3A_45 : i32 to vector<16xi32>
    %add3A_47 = arith.addi %add3A_46, %iota3A : vector<16xi32>
    %swap3A_48 = arith.constant 0 : i32
    %swap3A_49 = arith.index_cast %swap3A_48 : i32 to index
    %swap3A_50 = arith.constant 64 : index
    %swap3A_51 = tpu.vector_load %arg26[%swap3A_49, %swap3A_50] {strides = array<i32>} : memref<5x128xi32, #tpu.memory_space<vmem>>, vector<16xi32>,
    tpu.vector_store %arg26[%swap3A_49, %swap3A_50], %add3A_47 {strides = array<i32>} : memref<5x128xi32, #tpu.memory_space<vmem>>, vector<16xi32>,
    %add3A_52 = arith.constant 80 : i32
    %add3A_53 = vector.broadcast %add3A_52 : i32 to vector<16xi32>
    %add3A_54 = arith.addi %add3A_53, %iota3A : vector<16xi32>
    %swap3A_55 = arith.constant 0 : i32
    %swap3A_56 = arith.index_cast %swap3A_55 : i32 to index
    %swap3A_57 = arith.constant 80 : index
    %swap3A_58 = tpu.vector_load %arg26[%swap3A_56, %swap3A_57] {strides = array<i32>} : memref<5x128xi32, #tpu.memory_space<vmem>>, vector<16xi32>,
    tpu.vector_store %arg26[%swap3A_56, %swap3A_57], %add3A_54 {strides = array<i32>} : memref<5x128xi32, #tpu.memory_space<vmem>>, vector<16xi32>,
    %add3A_59 = arith.constant 96 : i32
    %add3A_60 = vector.broadcast %add3A_59 : i32 to vector<16xi32>
    %add3A_61 = arith.addi %add3A_60, %iota3A : vector<16xi32>
    %swap3A_62 = arith.constant 0 : i32
    %swap3A_63 = arith.index_cast %swap3A_62 : i32 to index
    %swap3A_64 = arith.constant 96 : index
    %swap3A_65 = tpu.vector_load %arg26[%swap3A_63, %swap3A_64] {strides = array<i32>} : memref<5x128xi32, #tpu.memory_space<vmem>>, vector<16xi32>,
    tpu.vector_store %arg26[%swap3A_63, %swap3A_64], %add3A_61 {strides = array<i32>} : memref<5x128xi32, #tpu.memory_space<vmem>>, vector<16xi32>,
    %add3A_66 = arith.constant 112 : i32
    %add3A_67 = vector.broadcast %add3A_66 : i32 to vector<16xi32>
    %add3A_68 = arith.addi %add3A_67, %iota3A : vector<16xi32>
    %swap3A_69 = arith.constant 0 : i32
    %swap3A_70 = arith.index_cast %swap3A_69 : i32 to index
    %swap3A_71 = arith.constant 112 : index
    %swap3A_72 = tpu.vector_load %arg26[%swap3A_70, %swap3A_71] {strides = array<i32>} : memref<5x128xi32, #tpu.memory_space<vmem>>, vector<16xi32>,
    tpu.vector_store %arg26[%swap3A_70, %swap3A_71], %add3A_68 {strides = array<i32>} : memref<5x128xi32, #tpu.memory_space<vmem>>, vector<16xi32>,
    %add3A_73 = arith.constant 128 : i32
    %add3A_74 = vector.broadcast %add3A_73 : i32 to vector<16xi32>
    %add3A_75 = arith.addi %add3A_74, %iota3A : vector<16xi32>
    %swap3A_76 = arith.constant 1 : i32
    %swap3A_77 = arith.index_cast %swap3A_76 : i32 to index
    %swap3A_78 = arith.constant 0 : index
    %swap3A_79 = tpu.vector_load %arg26[%swap3A_77, %swap3A_78] {strides = array<i32>} : memref<5x128xi32, #tpu.memory_space<vmem>>, vector<16xi32>,
    tpu.vector_store %arg26[%swap3A_77, %swap3A_78], %add3A_75 {strides = array<i32>} : memref<5x128xi32, #tpu.memory_space<vmem>>, vector<16xi32>,
    %add3A_80 = arith.constant 144 : i32
    %add3A_81 = vector.broadcast %add3A_80 : i32 to vector<16xi32>
    %add3A_82 = arith.addi %add3A_81, %iota3A : vector<16xi32>
    %swap3A_83 = arith.constant 1 : i32
    %swap3A_84 = arith.index_cast %swap3A_83 : i32 to index
    %swap3A_85 = arith.constant 16 : index
    %swap3A_86 = tpu.vector_load %arg26[%swap3A_84, %swap3A_85] {strides = array<i32>} : memref<5x128xi32, #tpu.memory_space<vmem>>, vector<16xi32>,
    tpu.vector_store %arg26[%swap3A_84, %swap3A_85], %add3A_82 {strides = array<i32>} : memref<5x128xi32, #tpu.memory_space<vmem>>, vector<16xi32>,
    %add3A_87 = arith.constant 160 : i32
    %add3A_88 = vector.broadcast %add3A_87 : i32 to vector<16xi32>
    %add3A_89 = arith.addi %add3A_88, %iota3A : vector<16xi32>
    %swap3A_90 = arith.constant 1 : i32
    %swap3A_91 = arith.index_cast %swap3A_90 : i32 to index
    %swap3A_92 = arith.constant 32 : index
    %swap3A_93 = tpu.vector_load %arg26[%swap3A_91, %swap3A_92] {strides = array<i32>} : memref<5x128xi32, #tpu.memory_space<vmem>>, vector<16xi32>,
    tpu.vector_store %arg26[%swap3A_91, %swap3A_92], %add3A_89 {strides = array<i32>} : memref<5x128xi32, #tpu.memory_space<vmem>>, vector<16xi32>,
    %add3A_94 = arith.constant 176 : i32
    %add3A_95 = vector.broadcast %add3A_94 : i32 to vector<16xi32>
    %add3A_96 = arith.addi %add3A_95, %iota3A : vector<16xi32>
    %swap3A_97 = arith.constant 1 : i32
    %swap3A_98 = arith.index_cast %swap3A_97 : i32 to index
    %swap3A_99 = arith.constant 48 : index
    %swap3A_100 = tpu.vector_load %arg26[%swap3A_98, %swap3A_99] {strides = array<i32>} : memref<5x128xi32, #tpu.memory_space<vmem>>, vector<16xi32>,
    tpu.vector_store %arg26[%swap3A_98, %swap3A_99], %add3A_96 {strides = array<i32>} : memref<5x128xi32, #tpu.memory_space<vmem>>, vector<16xi32>,
    %add3A_101 = arith.constant 192 : i32
    %add3A_102 = vector.broadcast %add3A_101 : i32 to vector<16xi32>
    %add3A_103 = arith.addi %add3A_102, %iota3A : vector<16xi32>
    %swap3A_104 = arith.constant 1 : i32
    %swap3A_105 = arith.index_cast %swap3A_104 : i32 to index
    %swap3A_106 = arith.constant 64 : index
    %swap3A_107 = tpu.vector_load %arg26[%swap3A_105, %swap3A_106] {strides = array<i32>} : memref<5x128xi32, #tpu.memory_space<vmem>>, vector<16xi32>,
    tpu.vector_store %arg26[%swap3A_105, %swap3A_106], %add3A_103 {strides = array<i32>} : memref<5x128xi32, #tpu.memory_space<vmem>>, vector<16xi32>,
    %add3A_108 = arith.constant 208 : i32
    %add3A_109 = vector.broadcast %add3A_108 : i32 to vector<16xi32>
    %add3A_110 = arith.addi %add3A_109, %iota3A : vector<16xi32>
    %swap3A_111 = arith.constant 1 : i32
    %swap3A_112 = arith.index_cast %swap3A_111 : i32 to index
    %swap3A_113 = arith.constant 80 : index
    %swap3A_114 = tpu.vector_load %arg26[%swap3A_112, %swap3A_113] {strides = array<i32>} : memref<5x128xi32, #tpu.memory_space<vmem>>, vector<16xi32>,
    tpu.vector_store %arg26[%swap3A_112, %swap3A_113], %add3A_110 {strides = array<i32>} : memref<5x128xi32, #tpu.memory_space<vmem>>, vector<16xi32>,
    %add3A_115 = arith.constant 224 : i32
    %add3A_116 = vector.broadcast %add3A_115 : i32 to vector<16xi32>
    %add3A_117 = arith.addi %add3A_116, %iota3A : vector<16xi32>
    %swap3A_118 = arith.constant 1 : i32
    %swap3A_119 = arith.index_cast %swap3A_118 : i32 to index
    %swap3A_120 = arith.constant 96 : index
    %swap3A_121 = tpu.vector_load %arg26[%swap3A_119, %swap3A_120] {strides = array<i32>} : memref<5x128xi32, #tpu.memory_space<vmem>>, vector<16xi32>,
    tpu.vector_store %arg26[%swap3A_119, %swap3A_120], %add3A_117 {strides = array<i32>} : memref<5x128xi32, #tpu.memory_space<vmem>>, vector<16xi32>,
    %add3A_122 = arith.constant 240 : i32
    %add3A_123 = vector.broadcast %add3A_122 : i32 to vector<16xi32>
    %add3A_124 = arith.addi %add3A_123, %iota3A : vector<16xi32>
    %swap3A_125 = arith.constant 1 : i32
    %swap3A_126 = arith.index_cast %swap3A_125 : i32 to index
    %swap3A_127 = arith.constant 112 : index
    %swap3A_128 = tpu.vector_load %arg26[%swap3A_126, %swap3A_127] {strides = array<i32>} : memref<5x128xi32, #tpu.memory_space<vmem>>, vector<16xi32>,
    tpu.vector_store %arg26[%swap3A_126, %swap3A_127], %add3A_124 {strides = array<i32>} : memref<5x128xi32, #tpu.memory_space<vmem>>, vector<16xi32>,
    %add3A_129 = arith.constant 256 : i32
    %add3A_130 = vector.broadcast %add3A_129 : i32 to vector<16xi32>
    %add3A_131 = arith.addi %add3A_130, %iota3A : vector<16xi32>
    %swap3A_132 = arith.constant 2 : i32
    %swap3A_133 = arith.index_cast %swap3A_132 : i32 to index
    %swap3A_134 = arith.constant 0 : index
    %swap3A_135 = tpu.vector_load %arg26[%swap3A_133, %swap3A_134] {strides = array<i32>} : memref<5x128xi32, #tpu.memory_space<vmem>>, vector<16xi32>,
    tpu.vector_store %arg26[%swap3A_133, %swap3A_134], %add3A_131 {strides = array<i32>} : memref<5x128xi32, #tpu.memory_space<vmem>>, vector<16xi32>,
    %add3A_136 = arith.constant 272 : i32
    %add3A_137 = vector.broadcast %add3A_136 : i32 to vector<16xi32>
    %add3A_138 = arith.addi %add3A_137, %iota3A : vector<16xi32>
    %swap3A_139 = arith.constant 2 : i32
    %swap3A_140 = arith.index_cast %swap3A_139 : i32 to index
    %swap3A_141 = arith.constant 16 : index
    %swap3A_142 = tpu.vector_load %arg26[%swap3A_140, %swap3A_141] {strides = array<i32>} : memref<5x128xi32, #tpu.memory_space<vmem>>, vector<16xi32>,
    tpu.vector_store %arg26[%swap3A_140, %swap3A_141], %add3A_138 {strides = array<i32>} : memref<5x128xi32, #tpu.memory_space<vmem>>, vector<16xi32>,
    %add3A_143 = arith.constant 288 : i32
    %add3A_144 = vector.broadcast %add3A_143 : i32 to vector<16xi32>
    %add3A_145 = arith.addi %add3A_144, %iota3A : vector<16xi32>
    %swap3A_146 = arith.constant 2 : i32
    %swap3A_147 = arith.index_cast %swap3A_146 : i32 to index
    %swap3A_148 = arith.constant 32 : index
    %swap3A_149 = tpu.vector_load %arg26[%swap3A_147, %swap3A_148] {strides = array<i32>} : memref<5x128xi32, #tpu.memory_space<vmem>>, vector<16xi32>,
    tpu.vector_store %arg26[%swap3A_147, %swap3A_148], %add3A_145 {strides = array<i32>} : memref<5x128xi32, #tpu.memory_space<vmem>>, vector<16xi32>,
    %add3A_150 = arith.constant 304 : i32
    %add3A_151 = vector.broadcast %add3A_150 : i32 to vector<16xi32>
    %add3A_152 = arith.addi %add3A_151, %iota3A : vector<16xi32>
    %swap3A_153 = arith.constant 2 : i32
    %swap3A_154 = arith.index_cast %swap3A_153 : i32 to index
    %swap3A_155 = arith.constant 48 : index
    %swap3A_156 = tpu.vector_load %arg26[%swap3A_154, %swap3A_155] {strides = array<i32>} : memref<5x128xi32, #tpu.memory_space<vmem>>, vector<16xi32>,
    tpu.vector_store %arg26[%swap3A_154, %swap3A_155], %add3A_152 {strides = array<i32>} : memref<5x128xi32, #tpu.memory_space<vmem>>, vector<16xi32>,
    %add3A_157 = arith.constant 320 : i32
    %add3A_158 = vector.broadcast %add3A_157 : i32 to vector<16xi32>
    %add3A_159 = arith.addi %add3A_158, %iota3A : vector<16xi32>
    %swap3A_160 = arith.constant 2 : i32
    %swap3A_161 = arith.index_cast %swap3A_160 : i32 to index
    %swap3A_162 = arith.constant 64 : index
    %swap3A_163 = tpu.vector_load %arg26[%swap3A_161, %swap3A_162] {strides = array<i32>} : memref<5x128xi32, #tpu.memory_space<vmem>>, vector<16xi32>,
    tpu.vector_store %arg26[%swap3A_161, %swap3A_162], %add3A_159 {strides = array<i32>} : memref<5x128xi32, #tpu.memory_space<vmem>>, vector<16xi32>,
    %add3A_164 = arith.constant 336 : i32
    %add3A_165 = vector.broadcast %add3A_164 : i32 to vector<16xi32>
    %add3A_166 = arith.addi %add3A_165, %iota3A : vector<16xi32>
    %swap3A_167 = arith.constant 2 : i32
    %swap3A_168 = arith.index_cast %swap3A_167 : i32 to index
    %swap3A_169 = arith.constant 80 : index
    %swap3A_170 = tpu.vector_load %arg26[%swap3A_168, %swap3A_169] {strides = array<i32>} : memref<5x128xi32, #tpu.memory_space<vmem>>, vector<16xi32>,
    tpu.vector_store %arg26[%swap3A_168, %swap3A_169], %add3A_166 {strides = array<i32>} : memref<5x128xi32, #tpu.memory_space<vmem>>, vector<16xi32>,
    %add3A_171 = arith.constant 352 : i32
    %add3A_172 = vector.broadcast %add3A_171 : i32 to vector<16xi32>
    %add3A_173 = arith.addi %add3A_172, %iota3A : vector<16xi32>
    %swap3A_174 = arith.constant 2 : i32
    %swap3A_175 = arith.index_cast %swap3A_174 : i32 to index
    %swap3A_176 = arith.constant 96 : index
    %swap3A_177 = tpu.vector_load %arg26[%swap3A_175, %swap3A_176] {strides = array<i32>} : memref<5x128xi32, #tpu.memory_space<vmem>>, vector<16xi32>,
    tpu.vector_store %arg26[%swap3A_175, %swap3A_176], %add3A_173 {strides = array<i32>} : memref<5x128xi32, #tpu.memory_space<vmem>>, vector<16xi32>,
    %add3A_178 = arith.constant 368 : i32
    %add3A_179 = vector.broadcast %add3A_178 : i32 to vector<16xi32>
    %add3A_180 = arith.addi %add3A_179, %iota3A : vector<16xi32>
    %swap3A_181 = arith.constant 2 : i32
    %swap3A_182 = arith.index_cast %swap3A_181 : i32 to index
    %swap3A_183 = arith.constant 112 : index
    %swap3A_184 = tpu.vector_load %arg26[%swap3A_182, %swap3A_183] {strides = array<i32>} : memref<5x128xi32, #tpu.memory_space<vmem>>, vector<16xi32>,
    tpu.vector_store %arg26[%swap3A_182, %swap3A_183], %add3A_180 {strides = array<i32>} : memref<5x128xi32, #tpu.memory_space<vmem>>, vector<16xi32>,
    %add3A_185 = arith.constant 384 : i32
    %add3A_186 = vector.broadcast %add3A_185 : i32 to vector<16xi32>
    %add3A_187 = arith.addi %add3A_186, %iota3A : vector<16xi32>
    %swap3A_188 = arith.constant 3 : i32
    %swap3A_189 = arith.index_cast %swap3A_188 : i32 to index
    %swap3A_190 = arith.constant 0 : index
    %swap3A_191 = tpu.vector_load %arg26[%swap3A_189, %swap3A_190] {strides = array<i32>} : memref<5x128xi32, #tpu.memory_space<vmem>>, vector<16xi32>,
    tpu.vector_store %arg26[%swap3A_189, %swap3A_190], %add3A_187 {strides = array<i32>} : memref<5x128xi32, #tpu.memory_space<vmem>>, vector<16xi32>,
    %add3A_192 = arith.constant 400 : i32
    %add3A_193 = vector.broadcast %add3A_192 : i32 to vector<16xi32>
    %add3A_194 = arith.addi %add3A_193, %iota3A : vector<16xi32>
    %swap3A_195 = arith.constant 3 : i32
    %swap3A_196 = arith.index_cast %swap3A_195 : i32 to index
    %swap3A_197 = arith.constant 16 : index
    %swap3A_198 = tpu.vector_load %arg26[%swap3A_196, %swap3A_197] {strides = array<i32>} : memref<5x128xi32, #tpu.memory_space<vmem>>, vector<16xi32>,
    tpu.vector_store %arg26[%swap3A_196, %swap3A_197], %add3A_194 {strides = array<i32>} : memref<5x128xi32, #tpu.memory_space<vmem>>, vector<16xi32>,
    %add3A_199 = arith.constant 416 : i32
    %add3A_200 = vector.broadcast %add3A_199 : i32 to vector<16xi32>
    %add3A_201 = arith.addi %add3A_200, %iota3A : vector<16xi32>
    %swap3A_202 = arith.constant 3 : i32
    %swap3A_203 = arith.index_cast %swap3A_202 : i32 to index
    %swap3A_204 = arith.constant 32 : index
    %swap3A_205 = tpu.vector_load %arg26[%swap3A_203, %swap3A_204] {strides = array<i32>} : memref<5x128xi32, #tpu.memory_space<vmem>>, vector<16xi32>,
    tpu.vector_store %arg26[%swap3A_203, %swap3A_204], %add3A_201 {strides = array<i32>} : memref<5x128xi32, #tpu.memory_space<vmem>>, vector<16xi32>,
    %add3A_206 = arith.constant 432 : i32
    %add3A_207 = vector.broadcast %add3A_206 : i32 to vector<16xi32>
    %add3A_208 = arith.addi %add3A_207, %iota3A : vector<16xi32>
    %swap3A_209 = arith.constant 3 : i32
    %swap3A_210 = arith.index_cast %swap3A_209 : i32 to index
    %swap3A_211 = arith.constant 48 : index
    %swap3A_212 = tpu.vector_load %arg26[%swap3A_210, %swap3A_211] {strides = array<i32>} : memref<5x128xi32, #tpu.memory_space<vmem>>, vector<16xi32>,
    tpu.vector_store %arg26[%swap3A_210, %swap3A_211], %add3A_208 {strides = array<i32>} : memref<5x128xi32, #tpu.memory_space<vmem>>, vector<16xi32>,
    %add3A_213 = arith.constant 448 : i32
    %add3A_214 = vector.broadcast %add3A_213 : i32 to vector<16xi32>
    %add3A_215 = arith.addi %add3A_214, %iota3A : vector<16xi32>
    %swap3A_216 = arith.constant 3 : i32
    %swap3A_217 = arith.index_cast %swap3A_216 : i32 to index
    %swap3A_218 = arith.constant 64 : index
    %swap3A_219 = tpu.vector_load %arg26[%swap3A_217, %swap3A_218] {strides = array<i32>} : memref<5x128xi32, #tpu.memory_space<vmem>>, vector<16xi32>,
    tpu.vector_store %arg26[%swap3A_217, %swap3A_218], %add3A_215 {strides = array<i32>} : memref<5x128xi32, #tpu.memory_space<vmem>>, vector<16xi32>,
    %add3A_220 = arith.constant 464 : i32
    %add3A_221 = vector.broadcast %add3A_220 : i32 to vector<16xi32>
    %add3A_222 = arith.addi %add3A_221, %iota3A : vector<16xi32>
    %swap3A_223 = arith.constant 3 : i32
    %swap3A_224 = arith.index_cast %swap3A_223 : i32 to index
    %swap3A_225 = arith.constant 80 : index
    %swap3A_226 = tpu.vector_load %arg26[%swap3A_224, %swap3A_225] {strides = array<i32>} : memref<5x128xi32, #tpu.memory_space<vmem>>, vector<16xi32>,
    tpu.vector_store %arg26[%swap3A_224, %swap3A_225], %add3A_222 {strides = array<i32>} : memref<5x128xi32, #tpu.memory_space<vmem>>, vector<16xi32>,
    %add3A_227 = arith.constant 480 : i32
    %add3A_228 = vector.broadcast %add3A_227 : i32 to vector<16xi32>
    %add3A_229 = arith.addi %add3A_228, %iota3A : vector<16xi32>
    %swap3A_230 = arith.constant 3 : i32
    %swap3A_231 = arith.index_cast %swap3A_230 : i32 to index
    %swap3A_232 = arith.constant 96 : index
    %swap3A_233 = tpu.vector_load %arg26[%swap3A_231, %swap3A_232] {strides = array<i32>} : memref<5x128xi32, #tpu.memory_space<vmem>>, vector<16xi32>,
    tpu.vector_store %arg26[%swap3A_231, %swap3A_232], %add3A_229 {strides = array<i32>} : memref<5x128xi32, #tpu.memory_space<vmem>>, vector<16xi32>,
    %add3A_234 = arith.constant 496 : i32
    %add3A_235 = vector.broadcast %add3A_234 : i32 to vector<16xi32>
    %add3A_236 = arith.addi %add3A_235, %iota3A : vector<16xi32>
    %swap3A_237 = arith.constant 3 : i32
    %swap3A_238 = arith.index_cast %swap3A_237 : i32 to index
    %swap3A_239 = arith.constant 112 : index
    %swap3A_240 = tpu.vector_load %arg26[%swap3A_238, %swap3A_239] {strides = array<i32>} : memref<5x128xi32, #tpu.memory_space<vmem>>, vector<16xi32>,
    tpu.vector_store %arg26[%swap3A_238, %swap3A_239], %add3A_236 {strides = array<i32>} : memref<5x128xi32, #tpu.memory_space<vmem>>, vector<16xi32>,
    %add3A_241 = arith.constant 512 : i32
    %add3A_242 = vector.broadcast %add3A_241 : i32 to vector<16xi32>
    %add3A_243 = arith.addi %add3A_242, %iota3A : vector<16xi32>
    %swap3A_244 = arith.constant 4 : i32
    %swap3A_245 = arith.index_cast %swap3A_244 : i32 to index
    %swap3A_246 = arith.constant 0 : index
    %swap3A_247 = tpu.vector_load %arg26[%swap3A_245, %swap3A_246] {strides = array<i32>} : memref<5x128xi32, #tpu.memory_space<vmem>>, vector<16xi32>,
    tpu.vector_store %arg26[%swap3A_245, %swap3A_246], %add3A_243 {strides = array<i32>} : memref<5x128xi32, #tpu.memory_space<vmem>>, vector<16xi32>,
    %add3A_248 = arith.constant 528 : i32
    %add3A_249 = vector.broadcast %add3A_248 : i32 to vector<16xi32>
    %add3A_250 = arith.addi %add3A_249, %iota3A : vector<16xi32>
    %swap3A_251 = arith.constant 4 : i32
    %swap3A_252 = arith.index_cast %swap3A_251 : i32 to index
    %swap3A_253 = arith.constant 16 : index
    %swap3A_254 = tpu.vector_load %arg26[%swap3A_252, %swap3A_253] {strides = array<i32>} : memref<5x128xi32, #tpu.memory_space<vmem>>, vector<16xi32>,
    tpu.vector_store %arg26[%swap3A_252, %swap3A_253], %add3A_250 {strides = array<i32>} : memref<5x128xi32, #tpu.memory_space<vmem>>, vector<16xi32>,
    %add3A_255 = arith.constant 544 : i32
    %add3A_256 = vector.broadcast %add3A_255 : i32 to vector<16xi32>
    %add3A_257 = arith.addi %add3A_256, %iota3A : vector<16xi32>
    %swap3A_258 = arith.constant 4 : i32
    %swap3A_259 = arith.index_cast %swap3A_258 : i32 to index
    %swap3A_260 = arith.constant 32 : index
    %swap3A_261 = tpu.vector_load %arg26[%swap3A_259, %swap3A_260] {strides = array<i32>} : memref<5x128xi32, #tpu.memory_space<vmem>>, vector<16xi32>,
    tpu.vector_store %arg26[%swap3A_259, %swap3A_260], %add3A_257 {strides = array<i32>} : memref<5x128xi32, #tpu.memory_space<vmem>>, vector<16xi32>,
    %add3A_262 = arith.constant 560 : i32
    %add3A_263 = vector.broadcast %add3A_262 : i32 to vector<16xi32>
    %add3A_264 = arith.addi %add3A_263, %iota3A : vector<16xi32>
    %swap3A_265 = arith.constant 4 : i32
    %swap3A_266 = arith.index_cast %swap3A_265 : i32 to index
    %swap3A_267 = arith.constant 48 : index
    %swap3A_268 = tpu.vector_load %arg26[%swap3A_266, %swap3A_267] {strides = array<i32>} : memref<5x128xi32, #tpu.memory_space<vmem>>, vector<16xi32>,
    tpu.vector_store %arg26[%swap3A_266, %swap3A_267], %add3A_264 {strides = array<i32>} : memref<5x128xi32, #tpu.memory_space<vmem>>, vector<16xi32>,
    %add3A_269 = arith.constant 576 : i32
    %add3A_270 = vector.broadcast %add3A_269 : i32 to vector<16xi32>
    %add3A_271 = arith.addi %add3A_270, %iota3A : vector<16xi32>
    %swap3A_272 = arith.constant 4 : i32
    %swap3A_273 = arith.index_cast %swap3A_272 : i32 to index
    %swap3A_274 = arith.constant 64 : index
    %swap3A_275 = tpu.vector_load %arg26[%swap3A_273, %swap3A_274] {strides = array<i32>} : memref<5x128xi32, #tpu.memory_space<vmem>>, vector<16xi32>,
    tpu.vector_store %arg26[%swap3A_273, %swap3A_274], %add3A_271 {strides = array<i32>} : memref<5x128xi32, #tpu.memory_space<vmem>>, vector<16xi32>,
    %add3A_276 = arith.constant 592 : i32
    %add3A_277 = vector.broadcast %add3A_276 : i32 to vector<16xi32>
    %add3A_278 = arith.addi %add3A_277, %iota3A : vector<16xi32>
    %swap3A_279 = arith.constant 4 : i32
    %swap3A_280 = arith.index_cast %swap3A_279 : i32 to index
    %swap3A_281 = arith.constant 80 : index
    %swap3A_282 = tpu.vector_load %arg26[%swap3A_280, %swap3A_281] {strides = array<i32>} : memref<5x128xi32, #tpu.memory_space<vmem>>, vector<16xi32>,
    tpu.vector_store %arg26[%swap3A_280, %swap3A_281], %add3A_278 {strides = array<i32>} : memref<5x128xi32, #tpu.memory_space<vmem>>, vector<16xi32>,
    %add3A_283 = arith.constant 608 : i32
    %add3A_284 = vector.broadcast %add3A_283 : i32 to vector<16xi32>
    %add3A_285 = arith.addi %add3A_284, %iota3A : vector<16xi32>
    %swap3A_286 = arith.constant 4 : i32
    %swap3A_287 = arith.index_cast %swap3A_286 : i32 to index
    %swap3A_288 = arith.constant 96 : index
    %swap3A_289 = tpu.vector_load %arg26[%swap3A_287, %swap3A_288] {strides = array<i32>} : memref<5x128xi32, #tpu.memory_space<vmem>>, vector<16xi32>,
    tpu.vector_store %arg26[%swap3A_287, %swap3A_288], %add3A_285 {strides = array<i32>} : memref<5x128xi32, #tpu.memory_space<vmem>>, vector<16xi32>,
    %add3A_290 = arith.constant 624 : i32
    %add3A_291 = vector.broadcast %add3A_290 : i32 to vector<16xi32>
    %add3A_292 = arith.addi %add3A_291, %iota3A : vector<16xi32>
    %swap3A_293 = arith.constant 4 : i32
    %swap3A_294 = arith.index_cast %swap3A_293 : i32 to index
    %swap3A_295 = arith.constant 112 : index
    %swap3A_296 = tpu.vector_load %arg26[%swap3A_294, %swap3A_295] {strides = array<i32>} : memref<5x128xi32, #tpu.memory_space<vmem>>, vector<16xi32>,
    tpu.vector_store %arg26[%swap3A_294, %swap3A_295], %add3A_292 {strides = array<i32>} : memref<5x128xi32, #tpu.memory_space<vmem>>, vector<16xi32>,
    %mul3A_297 = arith.constant 640 : i32
    %mul3A_298 = arith.muli %arg1, %mul3A_297 : i32
    %add3A_299 = arith.constant 0 : i32
    %add3A_300 = arith.addi %mul3A_298, %add3A_299 : i32
    "tpu.region"() ({
      %run_scoped3A_576 = tpu.sem_alloc : memref<!tpu.dma_semaphore, #tpu.memory_space<semaphore_mem>>
      %dma_start3A_577 = arith.constant 0 : i32
      %dma_start3A_578 = tpu.memref_slice %arg27[%add3A_300, %dma_start3A_577] : memref<10240x128xf32, #tpu.memory_space<vmem_shared>> -> memref<80x128xf32, #tpu.memory_space<vmem_shared>>
      %dma_start3A_579 = arith.constant 0 : i32
      %dma_start3A_580 = tpu.memref_slice %arg27[%add3A_300, %dma_start3A_579] : memref<10240x128xf32, #tpu.memory_space<vmem_shared>> -> memref<80x128xf32, #tpu.memory_space<vmem_shared>>
      tpu.enqueue_dma source(%arg15 : memref<80x128xf32, #tpu.memory_space<vmem>>) target(%dma_start3A_580 : memref<80x128xf32, #tpu.memory_space<vmem_shared>>) target_semaphore(%run_scoped3A_576 : memref<!tpu.dma_semaphore, #tpu.memory_space<semaphore_mem>>)
      %dma_wait3A_581 = arith.constant 0 : i32
      %dma_wait3A_582 = tpu.memref_slice %arg27[%add3A_300, %dma_wait3A_581] : memref<10240x128xf32, #tpu.memory_space<vmem_shared>> -> memref<80x128xf32, #tpu.memory_space<vmem_shared>>
      %dma_wait3A_583 = arith.constant 0 : i32
      %dma_wait3A_584 = tpu.memref_slice %arg27[%add3A_300, %dma_wait3A_583] : memref<10240x128xf32, #tpu.memory_space<vmem_shared>> -> memref<80x128xf32, #tpu.memory_space<vmem_shared>>
      tpu.wait_dma2 semaphore(%run_scoped3A_576 : memref<!tpu.dma_semaphore, #tpu.memory_space<semaphore_mem>>) src(%arg15 : memref<80x128xf32, #tpu.memory_space<vmem>>) dst(%dma_wait3A_584 : memref<80x128xf32, #tpu.memory_space<vmem_shared>>)
      tpu.yield
    }) : () -> ()
    %mul3A_301 = arith.constant 640 : i32
    %mul3A_302 = arith.muli %arg1, %mul3A_301 : i32
    %add3A_303 = arith.constant 80 : i32
    %add3A_304 = arith.addi %mul3A_302, %add3A_303 : i32
    "tpu.region"() ({
      %run_scoped3A_576 = tpu.sem_alloc : memref<!tpu.dma_semaphore, #tpu.memory_space<semaphore_mem>>
      %dma_start3A_577 = arith.constant 0 : i32
      %dma_start3A_578 = tpu.memref_slice %arg27[%add3A_304, %dma_start3A_577] : memref<10240x128xf32, #tpu.memory_space<vmem_shared>> -> memref<80x128xf32, #tpu.memory_space<vmem_shared>>
      %dma_start3A_579 = arith.constant 0 : i32
      %dma_start3A_580 = tpu.memref_slice %arg27[%add3A_304, %dma_start3A_579] : memref<10240x128xf32, #tpu.memory_space<vmem_shared>> -> memref<80x128xf32, #tpu.memory_space<vmem_shared>>
      tpu.enqueue_dma source(%arg15 : memref<80x128xf32, #tpu.memory_space<vmem>>) target(%dma_start3A_580 : memref<80x128xf32, #tpu.memory_space<vmem_shared>>) target_semaphore(%run_scoped3A_576 : memref<!tpu.dma_semaphore, #tpu.memory_space<semaphore_mem>>)
      %dma_wait3A_581 = arith.constant 0 : i32
      %dma_wait3A_582 = tpu.memref_slice %arg27[%add3A_304, %dma_wait3A_581] : memref<10240x128xf32, #tpu.memory_space<vmem_shared>> -> memref<80x128xf32, #tpu.memory_space<vmem_shared>>
      %dma_wait3A_583 = arith.constant 0 : i32
      %dma_wait3A_584 = tpu.memref_slice %arg27[%add3A_304, %dma_wait3A_583] : memref<10240x128xf32, #tpu.memory_space<vmem_shared>> -> memref<80x128xf32, #tpu.memory_space<vmem_shared>>
      tpu.wait_dma2 semaphore(%run_scoped3A_576 : memref<!tpu.dma_semaphore, #tpu.memory_space<semaphore_mem>>) src(%arg15 : memref<80x128xf32, #tpu.memory_space<vmem>>) dst(%dma_wait3A_584 : memref<80x128xf32, #tpu.memory_space<vmem_shared>>)
      tpu.yield
    }) : () -> ()
    %mul3A_305 = arith.constant 640 : i32
    %mul3A_306 = arith.muli %arg1, %mul3A_305 : i32
    %add3A_307 = arith.constant 160 : i32
    %add3A_308 = arith.addi %mul3A_306, %add3A_307 : i32
    "tpu.region"() ({
      %run_scoped3A_576 = tpu.sem_alloc : memref<!tpu.dma_semaphore, #tpu.memory_space<semaphore_mem>>
      %dma_start3A_577 = arith.constant 0 : i32
      %dma_start3A_578 = tpu.memref_slice %arg27[%add3A_308, %dma_start3A_577] : memref<10240x128xf32, #tpu.memory_space<vmem_shared>> -> memref<80x128xf32, #tpu.memory_space<vmem_shared>>
      %dma_start3A_579 = arith.constant 0 : i32
      %dma_start3A_580 = tpu.memref_slice %arg27[%add3A_308, %dma_start3A_579] : memref<10240x128xf32, #tpu.memory_space<vmem_shared>> -> memref<80x128xf32, #tpu.memory_space<vmem_shared>>
      tpu.enqueue_dma source(%arg15 : memref<80x128xf32, #tpu.memory_space<vmem>>) target(%dma_start3A_580 : memref<80x128xf32, #tpu.memory_space<vmem_shared>>) target_semaphore(%run_scoped3A_576 : memref<!tpu.dma_semaphore, #tpu.memory_space<semaphore_mem>>)
      %dma_wait3A_581 = arith.constant 0 : i32
      %dma_wait3A_582 = tpu.memref_slice %arg27[%add3A_308, %dma_wait3A_581] : memref<10240x128xf32, #tpu.memory_space<vmem_shared>> -> memref<80x128xf32, #tpu.memory_space<vmem_shared>>
      %dma_wait3A_583 = arith.constant 0 : i32
      %dma_wait3A_584 = tpu.memref_slice %arg27[%add3A_308, %dma_wait3A_583] : memref<10240x128xf32, #tpu.memory_space<vmem_shared>> -> memref<80x128xf32, #tpu.memory_space<vmem_shared>>
      tpu.wait_dma2 semaphore(%run_scoped3A_576 : memref<!tpu.dma_semaphore, #tpu.memory_space<semaphore_mem>>) src(%arg15 : memref<80x128xf32, #tpu.memory_space<vmem>>) dst(%dma_wait3A_584 : memref<80x128xf32, #tpu.memory_space<vmem_shared>>)
      tpu.yield
    }) : () -> ()
    %mul3A_309 = arith.constant 640 : i32
    %mul3A_310 = arith.muli %arg1, %mul3A_309 : i32
    %add3A_311 = arith.constant 240 : i32
    %add3A_312 = arith.addi %mul3A_310, %add3A_311 : i32
    "tpu.region"() ({
      %run_scoped3A_576 = tpu.sem_alloc : memref<!tpu.dma_semaphore, #tpu.memory_space<semaphore_mem>>
      %dma_start3A_577 = arith.constant 0 : i32
      %dma_start3A_578 = tpu.memref_slice %arg27[%add3A_312, %dma_start3A_577] : memref<10240x128xf32, #tpu.memory_space<vmem_shared>> -> memref<80x128xf32, #tpu.memory_space<vmem_shared>>
      %dma_start3A_579 = arith.constant 0 : i32
      %dma_start3A_580 = tpu.memref_slice %arg27[%add3A_312, %dma_start3A_579] : memref<10240x128xf32, #tpu.memory_space<vmem_shared>> -> memref<80x128xf32, #tpu.memory_space<vmem_shared>>
      tpu.enqueue_dma source(%arg15 : memref<80x128xf32, #tpu.memory_space<vmem>>) target(%dma_start3A_580 : memref<80x128xf32, #tpu.memory_space<vmem_shared>>) target_semaphore(%run_scoped3A_576 : memref<!tpu.dma_semaphore, #tpu.memory_space<semaphore_mem>>)
      %dma_wait3A_581 = arith.constant 0 : i32
      %dma_wait3A_582 = tpu.memref_slice %arg27[%add3A_312, %dma_wait3A_581] : memref<10240x128xf32, #tpu.memory_space<vmem_shared>> -> memref<80x128xf32, #tpu.memory_space<vmem_shared>>
      %dma_wait3A_583 = arith.constant 0 : i32
      %dma_wait3A_584 = tpu.memref_slice %arg27[%add3A_312, %dma_wait3A_583] : memref<10240x128xf32, #tpu.memory_space<vmem_shared>> -> memref<80x128xf32, #tpu.memory_space<vmem_shared>>
      tpu.wait_dma2 semaphore(%run_scoped3A_576 : memref<!tpu.dma_semaphore, #tpu.memory_space<semaphore_mem>>) src(%arg15 : memref<80x128xf32, #tpu.memory_space<vmem>>) dst(%dma_wait3A_584 : memref<80x128xf32, #tpu.memory_space<vmem_shared>>)
      tpu.yield
    }) : () -> ()
    %mul3A_313 = arith.constant 640 : i32
    %mul3A_314 = arith.muli %arg1, %mul3A_313 : i32
    %add3A_315 = arith.constant 320 : i32
    %add3A_316 = arith.addi %mul3A_314, %add3A_315 : i32
    "tpu.region"() ({
      %run_scoped3A_576 = tpu.sem_alloc : memref<!tpu.dma_semaphore, #tpu.memory_space<semaphore_mem>>
      %dma_start3A_577 = arith.constant 0 : i32
      %dma_start3A_578 = tpu.memref_slice %arg27[%add3A_316, %dma_start3A_577] : memref<10240x128xf32, #tpu.memory_space<vmem_shared>> -> memref<80x128xf32, #tpu.memory_space<vmem_shared>>
      %dma_start3A_579 = arith.constant 0 : i32
      %dma_start3A_580 = tpu.memref_slice %arg27[%add3A_316, %dma_start3A_579] : memref<10240x128xf32, #tpu.memory_space<vmem_shared>> -> memref<80x128xf32, #tpu.memory_space<vmem_shared>>
      tpu.enqueue_dma source(%arg15 : memref<80x128xf32, #tpu.memory_space<vmem>>) target(%dma_start3A_580 : memref<80x128xf32, #tpu.memory_space<vmem_shared>>) target_semaphore(%run_scoped3A_576 : memref<!tpu.dma_semaphore, #tpu.memory_space<semaphore_mem>>)
      %dma_wait3A_581 = arith.constant 0 : i32
      %dma_wait3A_582 = tpu.memref_slice %arg27[%add3A_316, %dma_wait3A_581] : memref<10240x128xf32, #tpu.memory_space<vmem_shared>> -> memref<80x128xf32, #tpu.memory_space<vmem_shared>>
      %dma_wait3A_583 = arith.constant 0 : i32
      %dma_wait3A_584 = tpu.memref_slice %arg27[%add3A_316, %dma_wait3A_583] : memref<10240x128xf32, #tpu.memory_space<vmem_shared>> -> memref<80x128xf32, #tpu.memory_space<vmem_shared>>
      tpu.wait_dma2 semaphore(%run_scoped3A_576 : memref<!tpu.dma_semaphore, #tpu.memory_space<semaphore_mem>>) src(%arg15 : memref<80x128xf32, #tpu.memory_space<vmem>>) dst(%dma_wait3A_584 : memref<80x128xf32, #tpu.memory_space<vmem_shared>>)
      tpu.yield
    }) : () -> ()
    %mul3A_317 = arith.constant 640 : i32
    %mul3A_318 = arith.muli %arg1, %mul3A_317 : i32
    %add3A_319 = arith.constant 400 : i32
    %add3A_320 = arith.addi %mul3A_318, %add3A_319 : i32
    "tpu.region"() ({
      %run_scoped3A_576 = tpu.sem_alloc : memref<!tpu.dma_semaphore, #tpu.memory_space<semaphore_mem>>
      %dma_start3A_577 = arith.constant 0 : i32
      %dma_start3A_578 = tpu.memref_slice %arg27[%add3A_320, %dma_start3A_577] : memref<10240x128xf32, #tpu.memory_space<vmem_shared>> -> memref<80x128xf32, #tpu.memory_space<vmem_shared>>
      %dma_start3A_579 = arith.constant 0 : i32
      %dma_start3A_580 = tpu.memref_slice %arg27[%add3A_320, %dma_start3A_579] : memref<10240x128xf32, #tpu.memory_space<vmem_shared>> -> memref<80x128xf32, #tpu.memory_space<vmem_shared>>
      tpu.enqueue_dma source(%arg15 : memref<80x128xf32, #tpu.memory_space<vmem>>) target(%dma_start3A_580 : memref<80x128xf32, #tpu.memory_space<vmem_shared>>) target_semaphore(%run_scoped3A_576 : memref<!tpu.dma_semaphore, #tpu.memory_space<semaphore_mem>>)
      %dma_wait3A_581 = arith.constant 0 : i32
      %dma_wait3A_582 = tpu.memref_slice %arg27[%add3A_320, %dma_wait3A_581] : memref<10240x128xf32, #tpu.memory_space<vmem_shared>> -> memref<80x128xf32, #tpu.memory_space<vmem_shared>>
      %dma_wait3A_583 = arith.constant 0 : i32
      %dma_wait3A_584 = tpu.memref_slice %arg27[%add3A_320, %dma_wait3A_583] : memref<10240x128xf32, #tpu.memory_space<vmem_shared>> -> memref<80x128xf32, #tpu.memory_space<vmem_shared>>
      tpu.wait_dma2 semaphore(%run_scoped3A_576 : memref<!tpu.dma_semaphore, #tpu.memory_space<semaphore_mem>>) src(%arg15 : memref<80x128xf32, #tpu.memory_space<vmem>>) dst(%dma_wait3A_584 : memref<80x128xf32, #tpu.memory_space<vmem_shared>>)
      tpu.yield
    }) : () -> ()
    %mul3A_321 = arith.constant 640 : i32
    %mul3A_322 = arith.muli %arg1, %mul3A_321 : i32
    %add3A_323 = arith.constant 480 : i32
    %add3A_324 = arith.addi %mul3A_322, %add3A_323 : i32
    "tpu.region"() ({
      %run_scoped3A_576 = tpu.sem_alloc : memref<!tpu.dma_semaphore, #tpu.memory_space<semaphore_mem>>
      %dma_start3A_577 = arith.constant 0 : i32
      %dma_start3A_578 = tpu.memref_slice %arg27[%add3A_324, %dma_start3A_577] : memref<10240x128xf32, #tpu.memory_space<vmem_shared>> -> memref<80x128xf32, #tpu.memory_space<vmem_shared>>
      %dma_start3A_579 = arith.constant 0 : i32
      %dma_start3A_580 = tpu.memref_slice %arg27[%add3A_324, %dma_start3A_579] : memref<10240x128xf32, #tpu.memory_space<vmem_shared>> -> memref<80x128xf32, #tpu.memory_space<vmem_shared>>
      tpu.enqueue_dma source(%arg15 : memref<80x128xf32, #tpu.memory_space<vmem>>) target(%dma_start3A_580 : memref<80x128xf32, #tpu.memory_space<vmem_shared>>) target_semaphore(%run_scoped3A_576 : memref<!tpu.dma_semaphore, #tpu.memory_space<semaphore_mem>>)
      %dma_wait3A_581 = arith.constant 0 : i32
      %dma_wait3A_582 = tpu.memref_slice %arg27[%add3A_324, %dma_wait3A_581] : memref<10240x128xf32, #tpu.memory_space<vmem_shared>> -> memref<80x128xf32, #tpu.memory_space<vmem_shared>>
      %dma_wait3A_583 = arith.constant 0 : i32
      %dma_wait3A_584 = tpu.memref_slice %arg27[%add3A_324, %dma_wait3A_583] : memref<10240x128xf32, #tpu.memory_space<vmem_shared>> -> memref<80x128xf32, #tpu.memory_space<vmem_shared>>
      tpu.wait_dma2 semaphore(%run_scoped3A_576 : memref<!tpu.dma_semaphore, #tpu.memory_space<semaphore_mem>>) src(%arg15 : memref<80x128xf32, #tpu.memory_space<vmem>>) dst(%dma_wait3A_584 : memref<80x128xf32, #tpu.memory_space<vmem_shared>>)
      tpu.yield
    }) : () -> ()
    %mul3A_325 = arith.constant 640 : i32
    %mul3A_326 = arith.muli %arg1, %mul3A_325 : i32
    %add3A_327 = arith.constant 560 : i32
    %add3A_328 = arith.addi %mul3A_326, %add3A_327 : i32
    "tpu.region"() ({
      %run_scoped3A_576 = tpu.sem_alloc : memref<!tpu.dma_semaphore, #tpu.memory_space<semaphore_mem>>
      %dma_start3A_577 = arith.constant 0 : i32
      %dma_start3A_578 = tpu.memref_slice %arg27[%add3A_328, %dma_start3A_577] : memref<10240x128xf32, #tpu.memory_space<vmem_shared>> -> memref<80x128xf32, #tpu.memory_space<vmem_shared>>
      %dma_start3A_579 = arith.constant 0 : i32
      %dma_start3A_580 = tpu.memref_slice %arg27[%add3A_328, %dma_start3A_579] : memref<10240x128xf32, #tpu.memory_space<vmem_shared>> -> memref<80x128xf32, #tpu.memory_space<vmem_shared>>
      tpu.enqueue_dma source(%arg15 : memref<80x128xf32, #tpu.memory_space<vmem>>) target(%dma_start3A_580 : memref<80x128xf32, #tpu.memory_space<vmem_shared>>) target_semaphore(%run_scoped3A_576 : memref<!tpu.dma_semaphore, #tpu.memory_space<semaphore_mem>>)
      %dma_wait3A_581 = arith.constant 0 : i32
      %dma_wait3A_582 = tpu.memref_slice %arg27[%add3A_328, %dma_wait3A_581] : memref<10240x128xf32, #tpu.memory_space<vmem_shared>> -> memref<80x128xf32, #tpu.memory_space<vmem_shared>>
      %dma_wait3A_583 = arith.constant 0 : i32
      %dma_wait3A_584 = tpu.memref_slice %arg27[%add3A_328, %dma_wait3A_583] : memref<10240x128xf32, #tpu.memory_space<vmem_shared>> -> memref<80x128xf32, #tpu.memory_space<vmem_shared>>
      tpu.wait_dma2 semaphore(%run_scoped3A_576 : memref<!tpu.dma_semaphore, #tpu.memory_space<semaphore_mem>>) src(%arg15 : memref<80x128xf32, #tpu.memory_space<vmem>>) dst(%dma_wait3A_584 : memref<80x128xf32, #tpu.memory_space<vmem_shared>>)
      tpu.yield
    }) : () -> ()
    %mul3A_329 = arith.constant 40 : i32
    %mul3A_330 = arith.muli %arg1, %mul3A_329 : i32
    "tpu.region"() ({
      %run_scoped3A_576 = tpu.sem_alloc : memref<!tpu.dma_semaphore, #tpu.memory_space<semaphore_mem>>
      %dma_start3A_577 = arith.constant 0 : i32
      %dma_start3A_578 = arith.constant 0 : i32
      %dma_start3A_579 = tpu.memref_slice %arg25[%dma_start3A_577, %dma_start3A_578] : memref<640x16xf32, #tpu.memory_space<vmem>> -> memref<40x16xf32, #tpu.memory_space<vmem>>
      %dma_start3A_580 = arith.constant 0 : i32
      %dma_start3A_581 = tpu.memref_slice %arg28[%mul3A_330, %dma_start3A_580] : memref<640x16xf32, #tpu.memory_space<vmem_shared>> -> memref<40x16xf32, #tpu.memory_space<vmem_shared>>
      %dma_start3A_582 = arith.constant 0 : i32
      %dma_start3A_583 = tpu.memref_slice %arg28[%mul3A_330, %dma_start3A_582] : memref<640x16xf32, #tpu.memory_space<vmem_shared>> -> memref<40x16xf32, #tpu.memory_space<vmem_shared>>
      %dma_start3A_584 = arith.constant 0 : i32
      %dma_start3A_585 = arith.constant 0 : i32
      %dma_start3A_586 = tpu.memref_slice %arg25[%dma_start3A_584, %dma_start3A_585] : memref<640x16xf32, #tpu.memory_space<vmem>> -> memref<40x16xf32, #tpu.memory_space<vmem>>
      tpu.enqueue_dma source(%dma_start3A_586 : memref<40x16xf32, #tpu.memory_space<vmem>>) target(%dma_start3A_583 : memref<40x16xf32, #tpu.memory_space<vmem_shared>>) target_semaphore(%run_scoped3A_576 : memref<!tpu.dma_semaphore, #tpu.memory_space<semaphore_mem>>)
      %dma_wait3A_587 = arith.constant 0 : i32
      %dma_wait3A_588 = arith.constant 0 : i32
      %dma_wait3A_589 = tpu.memref_slice %arg25[%dma_wait3A_587, %dma_wait3A_588] : memref<640x16xf32, #tpu.memory_space<vmem>> -> memref<40x16xf32, #tpu.memory_space<vmem>>
      %dma_wait3A_590 = arith.constant 0 : i32
      %dma_wait3A_591 = tpu.memref_slice %arg28[%mul3A_330, %dma_wait3A_590] : memref<640x16xf32, #tpu.memory_space<vmem_shared>> -> memref<40x16xf32, #tpu.memory_space<vmem_shared>>
      %dma_wait3A_592 = arith.constant 0 : i32
      %dma_wait3A_593 = tpu.memref_slice %arg28[%mul3A_330, %dma_wait3A_592] : memref<640x16xf32, #tpu.memory_space<vmem_shared>> -> memref<40x16xf32, #tpu.memory_space<vmem_shared>>
      %dma_wait3A_594 = arith.constant 0 : i32
      %dma_wait3A_595 = arith.constant 0 : i32
      %dma_wait3A_596 = tpu.memref_slice %arg25[%dma_wait3A_594, %dma_wait3A_595] : memref<640x16xf32, #tpu.memory_space<vmem>> -> memref<40x16xf32, #tpu.memory_space<vmem>>
      tpu.wait_dma2 semaphore(%run_scoped3A_576 : memref<!tpu.dma_semaphore, #tpu.memory_space<semaphore_mem>>) src(%dma_wait3A_596 : memref<40x16xf32, #tpu.memory_space<vmem>>) dst(%dma_wait3A_593 : memref<40x16xf32, #tpu.memory_space<vmem_shared>>)
      tpu.yield
    }) : () -> ()
    %barrier3A = arith.constant 0 : index
    tpu.barrier barrier_id(%barrier3A)
    %mul3A_331 = arith.constant 10000 : i32
    %mul3A_332 = arith.muli %add3A, %mul3A_331 : i32
    %add3A_333 = arith.constant 0 : i32
    %add3A_334 = arith.addi %mul3A_332, %add3A_333 : i32
    %min3A = arith.constant 319920 : i32
    %min3A_335 = arith.minsi %add3A_334, %min3A : i32
    %dma_start3A = tpu.memref_slice %arg2[%min3A_335] : memref<320000xi32, #tpu.memory_space<hbm>> -> memref<80xi32, #tpu.memory_space<hbm>>
    %dma_start3A_336 = tpu.memref_slice %arg2[%min3A_335] : memref<320000xi32, #tpu.memory_space<hbm>> -> memref<80xi32, #tpu.memory_space<hbm>>
    tpu.enqueue_dma source(%dma_start3A_336 : memref<80xi32, #tpu.memory_space<hbm>>) target(%arg9 : memref<80xi32, #tpu.memory_space<vmem>>) target_semaphore(%arg29 : memref<!tpu.dma_semaphore, #tpu.memory_space<semaphore_mem>>)
    %dma_start3A_337 = tpu.memref_slice %arg3[%min3A_335] : memref<320000xi32, #tpu.memory_space<hbm>> -> memref<80xi32, #tpu.memory_space<hbm>>
    %dma_start3A_338 = tpu.memref_slice %arg3[%min3A_335] : memref<320000xi32, #tpu.memory_space<hbm>> -> memref<80xi32, #tpu.memory_space<hbm>>
    tpu.enqueue_dma source(%dma_start3A_338 : memref<80xi32, #tpu.memory_space<hbm>>) target(%arg10 : memref<80xi32, #tpu.memory_space<vmem>>) target_semaphore(%arg29 : memref<!tpu.dma_semaphore, #tpu.memory_space<semaphore_mem>>)
    %mul3A_339 = arith.constant 10000 : i32
    %mul3A_340 = arith.muli %add3A, %mul3A_339 : i32
    %add3A_341 = arith.constant 80 : i32
    %add3A_342 = arith.addi %mul3A_340, %add3A_341 : i32
    %min3A_343 = arith.constant 319920 : i32
    %min3A_344 = arith.minsi %add3A_342, %min3A_343 : i32
    %dma_start3A_345 = tpu.memref_slice %arg2[%min3A_344] : memref<320000xi32, #tpu.memory_space<hbm>> -> memref<80xi32, #tpu.memory_space<hbm>>
    %dma_start3A_346 = tpu.memref_slice %arg2[%min3A_344] : memref<320000xi32, #tpu.memory_space<hbm>> -> memref<80xi32, #tpu.memory_space<hbm>>
    tpu.enqueue_dma source(%dma_start3A_346 : memref<80xi32, #tpu.memory_space<hbm>>) target(%arg17 : memref<80xi32, #tpu.memory_space<vmem>>) target_semaphore(%arg29 : memref<!tpu.dma_semaphore, #tpu.memory_space<semaphore_mem>>)
    %dma_start3A_347 = tpu.memref_slice %arg3[%min3A_344] : memref<320000xi32, #tpu.memory_space<hbm>> -> memref<80xi32, #tpu.memory_space<hbm>>
    %dma_start3A_348 = tpu.memref_slice %arg3[%min3A_344] : memref<320000xi32, #tpu.memory_space<hbm>> -> memref<80xi32, #tpu.memory_space<hbm>>
    tpu.enqueue_dma source(%dma_start3A_348 : memref<80xi32, #tpu.memory_space<hbm>>) target(%arg18 : memref<80xi32, #tpu.memory_space<vmem>>) target_semaphore(%arg29 : memref<!tpu.dma_semaphore, #tpu.memory_space<semaphore_mem>>)
    %dma_wait3A = arith.constant 0 : i32
    %dma_wait3A_349 = tpu.memref_slice %arg2[%dma_wait3A] : memref<320000xi32, #tpu.memory_space<hbm>> -> memref<80xi32, #tpu.memory_space<hbm>>
    %dma_wait3A_350 = arith.constant 0 : i32
    %dma_wait3A_351 = tpu.memref_slice %arg2[%dma_wait3A_350] : memref<320000xi32, #tpu.memory_space<hbm>> -> memref<80xi32, #tpu.memory_space<hbm>>
    tpu.wait_dma2 semaphore(%arg29 : memref<!tpu.dma_semaphore, #tpu.memory_space<semaphore_mem>>) src(%dma_wait3A_351 : memref<80xi32, #tpu.memory_space<hbm>>) dst(%arg9 : memref<80xi32, #tpu.memory_space<vmem>>)
    %dma_wait3A_352 = arith.constant 0 : i32
    %dma_wait3A_353 = tpu.memref_slice %arg3[%dma_wait3A_352] : memref<320000xi32, #tpu.memory_space<hbm>> -> memref<80xi32, #tpu.memory_space<hbm>>
    %dma_wait3A_354 = arith.constant 0 : i32
    %dma_wait3A_355 = tpu.memref_slice %arg3[%dma_wait3A_354] : memref<320000xi32, #tpu.memory_space<hbm>> -> memref<80xi32, #tpu.memory_space<hbm>>
    tpu.wait_dma2 semaphore(%arg29 : memref<!tpu.dma_semaphore, #tpu.memory_space<semaphore_mem>>) src(%dma_wait3A_355 : memref<80xi32, #tpu.memory_space<hbm>>) dst(%arg10 : memref<80xi32, #tpu.memory_space<vmem>>)
    %dma_wait3A_356 = arith.constant 0 : i32
    %dma_wait3A_357 = tpu.memref_slice %arg2[%dma_wait3A_356] : memref<320000xi32, #tpu.memory_space<hbm>> -> memref<80xi32, #tpu.memory_space<hbm>>
    %dma_wait3A_358 = arith.constant 0 : i32
    %dma_wait3A_359 = tpu.memref_slice %arg2[%dma_wait3A_358] : memref<320000xi32, #tpu.memory_space<hbm>> -> memref<80xi32, #tpu.memory_space<hbm>>
    tpu.wait_dma2 semaphore(%arg29 : memref<!tpu.dma_semaphore, #tpu.memory_space<semaphore_mem>>) src(%dma_wait3A_359 : memref<80xi32, #tpu.memory_space<hbm>>) dst(%arg17 : memref<80xi32, #tpu.memory_space<vmem>>)
    %dma_wait3A_360 = arith.constant 0 : i32
    %dma_wait3A_361 = tpu.memref_slice %arg3[%dma_wait3A_360] : memref<320000xi32, #tpu.memory_space<hbm>> -> memref<80xi32, #tpu.memory_space<hbm>>
    %dma_wait3A_362 = arith.constant 0 : i32
    %dma_wait3A_363 = tpu.memref_slice %arg3[%dma_wait3A_362] : memref<320000xi32, #tpu.memory_space<hbm>> -> memref<80xi32, #tpu.memory_space<hbm>>
    tpu.wait_dma2 semaphore(%arg29 : memref<!tpu.dma_semaphore, #tpu.memory_space<semaphore_mem>>) src(%dma_wait3A_363 : memref<80xi32, #tpu.memory_space<hbm>>) dst(%arg18 : memref<80xi32, #tpu.memory_space<vmem>>)
    %get3A = arith.constant 0 : index
    %get3A_364 = tpu.vector_load %arg18[%get3A] {strides = array<i32>} : memref<80xi32, #tpu.memory_space<vmem>>, vector<16xi32>,
    %swap3A_365 = arith.constant 0 : index
    %swap3A_366 = tpu.vector_load %arg19[%swap3A_365] {strides = array<i32>} : memref<80xi32, #tpu.memory_space<vmem>>, vector<16xi32>,
    tpu.vector_store %arg19[%swap3A_365], %get3A_364 {strides = array<i32>} : memref<80xi32, #tpu.memory_space<vmem>>, vector<16xi32>,
    %get3A_367 = arith.constant 16 : index
    %get3A_368 = tpu.vector_load %arg18[%get3A_367] {strides = array<i32>} : memref<80xi32, #tpu.memory_space<vmem>>, vector<16xi32>,
    %swap3A_369 = arith.constant 16 : index
    %swap3A_370 = tpu.vector_load %arg19[%swap3A_369] {strides = array<i32>} : memref<80xi32, #tpu.memory_space<vmem>>, vector<16xi32>,
    tpu.vector_store %arg19[%swap3A_369], %get3A_368 {strides = array<i32>} : memref<80xi32, #tpu.memory_space<vmem>>, vector<16xi32>,
    %get3A_371 = arith.constant 32 : index
    %get3A_372 = tpu.vector_load %arg18[%get3A_371] {strides = array<i32>} : memref<80xi32, #tpu.memory_space<vmem>>, vector<16xi32>,
    %swap3A_373 = arith.constant 32 : index
    %swap3A_374 = tpu.vector_load %arg19[%swap3A_373] {strides = array<i32>} : memref<80xi32, #tpu.memory_space<vmem>>, vector<16xi32>,
    tpu.vector_store %arg19[%swap3A_373], %get3A_372 {strides = array<i32>} : memref<80xi32, #tpu.memory_space<vmem>>, vector<16xi32>,
    %get3A_375 = arith.constant 48 : index
    %get3A_376 = tpu.vector_load %arg18[%get3A_375] {strides = array<i32>} : memref<80xi32, #tpu.memory_space<vmem>>, vector<16xi32>,
    %swap3A_377 = arith.constant 48 : index
    %swap3A_378 = tpu.vector_load %arg19[%swap3A_377] {strides = array<i32>} : memref<80xi32, #tpu.memory_space<vmem>>, vector<16xi32>,
    tpu.vector_store %arg19[%swap3A_377], %get3A_376 {strides = array<i32>} : memref<80xi32, #tpu.memory_space<vmem>>, vector<16xi32>,
    %get3A_379 = arith.constant 64 : index
    %get3A_380 = tpu.vector_load %arg18[%get3A_379] {strides = array<i32>} : memref<80xi32, #tpu.memory_space<vmem>>, vector<16xi32>,
    %swap3A_381 = arith.constant 64 : index
    %swap3A_382 = tpu.vector_load %arg19[%swap3A_381] {strides = array<i32>} : memref<80xi32, #tpu.memory_space<vmem>>, vector<16xi32>,
    tpu.vector_store %arg19[%swap3A_381], %get3A_380 {strides = array<i32>} : memref<80xi32, #tpu.memory_space<vmem>>, vector<16xi32>,
    %dma_start3A_383 = arith.constant 0 : i32
    %dma_start3A_384 = arith.constant 0 : i32
    %dma_start3A_385 = tpu.memref_slice %arg27[%dma_start3A_383, %dma_start3A_384] : memref<10240x128xf32, #tpu.memory_space<vmem_shared>> -> memref<10240x128xf32, #tpu.memory_space<vmem_shared>>
    tpu.enqueue_indirect_dma source(%arg23 : memref<80x128xf32, #tpu.memory_space<vmem>>) target(%dma_start3A_385 : memref<10240x128xf32, #tpu.memory_space<vmem_shared>>) offsets(%arg19 : memref<80xi32, #tpu.memory_space<vmem>>) semaphore(%arg32 : memref<!tpu.dma_semaphore, #tpu.memory_space<semaphore_mem>>) {add = true}
    %dma_start3A_386 = arith.constant 0 : i32
    %dma_start3A_387 = arith.constant 0 : i32
    %dma_start3A_388 = tpu.memref_slice %arg6[%dma_start3A_386, %dma_start3A_387] : memref<10000x128xbf16, #tpu.memory_space<hbm>> -> memref<10000x128xbf16, #tpu.memory_space<hbm>>
    tpu.enqueue_indirect_dma source(%dma_start3A_388 : memref<10000x128xbf16, #tpu.memory_space<hbm>>) target(%arg16 : memref<80x128xbf16, #tpu.memory_space<vmem>>) offsets(%arg9 : memref<80xi32, #tpu.memory_space<vmem>>) semaphore(%arg30 : memref<!tpu.dma_semaphore, #tpu.memory_space<semaphore_mem>>)
    %dma_start3A_389 = arith.constant 0 : i32
    %dma_start3A_390 = tpu.memref_slice %arg4[%dma_start3A_389] : memref<10000xf32, #tpu.memory_space<hbm>> -> memref<10000xf32, #tpu.memory_space<hbm>>
    tpu.enqueue_indirect_dma source(%dma_start3A_390 : memref<10000xf32, #tpu.memory_space<hbm>>) target(%arg13 : memref<80xf32, #tpu.memory_space<vmem>>) offsets(%arg9 : memref<80xi32, #tpu.memory_space<vmem>>) semaphore(%arg30 : memref<!tpu.dma_semaphore, #tpu.memory_space<semaphore_mem>>)
    %dma_start3A_391 = arith.constant 0 : i32
    %dma_start3A_392 = tpu.memref_slice %arg5[%dma_start3A_391] : memref<10000xf32, #tpu.memory_space<hbm>> -> memref<10000xf32, #tpu.memory_space<hbm>>
    tpu.enqueue_indirect_dma source(%dma_start3A_392 : memref<10000xf32, #tpu.memory_space<hbm>>) target(%arg14 : memref<80xf32, #tpu.memory_space<vmem>>) offsets(%arg10 : memref<80xi32, #tpu.memory_space<vmem>>) semaphore(%arg30 : memref<!tpu.dma_semaphore, #tpu.memory_space<semaphore_mem>>)
    %mul3A_393 = arith.constant 10000 : i32
    %mul3A_394 = arith.muli %add3A, %mul3A_393 : i32
    %add3A_395 = arith.constant 80 : i32
    %add3A_396 = arith.addi %mul3A_394, %add3A_395 : i32
    %min3A_397 = arith.constant 319920 : i32
    %min3A_398 = arith.minsi %add3A_396, %min3A_397 : i32
    %dma_start3A_399 = tpu.memref_slice %arg2[%min3A_398] : memref<320000xi32, #tpu.memory_space<hbm>> -> memref<80xi32, #tpu.memory_space<hbm>>
    %dma_start3A_400 = tpu.memref_slice %arg2[%min3A_398] : memref<320000xi32, #tpu.memory_space<hbm>> -> memref<80xi32, #tpu.memory_space<hbm>>
    tpu.enqueue_dma source(%dma_start3A_400 : memref<80xi32, #tpu.memory_space<hbm>>) target(%arg17 : memref<80xi32, #tpu.memory_space<vmem>>) target_semaphore(%arg29 : memref<!tpu.dma_semaphore, #tpu.memory_space<semaphore_mem>>)
    %dma_start3A_401 = tpu.memref_slice %arg3[%min3A_398] : memref<320000xi32, #tpu.memory_space<hbm>> -> memref<80xi32, #tpu.memory_space<hbm>>
    %dma_start3A_402 = tpu.memref_slice %arg3[%min3A_398] : memref<320000xi32, #tpu.memory_space<hbm>> -> memref<80xi32, #tpu.memory_space<hbm>>
    tpu.enqueue_dma source(%dma_start3A_402 : memref<80xi32, #tpu.memory_space<hbm>>) target(%arg18 : memref<80xi32, #tpu.memory_space<vmem>>) target_semaphore(%arg29 : memref<!tpu.dma_semaphore, #tpu.memory_space<semaphore_mem>>)
    %scan3A_403 = arith.constant 0 : i32
    %scan3A_404 = arith.constant 0 : i32
    %scan3A_405 = arith.constant 62 : i32
    %scan3A_406 = arith.addi %scan3A_404, %scan3A_405 : i32
    %scan3A_407 = arith.constant 1 : i32
    scf.for %scan3A_576 = %scan3A_404 to %scan3A_406 step %scan3A_407  : i32 {
      %mul3A_577 = arith.constant 2 : i32
      %mul3A_578 = arith.muli %mul3A_577, %scan3A_576 : i32
      %dma_wait3A_579 = arith.constant 0 : i32
      %dma_wait3A_580 = arith.constant 0 : i32
      %dma_wait3A_581 = tpu.memref_slice %arg6[%dma_wait3A_579, %dma_wait3A_580] : memref<10000x128xbf16, #tpu.memory_space<hbm>> -> memref<10000x128xbf16, #tpu.memory_space<hbm>>
      tpu.wait_indirect_dma semaphore(%arg30 : memref<!tpu.dma_semaphore, #tpu.memory_space<semaphore_mem>>) src(%dma_wait3A_581 : memref<10000x128xbf16, #tpu.memory_space<hbm>>) dst(%arg16 : memref<80x128xbf16, #tpu.memory_space<vmem>>)
      %dma_wait3A_582 = arith.constant 0 : i32
      %dma_wait3A_583 = tpu.memref_slice %arg4[%dma_wait3A_582] : memref<10000xf32, #tpu.memory_space<hbm>> -> memref<10000xf32, #tpu.memory_space<hbm>>
      tpu.wait_indirect_dma semaphore(%arg30 : memref<!tpu.dma_semaphore, #tpu.memory_space<semaphore_mem>>) src(%dma_wait3A_583 : memref<10000xf32, #tpu.memory_space<hbm>>) dst(%arg13 : memref<80xf32, #tpu.memory_space<vmem>>)
      %dma_wait3A_584 = arith.constant 0 : i32
      %dma_wait3A_585 = tpu.memref_slice %arg5[%dma_wait3A_584] : memref<10000xf32, #tpu.memory_space<hbm>> -> memref<10000xf32, #tpu.memory_space<hbm>>
      tpu.wait_indirect_dma semaphore(%arg30 : memref<!tpu.dma_semaphore, #tpu.memory_space<semaphore_mem>>) src(%dma_wait3A_585 : memref<10000xf32, #tpu.memory_space<hbm>>) dst(%arg14 : memref<80xf32, #tpu.memory_space<vmem>>)
      %dma_wait3A_586 = arith.constant 0 : i32
      %dma_wait3A_587 = tpu.memref_slice %arg2[%dma_wait3A_586] : memref<320000xi32, #tpu.memory_space<hbm>> -> memref<80xi32, #tpu.memory_space<hbm>>
      %dma_wait3A_588 = arith.constant 0 : i32
      %dma_wait3A_589 = tpu.memref_slice %arg2[%dma_wait3A_588] : memref<320000xi32, #tpu.memory_space<hbm>> -> memref<80xi32, #tpu.memory_space<hbm>>
      tpu.wait_dma2 semaphore(%arg29 : memref<!tpu.dma_semaphore, #tpu.memory_space<semaphore_mem>>) src(%dma_wait3A_589 : memref<80xi32, #tpu.memory_space<hbm>>) dst(%arg17 : memref<80xi32, #tpu.memory_space<vmem>>)
      %dma_wait3A_590 = arith.constant 0 : i32
      %dma_wait3A_591 = tpu.memref_slice %arg3[%dma_wait3A_590] : memref<320000xi32, #tpu.memory_space<hbm>> -> memref<80xi32, #tpu.memory_space<hbm>>
      %dma_wait3A_592 = arith.constant 0 : i32
      %dma_wait3A_593 = tpu.memref_slice %arg3[%dma_wait3A_592] : memref<320000xi32, #tpu.memory_space<hbm>> -> memref<80xi32, #tpu.memory_space<hbm>>
      tpu.wait_dma2 semaphore(%arg29 : memref<!tpu.dma_semaphore, #tpu.memory_space<semaphore_mem>>) src(%dma_wait3A_593 : memref<80xi32, #tpu.memory_space<hbm>>) dst(%arg18 : memref<80xi32, #tpu.memory_space<vmem>>)
      %dma_wait3A_594 = arith.constant 0 : i32
      %dma_wait3A_595 = arith.constant 0 : i32
      %dma_wait3A_596 = tpu.memref_slice %arg27[%dma_wait3A_594, %dma_wait3A_595] : memref<10240x128xf32, #tpu.memory_space<vmem_shared>> -> memref<10240x128xf32, #tpu.memory_space<vmem_shared>>
      tpu.wait_indirect_dma semaphore(%arg32 : memref<!tpu.dma_semaphore, #tpu.memory_space<semaphore_mem>>) src(%arg23 : memref<80x128xf32, #tpu.memory_space<vmem>>) dst(%dma_wait3A_596 : memref<10240x128xf32, #tpu.memory_space<vmem_shared>>)
      %dma_start3A_597 = arith.constant 0 : i32
      %dma_start3A_598 = arith.constant 0 : i32
      %dma_start3A_599 = tpu.memref_slice %arg6[%dma_start3A_597, %dma_start3A_598] : memref<10000x128xbf16, #tpu.memory_space<hbm>> -> memref<10000x128xbf16, #tpu.memory_space<hbm>>
      tpu.enqueue_indirect_dma source(%dma_start3A_599 : memref<10000x128xbf16, #tpu.memory_space<hbm>>) target(%arg24 : memref<80x128xbf16, #tpu.memory_space<vmem>>) offsets(%arg17 : memref<80xi32, #tpu.memory_space<vmem>>) semaphore(%arg30 : memref<!tpu.dma_semaphore, #tpu.memory_space<semaphore_mem>>)
      %dma_start3A_600 = arith.constant 0 : i32
      %dma_start3A_601 = tpu.memref_slice %arg4[%dma_start3A_600] : memref<10000xf32, #tpu.memory_space<hbm>> -> memref<10000xf32, #tpu.memory_space<hbm>>
      tpu.enqueue_indirect_dma source(%dma_start3A_601 : memref<10000xf32, #tpu.memory_space<hbm>>) target(%arg21 : memref<80xf32, #tpu.memory_space<vmem>>) offsets(%arg17 : memref<80xi32, #tpu.memory_space<vmem>>) semaphore(%arg30 : memref<!tpu.dma_semaphore, #tpu.memory_space<semaphore_mem>>)
      %dma_start3A_602 = arith.constant 0 : i32
      %dma_start3A_603 = tpu.memref_slice %arg5[%dma_start3A_602] : memref<10000xf32, #tpu.memory_space<hbm>> -> memref<10000xf32, #tpu.memory_space<hbm>>
      tpu.enqueue_indirect_dma source(%dma_start3A_603 : memref<10000xf32, #tpu.memory_space<hbm>>) target(%arg22 : memref<80xf32, #tpu.memory_space<vmem>>) offsets(%arg18 : memref<80xi32, #tpu.memory_space<vmem>>) semaphore(%arg30 : memref<!tpu.dma_semaphore, #tpu.memory_space<semaphore_mem>>)
      %get3A_604 = arith.constant 0 : index
      %get3A_605 = tpu.vector_load %arg13[%get3A_604] {strides = array<i32>} : memref<80xf32, #tpu.memory_space<vmem>>, vector<16xf32>,
      %get3A_606 = arith.constant 0 : index
      %get3A_607 = tpu.vector_load %arg14[%get3A_606] {strides = array<i32>} : memref<80xf32, #tpu.memory_space<vmem>>, vector<16xf32>,
      %add3A_608 = arith.addf %get3A_605, %get3A_607 : vector<16xf32>
      %ge3A_609 = arith.constant 0.000000e+00 : f32
      %ge3A_610 = vector.broadcast %ge3A_609 : f32 to vector<16xf32>
      %ge3A_611 = arith.cmpf oge, %add3A_608, %ge3A_610 : vector<16xf32>
      %mul3A_612 = arith.constant 2.000000e-01 : f32
      %mul3A_613 = vector.broadcast %mul3A_612 : f32 to vector<16xf32>
      %mul3A_614 = arith.mulf %add3A_608, %mul3A_613 : vector<16xf32>
      %select_n3A_615 = arith.select %ge3A_611, %add3A_608, %mul3A_614 : vector<16xi1>, vector<16xf32>
      %exp3A_616 = math.exp %select_n3A_615 : vector<16xf32>
      %swap3A_617 = arith.constant 0 : index
      %swap3A_618 = tpu.vector_load %arg12[%swap3A_617] {strides = array<i32>} : memref<80xf32, #tpu.memory_space<vmem>>, vector<16xf32>,
      tpu.vector_store %arg12[%swap3A_617], %exp3A_616 {strides = array<i32>} : memref<80xf32, #tpu.memory_space<vmem>>, vector<16xf32>,
      %get3A_619 = arith.constant 0 : index
      %get3A_620 = tpu.vector_load %arg10[%get3A_619] {strides = array<i32>} : memref<80xi32, #tpu.memory_space<vmem>>, vector<16xi32>,
      %shift_right_logical3A_621 = arith.constant 4 : i32
      %shift_right_logical3A_622 = vector.broadcast %shift_right_logical3A_621 : i32 to vector<16xi32>
      %shift_right_logical3A_623 = arith.shrui %get3A_620, %shift_right_logical3A_622 : vector<16xi32>
      %and3A_624 = arith.constant 15 : i32
      %and3A_625 = vector.broadcast %and3A_624 : i32 to vector<16xi32>
      %and3A_626 = arith.andi %get3A_620, %and3A_625 : vector<16xi32>
      tpu.vector_store_idx %arg25[%shift_right_logical3A_623, %and3A_626], %exp3A_616 {add = true} : memref<640x16xf32, #tpu.memory_space<vmem>>[vector<16xi32>, vector<16xi32>], vector<16xf32>,
      %get3A_627 = arith.constant 16 : index
      %get3A_628 = tpu.vector_load %arg13[%get3A_627] {strides = array<i32>} : memref<80xf32, #tpu.memory_space<vmem>>, vector<16xf32>,
      %get3A_629 = arith.constant 16 : index
      %get3A_630 = tpu.vector_load %arg14[%get3A_629] {strides = array<i32>} : memref<80xf32, #tpu.memory_space<vmem>>, vector<16xf32>,
      %add3A_631 = arith.addf %get3A_628, %get3A_630 : vector<16xf32>
      %ge3A_632 = arith.constant 0.000000e+00 : f32
      %ge3A_633 = vector.broadcast %ge3A_632 : f32 to vector<16xf32>
      %ge3A_634 = arith.cmpf oge, %add3A_631, %ge3A_633 : vector<16xf32>
      %mul3A_635 = arith.constant 2.000000e-01 : f32
      %mul3A_636 = vector.broadcast %mul3A_635 : f32 to vector<16xf32>
      %mul3A_637 = arith.mulf %add3A_631, %mul3A_636 : vector<16xf32>
      %select_n3A_638 = arith.select %ge3A_634, %add3A_631, %mul3A_637 : vector<16xi1>, vector<16xf32>
      %exp3A_639 = math.exp %select_n3A_638 : vector<16xf32>
      %swap3A_640 = arith.constant 16 : index
      %swap3A_641 = tpu.vector_load %arg12[%swap3A_640] {strides = array<i32>} : memref<80xf32, #tpu.memory_space<vmem>>, vector<16xf32>,
      tpu.vector_store %arg12[%swap3A_640], %exp3A_639 {strides = array<i32>} : memref<80xf32, #tpu.memory_space<vmem>>, vector<16xf32>,
      %get3A_642 = arith.constant 16 : index
      %get3A_643 = tpu.vector_load %arg10[%get3A_642] {strides = array<i32>} : memref<80xi32, #tpu.memory_space<vmem>>, vector<16xi32>,
      %shift_right_logical3A_644 = arith.constant 4 : i32
      %shift_right_logical3A_645 = vector.broadcast %shift_right_logical3A_644 : i32 to vector<16xi32>
      %shift_right_logical3A_646 = arith.shrui %get3A_643, %shift_right_logical3A_645 : vector<16xi32>
      %and3A_647 = arith.constant 15 : i32
      %and3A_648 = vector.broadcast %and3A_647 : i32 to vector<16xi32>
      %and3A_649 = arith.andi %get3A_643, %and3A_648 : vector<16xi32>
      tpu.vector_store_idx %arg25[%shift_right_logical3A_646, %and3A_649], %exp3A_639 {add = true} : memref<640x16xf32, #tpu.memory_space<vmem>>[vector<16xi32>, vector<16xi32>], vector<16xf32>,
      %get3A_650 = arith.constant 32 : index
      %get3A_651 = tpu.vector_load %arg13[%get3A_650] {strides = array<i32>} : memref<80xf32, #tpu.memory_space<vmem>>, vector<16xf32>,
      %get3A_652 = arith.constant 32 : index
      %get3A_653 = tpu.vector_load %arg14[%get3A_652] {strides = array<i32>} : memref<80xf32, #tpu.memory_space<vmem>>, vector<16xf32>,
      %add3A_654 = arith.addf %get3A_651, %get3A_653 : vector<16xf32>
      %ge3A_655 = arith.constant 0.000000e+00 : f32
      %ge3A_656 = vector.broadcast %ge3A_655 : f32 to vector<16xf32>
      %ge3A_657 = arith.cmpf oge, %add3A_654, %ge3A_656 : vector<16xf32>
      %mul3A_658 = arith.constant 2.000000e-01 : f32
      %mul3A_659 = vector.broadcast %mul3A_658 : f32 to vector<16xf32>
      %mul3A_660 = arith.mulf %add3A_654, %mul3A_659 : vector<16xf32>
      %select_n3A_661 = arith.select %ge3A_657, %add3A_654, %mul3A_660 : vector<16xi1>, vector<16xf32>
      %exp3A_662 = math.exp %select_n3A_661 : vector<16xf32>
      %swap3A_663 = arith.constant 32 : index
      %swap3A_664 = tpu.vector_load %arg12[%swap3A_663] {strides = array<i32>} : memref<80xf32, #tpu.memory_space<vmem>>, vector<16xf32>,
      tpu.vector_store %arg12[%swap3A_663], %exp3A_662 {strides = array<i32>} : memref<80xf32, #tpu.memory_space<vmem>>, vector<16xf32>,
      %get3A_665 = arith.constant 32 : index
      %get3A_666 = tpu.vector_load %arg10[%get3A_665] {strides = array<i32>} : memref<80xi32, #tpu.memory_space<vmem>>, vector<16xi32>,
      %shift_right_logical3A_667 = arith.constant 4 : i32
      %shift_right_logical3A_668 = vector.broadcast %shift_right_logical3A_667 : i32 to vector<16xi32>
      %shift_right_logical3A_669 = arith.shrui %get3A_666, %shift_right_logical3A_668 : vector<16xi32>
      %and3A_670 = arith.constant 15 : i32
      %and3A_671 = vector.broadcast %and3A_670 : i32 to vector<16xi32>
      %and3A_672 = arith.andi %get3A_666, %and3A_671 : vector<16xi32>
      tpu.vector_store_idx %arg25[%shift_right_logical3A_669, %and3A_672], %exp3A_662 {add = true} : memref<640x16xf32, #tpu.memory_space<vmem>>[vector<16xi32>, vector<16xi32>], vector<16xf32>,
      %get3A_673 = arith.constant 48 : index
      %get3A_674 = tpu.vector_load %arg13[%get3A_673] {strides = array<i32>} : memref<80xf32, #tpu.memory_space<vmem>>, vector<16xf32>,
      %get3A_675 = arith.constant 48 : index
      %get3A_676 = tpu.vector_load %arg14[%get3A_675] {strides = array<i32>} : memref<80xf32, #tpu.memory_space<vmem>>, vector<16xf32>,
      %add3A_677 = arith.addf %get3A_674, %get3A_676 : vector<16xf32>
      %ge3A_678 = arith.constant 0.000000e+00 : f32
      %ge3A_679 = vector.broadcast %ge3A_678 : f32 to vector<16xf32>
      %ge3A_680 = arith.cmpf oge, %add3A_677, %ge3A_679 : vector<16xf32>
      %mul3A_681 = arith.constant 2.000000e-01 : f32
      %mul3A_682 = vector.broadcast %mul3A_681 : f32 to vector<16xf32>
      %mul3A_683 = arith.mulf %add3A_677, %mul3A_682 : vector<16xf32>
      %select_n3A_684 = arith.select %ge3A_680, %add3A_677, %mul3A_683 : vector<16xi1>, vector<16xf32>
      %exp3A_685 = math.exp %select_n3A_684 : vector<16xf32>
      %swap3A_686 = arith.constant 48 : index
      %swap3A_687 = tpu.vector_load %arg12[%swap3A_686] {strides = array<i32>} : memref<80xf32, #tpu.memory_space<vmem>>, vector<16xf32>,
      tpu.vector_store %arg12[%swap3A_686], %exp3A_685 {strides = array<i32>} : memref<80xf32, #tpu.memory_space<vmem>>, vector<16xf32>,
      %get3A_688 = arith.constant 48 : index
      %get3A_689 = tpu.vector_load %arg10[%get3A_688] {strides = array<i32>} : memref<80xi32, #tpu.memory_space<vmem>>, vector<16xi32>,
      %shift_right_logical3A_690 = arith.constant 4 : i32
      %shift_right_logical3A_691 = vector.broadcast %shift_right_logical3A_690 : i32 to vector<16xi32>
      %shift_right_logical3A_692 = arith.shrui %get3A_689, %shift_right_logical3A_691 : vector<16xi32>
      %and3A_693 = arith.constant 15 : i32
      %and3A_694 = vector.broadcast %and3A_693 : i32 to vector<16xi32>
      %and3A_695 = arith.andi %get3A_689, %and3A_694 : vector<16xi32>
      tpu.vector_store_idx %arg25[%shift_right_logical3A_692, %and3A_695], %exp3A_685 {add = true} : memref<640x16xf32, #tpu.memory_space<vmem>>[vector<16xi32>, vector<16xi32>], vector<16xf32>,
      %get3A_696 = arith.constant 64 : index
      %get3A_697 = tpu.vector_load %arg13[%get3A_696] {strides = array<i32>} : memref<80xf32, #tpu.memory_space<vmem>>, vector<16xf32>,
      %get3A_698 = arith.constant 64 : index
      %get3A_699 = tpu.vector_load %arg14[%get3A_698] {strides = array<i32>} : memref<80xf32, #tpu.memory_space<vmem>>, vector<16xf32>,
      %add3A_700 = arith.addf %get3A_697, %get3A_699 : vector<16xf32>
      %ge3A_701 = arith.constant 0.000000e+00 : f32
      %ge3A_702 = vector.broadcast %ge3A_701 : f32 to vector<16xf32>
      %ge3A_703 = arith.cmpf oge, %add3A_700, %ge3A_702 : vector<16xf32>
      %mul3A_704 = arith.constant 2.000000e-01 : f32
      %mul3A_705 = vector.broadcast %mul3A_704 : f32 to vector<16xf32>
      %mul3A_706 = arith.mulf %add3A_700, %mul3A_705 : vector<16xf32>
      %select_n3A_707 = arith.select %ge3A_703, %add3A_700, %mul3A_706 : vector<16xi1>, vector<16xf32>
      %exp3A_708 = math.exp %select_n3A_707 : vector<16xf32>
      %swap3A_709 = arith.constant 64 : index
      %swap3A_710 = tpu.vector_load %arg12[%swap3A_709] {strides = array<i32>} : memref<80xf32, #tpu.memory_space<vmem>>, vector<16xf32>,
      tpu.vector_store %arg12[%swap3A_709], %exp3A_708 {strides = array<i32>} : memref<80xf32, #tpu.memory_space<vmem>>, vector<16xf32>,
      %get3A_711 = arith.constant 64 : index
      %get3A_712 = tpu.vector_load %arg10[%get3A_711] {strides = array<i32>} : memref<80xi32, #tpu.memory_space<vmem>>, vector<16xi32>,
      %shift_right_logical3A_713 = arith.constant 4 : i32
      %shift_right_logical3A_714 = vector.broadcast %shift_right_logical3A_713 : i32 to vector<16xi32>
      %shift_right_logical3A_715 = arith.shrui %get3A_712, %shift_right_logical3A_714 : vector<16xi32>
      %and3A_716 = arith.constant 15 : i32
      %and3A_717 = vector.broadcast %and3A_716 : i32 to vector<16xi32>
      %and3A_718 = arith.andi %get3A_712, %and3A_717 : vector<16xi32>
      tpu.vector_store_idx %arg25[%shift_right_logical3A_715, %and3A_718], %exp3A_708 {add = true} : memref<640x16xf32, #tpu.memory_space<vmem>>[vector<16xi32>, vector<16xi32>], vector<16xf32>,
      %parallel_loop3A_719 = arith.constant 0 : i32
      %parallel_loop3A_720 = arith.constant 80 : i32
      %parallel_loop3A_721 = arith.constant 1 : i32
      scf.for %parallel_loop3A_941 = %parallel_loop3A_719 to %parallel_loop3A_720 step %parallel_loop3A_721  : i32 {
        %parallel_loop3A_942 = arith.constant 0 : i32
        %parallel_loop3A_943 = vector.broadcast %parallel_loop3A_942 : i32 to vector<16xi32>
        %parallel_loop3A_944 = vector.broadcast %parallel_loop3A_941 : i32 to vector<16xi32>
        %parallel_loop3A_945 = arith.addi %parallel_loop3A_943, %parallel_loop3A_944 : vector<16xi32>
        %parallel_loop3A_946 = tpu.vector_load_idx %arg12[%parallel_loop3A_945] : memref<80xf32, #tpu.memory_space<vmem>>[vector<16xi32>], vector<16xf32>,
        %parallel_loop3A_947 = arith.index_cast %parallel_loop3A_941 : i32 to index
        %parallel_loop3A_948 = arith.constant 0 : index
        %parallel_loop3A_949 = tpu.vector_load %arg16[%parallel_loop3A_947, %parallel_loop3A_948] {strides = array<i32>} : memref<80x128xbf16, #tpu.memory_space<vmem>>, vector<32xbf16>,
        %parallel_loop3A_950 = tpu.unpack_subelements %parallel_loop3A_949, 0 {pack_format = #tpu.pack_format<interleaved>} : vector<32xbf16> -> vector<16xf32>
        %parallel_loop3A_951 = tpu.unpack_subelements %parallel_loop3A_949, 1 {pack_format = #tpu.pack_format<interleaved>} : vector<32xbf16> -> vector<16xf32>
        %parallel_loop3A_952 = arith.mulf %parallel_loop3A_950, %parallel_loop3A_946 : vector<16xf32>
        %parallel_loop3A_953 = arith.index_cast %parallel_loop3A_941 : i32 to index
        %parallel_loop3A_954 = arith.constant 0 : index
        %parallel_loop3A_955 = tpu.vector_load %arg15[%parallel_loop3A_953, %parallel_loop3A_954] {strides = array<i32>} : memref<80x128xf32, #tpu.memory_space<vmem>>, vector<16xf32>,
        tpu.vector_store %arg15[%parallel_loop3A_953, %parallel_loop3A_954], %parallel_loop3A_952 {strides = array<i32>} : memref<80x128xf32, #tpu.memory_space<vmem>>, vector<16xf32>,
        %parallel_loop3A_956 = arith.mulf %parallel_loop3A_951, %parallel_loop3A_946 : vector<16xf32>
        %parallel_loop3A_957 = arith.index_cast %parallel_loop3A_941 : i32 to index
        %parallel_loop3A_958 = arith.constant 16 : index
        %parallel_loop3A_959 = tpu.vector_load %arg15[%parallel_loop3A_957, %parallel_loop3A_958] {strides = array<i32>} : memref<80x128xf32, #tpu.memory_space<vmem>>, vector<16xf32>,
        tpu.vector_store %arg15[%parallel_loop3A_957, %parallel_loop3A_958], %parallel_loop3A_956 {strides = array<i32>} : memref<80x128xf32, #tpu.memory_space<vmem>>, vector<16xf32>,
        %parallel_loop3A_960 = arith.index_cast %parallel_loop3A_941 : i32 to index
        %parallel_loop3A_961 = arith.constant 32 : index
        %parallel_loop3A_962 = tpu.vector_load %arg16[%parallel_loop3A_960, %parallel_loop3A_961] {strides = array<i32>} : memref<80x128xbf16, #tpu.memory_space<vmem>>, vector<32xbf16>,
        %parallel_loop3A_963 = tpu.unpack_subelements %parallel_loop3A_962, 0 {pack_format = #tpu.pack_format<interleaved>} : vector<32xbf16> -> vector<16xf32>
        %parallel_loop3A_964 = tpu.unpack_subelements %parallel_loop3A_962, 1 {pack_format = #tpu.pack_format<interleaved>} : vector<32xbf16> -> vector<16xf32>
        %parallel_loop3A_965 = arith.mulf %parallel_loop3A_963, %parallel_loop3A_946 : vector<16xf32>
        %parallel_loop3A_966 = arith.index_cast %parallel_loop3A_941 : i32 to index
        %parallel_loop3A_967 = arith.constant 32 : index
        %parallel_loop3A_968 = tpu.vector_load %arg15[%parallel_loop3A_966, %parallel_loop3A_967] {strides = array<i32>} : memref<80x128xf32, #tpu.memory_space<vmem>>, vector<16xf32>,
        tpu.vector_store %arg15[%parallel_loop3A_966, %parallel_loop3A_967], %parallel_loop3A_965 {strides = array<i32>} : memref<80x128xf32, #tpu.memory_space<vmem>>, vector<16xf32>,
        %parallel_loop3A_969 = arith.mulf %parallel_loop3A_964, %parallel_loop3A_946 : vector<16xf32>
        %parallel_loop3A_970 = arith.index_cast %parallel_loop3A_941 : i32 to index
        %parallel_loop3A_971 = arith.constant 48 : index
        %parallel_loop3A_972 = tpu.vector_load %arg15[%parallel_loop3A_970, %parallel_loop3A_971] {strides = array<i32>} : memref<80x128xf32, #tpu.memory_space<vmem>>, vector<16xf32>,
        tpu.vector_store %arg15[%parallel_loop3A_970, %parallel_loop3A_971], %parallel_loop3A_969 {strides = array<i32>} : memref<80x128xf32, #tpu.memory_space<vmem>>, vector<16xf32>,
        %parallel_loop3A_973 = arith.index_cast %parallel_loop3A_941 : i32 to index
        %parallel_loop3A_974 = arith.constant 64 : index
        %parallel_loop3A_975 = tpu.vector_load %arg16[%parallel_loop3A_973, %parallel_loop3A_974] {strides = array<i32>} : memref<80x128xbf16, #tpu.memory_space<vmem>>, vector<32xbf16>,
        %parallel_loop3A_976 = tpu.unpack_subelements %parallel_loop3A_975, 0 {pack_format = #tpu.pack_format<interleaved>} : vector<32xbf16> -> vector<16xf32>
        %parallel_loop3A_977 = tpu.unpack_subelements %parallel_loop3A_975, 1 {pack_format = #tpu.pack_format<interleaved>} : vector<32xbf16> -> vector<16xf32>
        %parallel_loop3A_978 = arith.mulf %parallel_loop3A_976, %parallel_loop3A_946 : vector<16xf32>
        %parallel_loop3A_979 = arith.index_cast %parallel_loop3A_941 : i32 to index
        %parallel_loop3A_980 = arith.constant 64 : index
        %parallel_loop3A_981 = tpu.vector_load %arg15[%parallel_loop3A_979, %parallel_loop3A_980] {strides = array<i32>} : memref<80x128xf32, #tpu.memory_space<vmem>>, vector<16xf32>,
        tpu.vector_store %arg15[%parallel_loop3A_979, %parallel_loop3A_980], %parallel_loop3A_978 {strides = array<i32>} : memref<80x128xf32, #tpu.memory_space<vmem>>, vector<16xf32>,
        %parallel_loop3A_982 = arith.mulf %parallel_loop3A_977, %parallel_loop3A_946 : vector<16xf32>
        %parallel_loop3A_983 = arith.index_cast %parallel_loop3A_941 : i32 to index
        %parallel_loop3A_984 = arith.constant 80 : index
        %parallel_loop3A_985 = tpu.vector_load %arg15[%parallel_loop3A_983, %parallel_loop3A_984] {strides = array<i32>} : memref<80x128xf32, #tpu.memory_space<vmem>>, vector<16xf32>,
        tpu.vector_store %arg15[%parallel_loop3A_983, %parallel_loop3A_984], %parallel_loop3A_982 {strides = array<i32>} : memref<80x128xf32, #tpu.memory_space<vmem>>, vector<16xf32>,
        %parallel_loop3A_986 = arith.index_cast %parallel_loop3A_941 : i32 to index
        %parallel_loop3A_987 = arith.constant 96 : index
        %parallel_loop3A_988 = tpu.vector_load %arg16[%parallel_loop3A_986, %parallel_loop3A_987] {strides = array<i32>} : memref<80x128xbf16, #tpu.memory_space<vmem>>, vector<32xbf16>,
        %parallel_loop3A_989 = tpu.unpack_subelements %parallel_loop3A_988, 0 {pack_format = #tpu.pack_format<interleaved>} : vector<32xbf16> -> vector<16xf32>
        %parallel_loop3A_990 = tpu.unpack_subelements %parallel_loop3A_988, 1 {pack_format = #tpu.pack_format<interleaved>} : vector<32xbf16> -> vector<16xf32>
        %parallel_loop3A_991 = arith.mulf %parallel_loop3A_989, %parallel_loop3A_946 : vector<16xf32>
        %parallel_loop3A_992 = arith.index_cast %parallel_loop3A_941 : i32 to index
        %parallel_loop3A_993 = arith.constant 96 : index
        %parallel_loop3A_994 = tpu.vector_load %arg15[%parallel_loop3A_992, %parallel_loop3A_993] {strides = array<i32>} : memref<80x128xf32, #tpu.memory_space<vmem>>, vector<16xf32>,
        tpu.vector_store %arg15[%parallel_loop3A_992, %parallel_loop3A_993], %parallel_loop3A_991 {strides = array<i32>} : memref<80x128xf32, #tpu.memory_space<vmem>>, vector<16xf32>,
        %parallel_loop3A_995 = arith.mulf %parallel_loop3A_990, %parallel_loop3A_946 : vector<16xf32>
        %parallel_loop3A_996 = arith.index_cast %parallel_loop3A_941 : i32 to index
        %parallel_loop3A_997 = arith.constant 112 : index
        %parallel_loop3A_998 = tpu.vector_load %arg15[%parallel_loop3A_996, %parallel_loop3A_997] {strides = array<i32>} : memref<80x128xf32, #tpu.memory_space<vmem>>, vector<16xf32>,
        tpu.vector_store %arg15[%parallel_loop3A_996, %parallel_loop3A_997], %parallel_loop3A_995 {strides = array<i32>} : memref<80x128xf32, #tpu.memory_space<vmem>>, vector<16xf32>,
      } {sc.loop_unroll_factor = 4 : i64, sc.parallel_access}
      %get3A_722 = arith.constant 0 : index
      %get3A_723 = tpu.vector_load %arg10[%get3A_722] {strides = array<i32>} : memref<80xi32, #tpu.memory_space<vmem>>, vector<16xi32>,
      %swap3A_724 = arith.constant 0 : index
      %swap3A_725 = tpu.vector_load %arg11[%swap3A_724] {strides = array<i32>} : memref<80xi32, #tpu.memory_space<vmem>>, vector<16xi32>,
      tpu.vector_store %arg11[%swap3A_724], %get3A_723 {strides = array<i32>} : memref<80xi32, #tpu.memory_space<vmem>>, vector<16xi32>,
      %get3A_726 = arith.constant 16 : index
      %get3A_727 = tpu.vector_load %arg10[%get3A_726] {strides = array<i32>} : memref<80xi32, #tpu.memory_space<vmem>>, vector<16xi32>,
      %swap3A_728 = arith.constant 16 : index
      %swap3A_729 = tpu.vector_load %arg11[%swap3A_728] {strides = array<i32>} : memref<80xi32, #tpu.memory_space<vmem>>, vector<16xi32>,
      tpu.vector_store %arg11[%swap3A_728], %get3A_727 {strides = array<i32>} : memref<80xi32, #tpu.memory_space<vmem>>, vector<16xi32>,
      %get3A_730 = arith.constant 32 : index
      %get3A_731 = tpu.vector_load %arg10[%get3A_730] {strides = array<i32>} : memref<80xi32, #tpu.memory_space<vmem>>, vector<16xi32>,
      %swap3A_732 = arith.constant 32 : index
      %swap3A_733 = tpu.vector_load %arg11[%swap3A_732] {strides = array<i32>} : memref<80xi32, #tpu.memory_space<vmem>>, vector<16xi32>,
      tpu.vector_store %arg11[%swap3A_732], %get3A_731 {strides = array<i32>} : memref<80xi32, #tpu.memory_space<vmem>>, vector<16xi32>,
      %get3A_734 = arith.constant 48 : index
      %get3A_735 = tpu.vector_load %arg10[%get3A_734] {strides = array<i32>} : memref<80xi32, #tpu.memory_space<vmem>>, vector<16xi32>,
      %swap3A_736 = arith.constant 48 : index
      %swap3A_737 = tpu.vector_load %arg11[%swap3A_736] {strides = array<i32>} : memref<80xi32, #tpu.memory_space<vmem>>, vector<16xi32>,
      tpu.vector_store %arg11[%swap3A_736], %get3A_735 {strides = array<i32>} : memref<80xi32, #tpu.memory_space<vmem>>, vector<16xi32>,
      %get3A_738 = arith.constant 64 : index
      %get3A_739 = tpu.vector_load %arg10[%get3A_738] {strides = array<i32>} : memref<80xi32, #tpu.memory_space<vmem>>, vector<16xi32>,
      %swap3A_740 = arith.constant 64 : index
      %swap3A_741 = tpu.vector_load %arg11[%swap3A_740] {strides = array<i32>} : memref<80xi32, #tpu.memory_space<vmem>>, vector<16xi32>,
      tpu.vector_store %arg11[%swap3A_740], %get3A_739 {strides = array<i32>} : memref<80xi32, #tpu.memory_space<vmem>>, vector<16xi32>,
      %dma_start3A_742 = arith.constant 0 : i32
      %dma_start3A_743 = arith.constant 0 : i32
      %dma_start3A_744 = tpu.memref_slice %arg27[%dma_start3A_742, %dma_start3A_743] : memref<10240x128xf32, #tpu.memory_space<vmem_shared>> -> memref<10240x128xf32, #tpu.memory_space<vmem_shared>>
      tpu.enqueue_indirect_dma source(%arg15 : memref<80x128xf32, #tpu.memory_space<vmem>>) target(%dma_start3A_744 : memref<10240x128xf32, #tpu.memory_space<vmem_shared>>) offsets(%arg11 : memref<80xi32, #tpu.memory_space<vmem>>) semaphore(%arg31 : memref<!tpu.dma_semaphore, #tpu.memory_space<semaphore_mem>>) {add = true}
      %add3A_745 = arith.constant 2 : i32
      %add3A_746 = arith.addi %mul3A_578, %add3A_745 : i32
      %mul3A_747 = arith.constant 10000 : i32
      %mul3A_748 = arith.muli %add3A, %mul3A_747 : i32
      %mul3A_749 = arith.constant 80 : i32
      %mul3A_750 = arith.muli %add3A_746, %mul3A_749 : i32
      %add3A_751 = arith.addi %mul3A_748, %mul3A_750 : i32
      %min3A_752 = arith.constant 319920 : i32
      %min3A_753 = arith.minsi %add3A_751, %min3A_752 : i32
      %dma_start3A_754 = tpu.memref_slice %arg2[%min3A_753] : memref<320000xi32, #tpu.memory_space<hbm>> -> memref<80xi32, #tpu.memory_space<hbm>>
      %dma_start3A_755 = tpu.memref_slice %arg2[%min3A_753] : memref<320000xi32, #tpu.memory_space<hbm>> -> memref<80xi32, #tpu.memory_space<hbm>>
      tpu.enqueue_dma source(%dma_start3A_755 : memref<80xi32, #tpu.memory_space<hbm>>) target(%arg9 : memref<80xi32, #tpu.memory_space<vmem>>) target_semaphore(%arg29 : memref<!tpu.dma_semaphore, #tpu.memory_space<semaphore_mem>>)
      %dma_start3A_756 = tpu.memref_slice %arg3[%min3A_753] : memref<320000xi32, #tpu.memory_space<hbm>> -> memref<80xi32, #tpu.memory_space<hbm>>
      %dma_start3A_757 = tpu.memref_slice %arg3[%min3A_753] : memref<320000xi32, #tpu.memory_space<hbm>> -> memref<80xi32, #tpu.memory_space<hbm>>
      tpu.enqueue_dma source(%dma_start3A_757 : memref<80xi32, #tpu.memory_space<hbm>>) target(%arg10 : memref<80xi32, #tpu.memory_space<vmem>>) target_semaphore(%arg29 : memref<!tpu.dma_semaphore, #tpu.memory_space<semaphore_mem>>)
      %mul3A_758 = arith.constant 2 : i32
      %mul3A_759 = arith.muli %mul3A_758, %scan3A_576 : i32
      %add3A_760 = arith.constant 1 : i32
      %add3A_761 = arith.addi %mul3A_759, %add3A_760 : i32
      %dma_wait3A_762 = arith.constant 0 : i32
      %dma_wait3A_763 = arith.constant 0 : i32
      %dma_wait3A_764 = tpu.memref_slice %arg6[%dma_wait3A_762, %dma_wait3A_763] : memref<10000x128xbf16, #tpu.memory_space<hbm>> -> memref<10000x128xbf16, #tpu.memory_space<hbm>>
      tpu.wait_indirect_dma semaphore(%arg30 : memref<!tpu.dma_semaphore, #tpu.memory_space<semaphore_mem>>) src(%dma_wait3A_764 : memref<10000x128xbf16, #tpu.memory_space<hbm>>) dst(%arg24 : memref<80x128xbf16, #tpu.memory_space<vmem>>)
      %dma_wait3A_765 = arith.constant 0 : i32
      %dma_wait3A_766 = tpu.memref_slice %arg4[%dma_wait3A_765] : memref<10000xf32, #tpu.memory_space<hbm>> -> memref<10000xf32, #tpu.memory_space<hbm>>
      tpu.wait_indirect_dma semaphore(%arg30 : memref<!tpu.dma_semaphore, #tpu.memory_space<semaphore_mem>>) src(%dma_wait3A_766 : memref<10000xf32, #tpu.memory_space<hbm>>) dst(%arg21 : memref<80xf32, #tpu.memory_space<vmem>>)
      %dma_wait3A_767 = arith.constant 0 : i32
      %dma_wait3A_768 = tpu.memref_slice %arg5[%dma_wait3A_767] : memref<10000xf32, #tpu.memory_space<hbm>> -> memref<10000xf32, #tpu.memory_space<hbm>>
      tpu.wait_indirect_dma semaphore(%arg30 : memref<!tpu.dma_semaphore, #tpu.memory_space<semaphore_mem>>) src(%dma_wait3A_768 : memref<10000xf32, #tpu.memory_space<hbm>>) dst(%arg22 : memref<80xf32, #tpu.memory_space<vmem>>)
      %dma_wait3A_769 = arith.constant 0 : i32
      %dma_wait3A_770 = tpu.memref_slice %arg2[%dma_wait3A_769] : memref<320000xi32, #tpu.memory_space<hbm>> -> memref<80xi32, #tpu.memory_space<hbm>>
      %dma_wait3A_771 = arith.constant 0 : i32
      %dma_wait3A_772 = tpu.memref_slice %arg2[%dma_wait3A_771] : memref<320000xi32, #tpu.memory_space<hbm>> -> memref<80xi32, #tpu.memory_space<hbm>>
      tpu.wait_dma2 semaphore(%arg29 : memref<!tpu.dma_semaphore, #tpu.memory_space<semaphore_mem>>) src(%dma_wait3A_772 : memref<80xi32, #tpu.memory_space<hbm>>) dst(%arg9 : memref<80xi32, #tpu.memory_space<vmem>>)
      %dma_wait3A_773 = arith.constant 0 : i32
      %dma_wait3A_774 = tpu.memref_slice %arg3[%dma_wait3A_773] : memref<320000xi32, #tpu.memory_space<hbm>> -> memref<80xi32, #tpu.memory_space<hbm>>
      %dma_wait3A_775 = arith.constant 0 : i32
      %dma_wait3A_776 = tpu.memref_slice %arg3[%dma_wait3A_775] : memref<320000xi32, #tpu.memory_space<hbm>> -> memref<80xi32, #tpu.memory_space<hbm>>
      tpu.wait_dma2 semaphore(%arg29 : memref<!tpu.dma_semaphore, #tpu.memory_space<semaphore_mem>>) src(%dma_wait3A_776 : memref<80xi32, #tpu.memory_space<hbm>>) dst(%arg10 : memref<80xi32, #tpu.memory_space<vmem>>)
      %dma_wait3A_777 = arith.constant 0 : i32
      %dma_wait3A_778 = arith.constant 0 : i32
      %dma_wait3A_779 = tpu.memref_slice %arg27[%dma_wait3A_777, %dma_wait3A_778] : memref<10240x128xf32, #tpu.memory_space<vmem_shared>> -> memref<10240x128xf32, #tpu.memory_space<vmem_shared>>
      tpu.wait_indirect_dma semaphore(%arg31 : memref<!tpu.dma_semaphore, #tpu.memory_space<semaphore_mem>>) src(%arg15 : memref<80x128xf32, #tpu.memory_space<vmem>>) dst(%dma_wait3A_779 : memref<10240x128xf32, #tpu.memory_space<vmem_shared>>)
      %dma_start3A_780 = arith.constant 0 : i32
      %dma_start3A_781 = arith.constant 0 : i32
      %dma_start3A_782 = tpu.memref_slice %arg6[%dma_start3A_780, %dma_start3A_781] : memref<10000x128xbf16, #tpu.memory_space<hbm>> -> memref<10000x128xbf16, #tpu.memory_space<hbm>>
      tpu.enqueue_indirect_dma source(%dma_start3A_782 : memref<10000x128xbf16, #tpu.memory_space<hbm>>) target(%arg16 : memref<80x128xbf16, #tpu.memory_space<vmem>>) offsets(%arg9 : memref<80xi32, #tpu.memory_space<vmem>>) semaphore(%arg30 : memref<!tpu.dma_semaphore, #tpu.memory_space<semaphore_mem>>)
      %dma_start3A_783 = arith.constant 0 : i32
      %dma_start3A_784 = tpu.memref_slice %arg4[%dma_start3A_783] : memref<10000xf32, #tpu.memory_space<hbm>> -> memref<10000xf32, #tpu.memory_space<hbm>>
      tpu.enqueue_indirect_dma source(%dma_start3A_784 : memref<10000xf32, #tpu.memory_space<hbm>>) target(%arg13 : memref<80xf32, #tpu.memory_space<vmem>>) offsets(%arg9 : memref<80xi32, #tpu.memory_space<vmem>>) semaphore(%arg30 : memref<!tpu.dma_semaphore, #tpu.memory_space<semaphore_mem>>)
      %dma_start3A_785 = arith.constant 0 : i32
      %dma_start3A_786 = tpu.memref_slice %arg5[%dma_start3A_785] : memref<10000xf32, #tpu.memory_space<hbm>> -> memref<10000xf32, #tpu.memory_space<hbm>>
      tpu.enqueue_indirect_dma source(%dma_start3A_786 : memref<10000xf32, #tpu.memory_space<hbm>>) target(%arg14 : memref<80xf32, #tpu.memory_space<vmem>>) offsets(%arg10 : memref<80xi32, #tpu.memory_space<vmem>>) semaphore(%arg30 : memref<!tpu.dma_semaphore, #tpu.memory_space<semaphore_mem>>)
      %get3A_787 = arith.constant 0 : index
      %get3A_788 = tpu.vector_load %arg21[%get3A_787] {strides = array<i32>} : memref<80xf32, #tpu.memory_space<vmem>>, vector<16xf32>,
      %get3A_789 = arith.constant 0 : index
      %get3A_790 = tpu.vector_load %arg22[%get3A_789] {strides = array<i32>} : memref<80xf32, #tpu.memory_space<vmem>>, vector<16xf32>,
      %add3A_791 = arith.addf %get3A_788, %get3A_790 : vector<16xf32>
      %ge3A_792 = arith.constant 0.000000e+00 : f32
      %ge3A_793 = vector.broadcast %ge3A_792 : f32 to vector<16xf32>
      %ge3A_794 = arith.cmpf oge, %add3A_791, %ge3A_793 : vector<16xf32>
      %mul3A_795 = arith.constant 2.000000e-01 : f32
      %mul3A_796 = vector.broadcast %mul3A_795 : f32 to vector<16xf32>
      %mul3A_797 = arith.mulf %add3A_791, %mul3A_796 : vector<16xf32>
      %select_n3A_798 = arith.select %ge3A_794, %add3A_791, %mul3A_797 : vector<16xi1>, vector<16xf32>
      %exp3A_799 = math.exp %select_n3A_798 : vector<16xf32>
      %swap3A_800 = arith.constant 0 : index
      %swap3A_801 = tpu.vector_load %arg20[%swap3A_800] {strides = array<i32>} : memref<80xf32, #tpu.memory_space<vmem>>, vector<16xf32>,
      tpu.vector_store %arg20[%swap3A_800], %exp3A_799 {strides = array<i32>} : memref<80xf32, #tpu.memory_space<vmem>>, vector<16xf32>,
      %get3A_802 = arith.constant 0 : index
      %get3A_803 = tpu.vector_load %arg18[%get3A_802] {strides = array<i32>} : memref<80xi32, #tpu.memory_space<vmem>>, vector<16xi32>,
      %shift_right_logical3A_804 = arith.constant 4 : i32
      %shift_right_logical3A_805 = vector.broadcast %shift_right_logical3A_804 : i32 to vector<16xi32>
      %shift_right_logical3A_806 = arith.shrui %get3A_803, %shift_right_logical3A_805 : vector<16xi32>
      %and3A_807 = arith.constant 15 : i32
      %and3A_808 = vector.broadcast %and3A_807 : i32 to vector<16xi32>
      %and3A_809 = arith.andi %get3A_803, %and3A_808 : vector<16xi32>
      tpu.vector_store_idx %arg25[%shift_right_logical3A_806, %and3A_809], %exp3A_799 {add = true} : memref<640x16xf32, #tpu.memory_space<vmem>>[vector<16xi32>, vector<16xi32>], vector<16xf32>,
      %get3A_810 = arith.constant 16 : index
      %get3A_811 = tpu.vector_load %arg21[%get3A_810] {strides = array<i32>} : memref<80xf32, #tpu.memory_space<vmem>>, vector<16xf32>,
      %get3A_812 = arith.constant 16 : index
      %get3A_813 = tpu.vector_load %arg22[%get3A_812] {strides = array<i32>} : memref<80xf32, #tpu.memory_space<vmem>>, vector<16xf32>,
      %add3A_814 = arith.addf %get3A_811, %get3A_813 : vector<16xf32>
      %ge3A_815 = arith.constant 0.000000e+00 : f32
      %ge3A_816 = vector.broadcast %ge3A_815 : f32 to vector<16xf32>
      %ge3A_817 = arith.cmpf oge, %add3A_814, %ge3A_816 : vector<16xf32>
      %mul3A_818 = arith.constant 2.000000e-01 : f32
      %mul3A_819 = vector.broadcast %mul3A_818 : f32 to vector<16xf32>
      %mul3A_820 = arith.mulf %add3A_814, %mul3A_819 : vector<16xf32>
      %select_n3A_821 = arith.select %ge3A_817, %add3A_814, %mul3A_820 : vector<16xi1>, vector<16xf32>
      %exp3A_822 = math.exp %select_n3A_821 : vector<16xf32>
      %swap3A_823 = arith.constant 16 : index
      %swap3A_824 = tpu.vector_load %arg20[%swap3A_823] {strides = array<i32>} : memref<80xf32, #tpu.memory_space<vmem>>, vector<16xf32>,
      tpu.vector_store %arg20[%swap3A_823], %exp3A_822 {strides = array<i32>} : memref<80xf32, #tpu.memory_space<vmem>>, vector<16xf32>,
      %get3A_825 = arith.constant 16 : index
      %get3A_826 = tpu.vector_load %arg18[%get3A_825] {strides = array<i32>} : memref<80xi32, #tpu.memory_space<vmem>>, vector<16xi32>,
      %shift_right_logical3A_827 = arith.constant 4 : i32
      %shift_right_logical3A_828 = vector.broadcast %shift_right_logical3A_827 : i32 to vector<16xi32>
      %shift_right_logical3A_829 = arith.shrui %get3A_826, %shift_right_logical3A_828 : vector<16xi32>
      %and3A_830 = arith.constant 15 : i32
      %and3A_831 = vector.broadcast %and3A_830 : i32 to vector<16xi32>
      %and3A_832 = arith.andi %get3A_826, %and3A_831 : vector<16xi32>
      tpu.vector_store_idx %arg25[%shift_right_logical3A_829, %and3A_832], %exp3A_822 {add = true} : memref<640x16xf32, #tpu.memory_space<vmem>>[vector<16xi32>, vector<16xi32>], vector<16xf32>,
      %get3A_833 = arith.constant 32 : index
      %get3A_834 = tpu.vector_load %arg21[%get3A_833] {strides = array<i32>} : memref<80xf32, #tpu.memory_space<vmem>>, vector<16xf32>,
      %get3A_835 = arith.constant 32 : index
      %get3A_836 = tpu.vector_load %arg22[%get3A_835] {strides = array<i32>} : memref<80xf32, #tpu.memory_space<vmem>>, vector<16xf32>,
      %add3A_837 = arith.addf %get3A_834, %get3A_836 : vector<16xf32>
      %ge3A_838 = arith.constant 0.000000e+00 : f32
      %ge3A_839 = vector.broadcast %ge3A_838 : f32 to vector<16xf32>
      %ge3A_840 = arith.cmpf oge, %add3A_837, %ge3A_839 : vector<16xf32>
      %mul3A_841 = arith.constant 2.000000e-01 : f32
      %mul3A_842 = vector.broadcast %mul3A_841 : f32 to vector<16xf32>
      %mul3A_843 = arith.mulf %add3A_837, %mul3A_842 : vector<16xf32>
      %select_n3A_844 = arith.select %ge3A_840, %add3A_837, %mul3A_843 : vector<16xi1>, vector<16xf32>
      %exp3A_845 = math.exp %select_n3A_844 : vector<16xf32>
      %swap3A_846 = arith.constant 32 : index
      %swap3A_847 = tpu.vector_load %arg20[%swap3A_846] {strides = array<i32>} : memref<80xf32, #tpu.memory_space<vmem>>, vector<16xf32>,
      tpu.vector_store %arg20[%swap3A_846], %exp3A_845 {strides = array<i32>} : memref<80xf32, #tpu.memory_space<vmem>>, vector<16xf32>,
      %get3A_848 = arith.constant 32 : index
      %get3A_849 = tpu.vector_load %arg18[%get3A_848] {strides = array<i32>} : memref<80xi32, #tpu.memory_space<vmem>>, vector<16xi32>,
      %shift_right_logical3A_850 = arith.constant 4 : i32
      %shift_right_logical3A_851 = vector.broadcast %shift_right_logical3A_850 : i32 to vector<16xi32>
      %shift_right_logical3A_852 = arith.shrui %get3A_849, %shift_right_logical3A_851 : vector<16xi32>
      %and3A_853 = arith.constant 15 : i32
      %and3A_854 = vector.broadcast %and3A_853 : i32 to vector<16xi32>
      %and3A_855 = arith.andi %get3A_849, %and3A_854 : vector<16xi32>
      tpu.vector_store_idx %arg25[%shift_right_logical3A_852, %and3A_855], %exp3A_845 {add = true} : memref<640x16xf32, #tpu.memory_space<vmem>>[vector<16xi32>, vector<16xi32>], vector<16xf32>,
      %get3A_856 = arith.constant 48 : index
      %get3A_857 = tpu.vector_load %arg21[%get3A_856] {strides = array<i32>} : memref<80xf32, #tpu.memory_space<vmem>>, vector<16xf32>,
      %get3A_858 = arith.constant 48 : index
      %get3A_859 = tpu.vector_load %arg22[%get3A_858] {strides = array<i32>} : memref<80xf32, #tpu.memory_space<vmem>>, vector<16xf32>,
      %add3A_860 = arith.addf %get3A_857, %get3A_859 : vector<16xf32>
      %ge3A_861 = arith.constant 0.000000e+00 : f32
      %ge3A_862 = vector.broadcast %ge3A_861 : f32 to vector<16xf32>
      %ge3A_863 = arith.cmpf oge, %add3A_860, %ge3A_862 : vector<16xf32>
      %mul3A_864 = arith.constant 2.000000e-01 : f32
      %mul3A_865 = vector.broadcast %mul3A_864 : f32 to vector<16xf32>
      %mul3A_866 = arith.mulf %add3A_860, %mul3A_865 : vector<16xf32>
      %select_n3A_867 = arith.select %ge3A_863, %add3A_860, %mul3A_866 : vector<16xi1>, vector<16xf32>
      %exp3A_868 = math.exp %select_n3A_867 : vector<16xf32>
      %swap3A_869 = arith.constant 48 : index
      %swap3A_870 = tpu.vector_load %arg20[%swap3A_869] {strides = array<i32>} : memref<80xf32, #tpu.memory_space<vmem>>, vector<16xf32>,
      tpu.vector_store %arg20[%swap3A_869], %exp3A_868 {strides = array<i32>} : memref<80xf32, #tpu.memory_space<vmem>>, vector<16xf32>,
      %get3A_871 = arith.constant 48 : index
      %get3A_872 = tpu.vector_load %arg18[%get3A_871] {strides = array<i32>} : memref<80xi32, #tpu.memory_space<vmem>>, vector<16xi32>,
      %shift_right_logical3A_873 = arith.constant 4 : i32
      %shift_right_logical3A_874 = vector.broadcast %shift_right_logical3A_873 : i32 to vector<16xi32>
      %shift_right_logical3A_875 = arith.shrui %get3A_872, %shift_right_logical3A_874 : vector<16xi32>
      %and3A_876 = arith.constant 15 : i32
      %and3A_877 = vector.broadcast %and3A_876 : i32 to vector<16xi32>
      %and3A_878 = arith.andi %get3A_872, %and3A_877 : vector<16xi32>
      tpu.vector_store_idx %arg25[%shift_right_logical3A_875, %and3A_878], %exp3A_868 {add = true} : memref<640x16xf32, #tpu.memory_space<vmem>>[vector<16xi32>, vector<16xi32>], vector<16xf32>,
      %get3A_879 = arith.constant 64 : index
      %get3A_880 = tpu.vector_load %arg21[%get3A_879] {strides = array<i32>} : memref<80xf32, #tpu.memory_space<vmem>>, vector<16xf32>,
      %get3A_881 = arith.constant 64 : index
      %get3A_882 = tpu.vector_load %arg22[%get3A_881] {strides = array<i32>} : memref<80xf32, #tpu.memory_space<vmem>>, vector<16xf32>,
      %add3A_883 = arith.addf %get3A_880, %get3A_882 : vector<16xf32>
      %ge3A_884 = arith.constant 0.000000e+00 : f32
      %ge3A_885 = vector.broadcast %ge3A_884 : f32 to vector<16xf32>
      %ge3A_886 = arith.cmpf oge, %add3A_883, %ge3A_885 : vector<16xf32>
      %mul3A_887 = arith.constant 2.000000e-01 : f32
      %mul3A_888 = vector.broadcast %mul3A_887 : f32 to vector<16xf32>
      %mul3A_889 = arith.mulf %add3A_883, %mul3A_888 : vector<16xf32>
      %select_n3A_890 = arith.select %ge3A_886, %add3A_883, %mul3A_889 : vector<16xi1>, vector<16xf32>
      %exp3A_891 = math.exp %select_n3A_890 : vector<16xf32>
      %swap3A_892 = arith.constant 64 : index
      %swap3A_893 = tpu.vector_load %arg20[%swap3A_892] {strides = array<i32>} : memref<80xf32, #tpu.memory_space<vmem>>, vector<16xf32>,
      tpu.vector_store %arg20[%swap3A_892], %exp3A_891 {strides = array<i32>} : memref<80xf32, #tpu.memory_space<vmem>>, vector<16xf32>,
      %get3A_894 = arith.constant 64 : index
      %get3A_895 = tpu.vector_load %arg18[%get3A_894] {strides = array<i32>} : memref<80xi32, #tpu.memory_space<vmem>>, vector<16xi32>,
      %shift_right_logical3A_896 = arith.constant 4 : i32
      %shift_right_logical3A_897 = vector.broadcast %shift_right_logical3A_896 : i32 to vector<16xi32>
      %shift_right_logical3A_898 = arith.shrui %get3A_895, %shift_right_logical3A_897 : vector<16xi32>
      %and3A_899 = arith.constant 15 : i32
      %and3A_900 = vector.broadcast %and3A_899 : i32 to vector<16xi32>
      %and3A_901 = arith.andi %get3A_895, %and3A_900 : vector<16xi32>
      tpu.vector_store_idx %arg25[%shift_right_logical3A_898, %and3A_901], %exp3A_891 {add = true} : memref<640x16xf32, #tpu.memory_space<vmem>>[vector<16xi32>, vector<16xi32>], vector<16xf32>,
      %parallel_loop3A_902 = arith.constant 0 : i32
      %parallel_loop3A_903 = arith.constant 80 : i32
      %parallel_loop3A_904 = arith.constant 1 : i32
      scf.for %parallel_loop3A_941 = %parallel_loop3A_902 to %parallel_loop3A_903 step %parallel_loop3A_904  : i32 {
        %parallel_loop3A_942 = arith.constant 0 : i32
        %parallel_loop3A_943 = vector.broadcast %parallel_loop3A_942 : i32 to vector<16xi32>
        %parallel_loop3A_944 = vector.broadcast %parallel_loop3A_941 : i32 to vector<16xi32>
        %parallel_loop3A_945 = arith.addi %parallel_loop3A_943, %parallel_loop3A_944 : vector<16xi32>
        %parallel_loop3A_946 = tpu.vector_load_idx %arg20[%parallel_loop3A_945] : memref<80xf32, #tpu.memory_space<vmem>>[vector<16xi32>], vector<16xf32>,
        %parallel_loop3A_947 = arith.index_cast %parallel_loop3A_941 : i32 to index
        %parallel_loop3A_948 = arith.constant 0 : index
        %parallel_loop3A_949 = tpu.vector_load %arg24[%parallel_loop3A_947, %parallel_loop3A_948] {strides = array<i32>} : memref<80x128xbf16, #tpu.memory_space<vmem>>, vector<32xbf16>,
        %parallel_loop3A_950 = tpu.unpack_subelements %parallel_loop3A_949, 0 {pack_format = #tpu.pack_format<interleaved>} : vector<32xbf16> -> vector<16xf32>
        %parallel_loop3A_951 = tpu.unpack_subelements %parallel_loop3A_949, 1 {pack_format = #tpu.pack_format<interleaved>} : vector<32xbf16> -> vector<16xf32>
        %parallel_loop3A_952 = arith.mulf %parallel_loop3A_950, %parallel_loop3A_946 : vector<16xf32>
        %parallel_loop3A_953 = arith.index_cast %parallel_loop3A_941 : i32 to index
        %parallel_loop3A_954 = arith.constant 0 : index
        %parallel_loop3A_955 = tpu.vector_load %arg23[%parallel_loop3A_953, %parallel_loop3A_954] {strides = array<i32>} : memref<80x128xf32, #tpu.memory_space<vmem>>, vector<16xf32>,
        tpu.vector_store %arg23[%parallel_loop3A_953, %parallel_loop3A_954], %parallel_loop3A_952 {strides = array<i32>} : memref<80x128xf32, #tpu.memory_space<vmem>>, vector<16xf32>,
        %parallel_loop3A_956 = arith.mulf %parallel_loop3A_951, %parallel_loop3A_946 : vector<16xf32>
        %parallel_loop3A_957 = arith.index_cast %parallel_loop3A_941 : i32 to index
        %parallel_loop3A_958 = arith.constant 16 : index
        %parallel_loop3A_959 = tpu.vector_load %arg23[%parallel_loop3A_957, %parallel_loop3A_958] {strides = array<i32>} : memref<80x128xf32, #tpu.memory_space<vmem>>, vector<16xf32>,
        tpu.vector_store %arg23[%parallel_loop3A_957, %parallel_loop3A_958], %parallel_loop3A_956 {strides = array<i32>} : memref<80x128xf32, #tpu.memory_space<vmem>>, vector<16xf32>,
        %parallel_loop3A_960 = arith.index_cast %parallel_loop3A_941 : i32 to index
        %parallel_loop3A_961 = arith.constant 32 : index
        %parallel_loop3A_962 = tpu.vector_load %arg24[%parallel_loop3A_960, %parallel_loop3A_961] {strides = array<i32>} : memref<80x128xbf16, #tpu.memory_space<vmem>>, vector<32xbf16>,
        %parallel_loop3A_963 = tpu.unpack_subelements %parallel_loop3A_962, 0 {pack_format = #tpu.pack_format<interleaved>} : vector<32xbf16> -> vector<16xf32>
        %parallel_loop3A_964 = tpu.unpack_subelements %parallel_loop3A_962, 1 {pack_format = #tpu.pack_format<interleaved>} : vector<32xbf16> -> vector<16xf32>
        %parallel_loop3A_965 = arith.mulf %parallel_loop3A_963, %parallel_loop3A_946 : vector<16xf32>
        %parallel_loop3A_966 = arith.index_cast %parallel_loop3A_941 : i32 to index
        %parallel_loop3A_967 = arith.constant 32 : index
        %parallel_loop3A_968 = tpu.vector_load %arg23[%parallel_loop3A_966, %parallel_loop3A_967] {strides = array<i32>} : memref<80x128xf32, #tpu.memory_space<vmem>>, vector<16xf32>,
        tpu.vector_store %arg23[%parallel_loop3A_966, %parallel_loop3A_967], %parallel_loop3A_965 {strides = array<i32>} : memref<80x128xf32, #tpu.memory_space<vmem>>, vector<16xf32>,
        %parallel_loop3A_969 = arith.mulf %parallel_loop3A_964, %parallel_loop3A_946 : vector<16xf32>
        %parallel_loop3A_970 = arith.index_cast %parallel_loop3A_941 : i32 to index
        %parallel_loop3A_971 = arith.constant 48 : index
        %parallel_loop3A_972 = tpu.vector_load %arg23[%parallel_loop3A_970, %parallel_loop3A_971] {strides = array<i32>} : memref<80x128xf32, #tpu.memory_space<vmem>>, vector<16xf32>,
        tpu.vector_store %arg23[%parallel_loop3A_970, %parallel_loop3A_971], %parallel_loop3A_969 {strides = array<i32>} : memref<80x128xf32, #tpu.memory_space<vmem>>, vector<16xf32>,
        %parallel_loop3A_973 = arith.index_cast %parallel_loop3A_941 : i32 to index
        %parallel_loop3A_974 = arith.constant 64 : index
        %parallel_loop3A_975 = tpu.vector_load %arg24[%parallel_loop3A_973, %parallel_loop3A_974] {strides = array<i32>} : memref<80x128xbf16, #tpu.memory_space<vmem>>, vector<32xbf16>,
        %parallel_loop3A_976 = tpu.unpack_subelements %parallel_loop3A_975, 0 {pack_format = #tpu.pack_format<interleaved>} : vector<32xbf16> -> vector<16xf32>
        %parallel_loop3A_977 = tpu.unpack_subelements %parallel_loop3A_975, 1 {pack_format = #tpu.pack_format<interleaved>} : vector<32xbf16> -> vector<16xf32>
        %parallel_loop3A_978 = arith.mulf %parallel_loop3A_976, %parallel_loop3A_946 : vector<16xf32>
        %parallel_loop3A_979 = arith.index_cast %parallel_loop3A_941 : i32 to index
        %parallel_loop3A_980 = arith.constant 64 : index
        %parallel_loop3A_981 = tpu.vector_load %arg23[%parallel_loop3A_979, %parallel_loop3A_980] {strides = array<i32>} : memref<80x128xf32, #tpu.memory_space<vmem>>, vector<16xf32>,
        tpu.vector_store %arg23[%parallel_loop3A_979, %parallel_loop3A_980], %parallel_loop3A_978 {strides = array<i32>} : memref<80x128xf32, #tpu.memory_space<vmem>>, vector<16xf32>,
        %parallel_loop3A_982 = arith.mulf %parallel_loop3A_977, %parallel_loop3A_946 : vector<16xf32>
        %parallel_loop3A_983 = arith.index_cast %parallel_loop3A_941 : i32 to index
        %parallel_loop3A_984 = arith.constant 80 : index
        %parallel_loop3A_985 = tpu.vector_load %arg23[%parallel_loop3A_983, %parallel_loop3A_984] {strides = array<i32>} : memref<80x128xf32, #tpu.memory_space<vmem>>, vector<16xf32>,
        tpu.vector_store %arg23[%parallel_loop3A_983, %parallel_loop3A_984], %parallel_loop3A_982 {strides = array<i32>} : memref<80x128xf32, #tpu.memory_space<vmem>>, vector<16xf32>,
        %parallel_loop3A_986 = arith.index_cast %parallel_loop3A_941 : i32 to index
        %parallel_loop3A_987 = arith.constant 96 : index
        %parallel_loop3A_988 = tpu.vector_load %arg24[%parallel_loop3A_986, %parallel_loop3A_987] {strides = array<i32>} : memref<80x128xbf16, #tpu.memory_space<vmem>>, vector<32xbf16>,
        %parallel_loop3A_989 = tpu.unpack_subelements %parallel_loop3A_988, 0 {pack_format = #tpu.pack_format<interleaved>} : vector<32xbf16> -> vector<16xf32>
        %parallel_loop3A_990 = tpu.unpack_subelements %parallel_loop3A_988, 1 {pack_format = #tpu.pack_format<interleaved>} : vector<32xbf16> -> vector<16xf32>
        %parallel_loop3A_991 = arith.mulf %parallel_loop3A_989, %parallel_loop3A_946 : vector<16xf32>
        %parallel_loop3A_992 = arith.index_cast %parallel_loop3A_941 : i32 to index
        %parallel_loop3A_993 = arith.constant 96 : index
        %parallel_loop3A_994 = tpu.vector_load %arg23[%parallel_loop3A_992, %parallel_loop3A_993] {strides = array<i32>} : memref<80x128xf32, #tpu.memory_space<vmem>>, vector<16xf32>,
        tpu.vector_store %arg23[%parallel_loop3A_992, %parallel_loop3A_993], %parallel_loop3A_991 {strides = array<i32>} : memref<80x128xf32, #tpu.memory_space<vmem>>, vector<16xf32>,
        %parallel_loop3A_995 = arith.mulf %parallel_loop3A_990, %parallel_loop3A_946 : vector<16xf32>
        %parallel_loop3A_996 = arith.index_cast %parallel_loop3A_941 : i32 to index
        %parallel_loop3A_997 = arith.constant 112 : index
        %parallel_loop3A_998 = tpu.vector_load %arg23[%parallel_loop3A_996, %parallel_loop3A_997] {strides = array<i32>} : memref<80x128xf32, #tpu.memory_space<vmem>>, vector<16xf32>,
        tpu.vector_store %arg23[%parallel_loop3A_996, %parallel_loop3A_997], %parallel_loop3A_995 {strides = array<i32>} : memref<80x128xf32, #tpu.memory_space<vmem>>, vector<16xf32>,
      } {sc.loop_unroll_factor = 4 : i64, sc.parallel_access}
      %get3A_905 = arith.constant 0 : index
      %get3A_906 = tpu.vector_load %arg18[%get3A_905] {strides = array<i32>} : memref<80xi32, #tpu.memory_space<vmem>>, vector<16xi32>,
      %swap3A_907 = arith.constant 0 : index
      %swap3A_908 = tpu.vector_load %arg19[%swap3A_907] {strides = array<i32>} : memref<80xi32, #tpu.memory_space<vmem>>, vector<16xi32>,
      tpu.vector_store %arg19[%swap3A_907], %get3A_906 {strides = array<i32>} : memref<80xi32, #tpu.memory_space<vmem>>, vector<16xi32>,
      %get3A_909 = arith.constant 16 : index
      %get3A_910 = tpu.vector_load %arg18[%get3A_909] {strides = array<i32>} : memref<80xi32, #tpu.memory_space<vmem>>, vector<16xi32>,
      %swap3A_911 = arith.constant 16 : index
      %swap3A_912 = tpu.vector_load %arg19[%swap3A_911] {strides = array<i32>} : memref<80xi32, #tpu.memory_space<vmem>>, vector<16xi32>,
      tpu.vector_store %arg19[%swap3A_911], %get3A_910 {strides = array<i32>} : memref<80xi32, #tpu.memory_space<vmem>>, vector<16xi32>,
      %get3A_913 = arith.constant 32 : index
      %get3A_914 = tpu.vector_load %arg18[%get3A_913] {strides = array<i32>} : memref<80xi32, #tpu.memory_space<vmem>>, vector<16xi32>,
      %swap3A_915 = arith.constant 32 : index
      %swap3A_916 = tpu.vector_load %arg19[%swap3A_915] {strides = array<i32>} : memref<80xi32, #tpu.memory_space<vmem>>, vector<16xi32>,
      tpu.vector_store %arg19[%swap3A_915], %get3A_914 {strides = array<i32>} : memref<80xi32, #tpu.memory_space<vmem>>, vector<16xi32>,
      %get3A_917 = arith.constant 48 : index
      %get3A_918 = tpu.vector_load %arg18[%get3A_917] {strides = array<i32>} : memref<80xi32, #tpu.memory_space<vmem>>, vector<16xi32>,
      %swap3A_919 = arith.constant 48 : index
      %swap3A_920 = tpu.vector_load %arg19[%swap3A_919] {strides = array<i32>} : memref<80xi32, #tpu.memory_space<vmem>>, vector<16xi32>,
      tpu.vector_store %arg19[%swap3A_919], %get3A_918 {strides = array<i32>} : memref<80xi32, #tpu.memory_space<vmem>>, vector<16xi32>,
      %get3A_921 = arith.constant 64 : index
      %get3A_922 = tpu.vector_load %arg18[%get3A_921] {strides = array<i32>} : memref<80xi32, #tpu.memory_space<vmem>>, vector<16xi32>,
      %swap3A_923 = arith.constant 64 : index
      %swap3A_924 = tpu.vector_load %arg19[%swap3A_923] {strides = array<i32>} : memref<80xi32, #tpu.memory_space<vmem>>, vector<16xi32>,
      tpu.vector_store %arg19[%swap3A_923], %get3A_922 {strides = array<i32>} : memref<80xi32, #tpu.memory_space<vmem>>, vector<16xi32>,
      %dma_start3A_925 = arith.constant 0 : i32
      %dma_start3A_926 = arith.constant 0 : i32
      %dma_start3A_927 = tpu.memref_slice %arg27[%dma_start3A_925, %dma_start3A_926] : memref<10240x128xf32, #tpu.memory_space<vmem_shared>> -> memref<10240x128xf32, #tpu.memory_space<vmem_shared>>
      tpu.enqueue_indirect_dma source(%arg23 : memref<80x128xf32, #tpu.memory_space<vmem>>) target(%dma_start3A_927 : memref<10240x128xf32, #tpu.memory_space<vmem_shared>>) offsets(%arg19 : memref<80xi32, #tpu.memory_space<vmem>>) semaphore(%arg32 : memref<!tpu.dma_semaphore, #tpu.memory_space<semaphore_mem>>) {add = true}
      %add3A_928 = arith.constant 2 : i32
      %add3A_929 = arith.addi %add3A_761, %add3A_928 : i32
      %mul3A_930 = arith.constant 10000 : i32
      %mul3A_931 = arith.muli %add3A, %mul3A_930 : i32
      %mul3A_932 = arith.constant 80 : i32
      %mul3A_933 = arith.muli %add3A_929, %mul3A_932 : i32
      %add3A_934 = arith.addi %mul3A_931, %mul3A_933 : i32
      %min3A_935 = arith.constant 319920 : i32
      %min3A_936 = arith.minsi %add3A_934, %min3A_935 : i32
      %dma_start3A_937 = tpu.memref_slice %arg2[%min3A_936] : memref<320000xi32, #tpu.memory_space<hbm>> -> memref<80xi32, #tpu.memory_space<hbm>>
      %dma_start3A_938 = tpu.memref_slice %arg2[%min3A_936] : memref<320000xi32, #tpu.memory_space<hbm>> -> memref<80xi32, #tpu.memory_space<hbm>>
      tpu.enqueue_dma source(%dma_start3A_938 : memref<80xi32, #tpu.memory_space<hbm>>) target(%arg17 : memref<80xi32, #tpu.memory_space<vmem>>) target_semaphore(%arg29 : memref<!tpu.dma_semaphore, #tpu.memory_space<semaphore_mem>>)
      %dma_start3A_939 = tpu.memref_slice %arg3[%min3A_936] : memref<320000xi32, #tpu.memory_space<hbm>> -> memref<80xi32, #tpu.memory_space<hbm>>
      %dma_start3A_940 = tpu.memref_slice %arg3[%min3A_936] : memref<320000xi32, #tpu.memory_space<hbm>> -> memref<80xi32, #tpu.memory_space<hbm>>
      tpu.enqueue_dma source(%dma_start3A_940 : memref<80xi32, #tpu.memory_space<hbm>>) target(%arg18 : memref<80xi32, #tpu.memory_space<vmem>>) target_semaphore(%arg29 : memref<!tpu.dma_semaphore, #tpu.memory_space<semaphore_mem>>)
    }
    %scan3A_408 = arith.constant 62 : i32
    %dma_wait3A_409 = arith.constant 0 : i32
    %dma_wait3A_410 = arith.constant 0 : i32
    %dma_wait3A_411 = tpu.memref_slice %arg6[%dma_wait3A_409, %dma_wait3A_410] : memref<10000x128xbf16, #tpu.memory_space<hbm>> -> memref<10000x128xbf16, #tpu.memory_space<hbm>>
    tpu.wait_indirect_dma semaphore(%arg30 : memref<!tpu.dma_semaphore, #tpu.memory_space<semaphore_mem>>) src(%dma_wait3A_411 : memref<10000x128xbf16, #tpu.memory_space<hbm>>) dst(%arg16 : memref<80x128xbf16, #tpu.memory_space<vmem>>)
    %dma_wait3A_412 = arith.constant 0 : i32
    %dma_wait3A_413 = tpu.memref_slice %arg4[%dma_wait3A_412] : memref<10000xf32, #tpu.memory_space<hbm>> -> memref<10000xf32, #tpu.memory_space<hbm>>
    tpu.wait_indirect_dma semaphore(%arg30 : memref<!tpu.dma_semaphore, #tpu.memory_space<semaphore_mem>>) src(%dma_wait3A_413 : memref<10000xf32, #tpu.memory_space<hbm>>) dst(%arg13 : memref<80xf32, #tpu.memory_space<vmem>>)
    %dma_wait3A_414 = arith.constant 0 : i32
    %dma_wait3A_415 = tpu.memref_slice %arg5[%dma_wait3A_414] : memref<10000xf32, #tpu.memory_space<hbm>> -> memref<10000xf32, #tpu.memory_space<hbm>>
    tpu.wait_indirect_dma semaphore(%arg30 : memref<!tpu.dma_semaphore, #tpu.memory_space<semaphore_mem>>) src(%dma_wait3A_415 : memref<10000xf32, #tpu.memory_space<hbm>>) dst(%arg14 : memref<80xf32, #tpu.memory_space<vmem>>)
    %dma_wait3A_416 = arith.constant 0 : i32
    %dma_wait3A_417 = tpu.memref_slice %arg2[%dma_wait3A_416] : memref<320000xi32, #tpu.memory_space<hbm>> -> memref<80xi32, #tpu.memory_space<hbm>>
    %dma_wait3A_418 = arith.constant 0 : i32
    %dma_wait3A_419 = tpu.memref_slice %arg2[%dma_wait3A_418] : memref<320000xi32, #tpu.memory_space<hbm>> -> memref<80xi32, #tpu.memory_space<hbm>>
    tpu.wait_dma2 semaphore(%arg29 : memref<!tpu.dma_semaphore, #tpu.memory_space<semaphore_mem>>) src(%dma_wait3A_419 : memref<80xi32, #tpu.memory_space<hbm>>) dst(%arg17 : memref<80xi32, #tpu.memory_space<vmem>>)
    %dma_wait3A_420 = arith.constant 0 : i32
    %dma_wait3A_421 = tpu.memref_slice %arg3[%dma_wait3A_420] : memref<320000xi32, #tpu.memory_space<hbm>> -> memref<80xi32, #tpu.memory_space<hbm>>
    %dma_wait3A_422 = arith.constant 0 : i32
    %dma_wait3A_423 = tpu.memref_slice %arg3[%dma_wait3A_422] : memref<320000xi32, #tpu.memory_space<hbm>> -> memref<80xi32, #tpu.memory_space<hbm>>
    tpu.wait_dma2 semaphore(%arg29 : memref<!tpu.dma_semaphore, #tpu.memory_space<semaphore_mem>>) src(%dma_wait3A_423 : memref<80xi32, #tpu.memory_space<hbm>>) dst(%arg18 : memref<80xi32, #tpu.memory_space<vmem>>)
    %dma_wait3A_424 = arith.constant 0 : i32
    %dma_wait3A_425 = arith.constant 0 : i32
    %dma_wait3A_426 = tpu.memref_slice %arg27[%dma_wait3A_424, %dma_wait3A_425] : memref<10240x128xf32, #tpu.memory_space<vmem_shared>> -> memref<10240x128xf32, #tpu.memory_space<vmem_shared>>
    tpu.wait_indirect_dma semaphore(%arg32 : memref<!tpu.dma_semaphore, #tpu.memory_space<semaphore_mem>>) src(%arg23 : memref<80x128xf32, #tpu.memory_space<vmem>>) dst(%dma_wait3A_426 : memref<10240x128xf32, #tpu.memory_space<vmem_shared>>)
    %get3A_427 = arith.constant 0 : index
    %get3A_428 = tpu.vector_load %arg13[%get3A_427] {strides = array<i32>} : memref<80xf32, #tpu.memory_space<vmem>>, vector<16xf32>,
    %get3A_429 = arith.constant 0 : index
    %get3A_430 = tpu.vector_load %arg14[%get3A_429] {strides = array<i32>} : memref<80xf32, #tpu.memory_space<vmem>>, vector<16xf32>,
    %add3A_431 = arith.addf %get3A_428, %get3A_430 : vector<16xf32>
    %ge3A = arith.constant 0.000000e+00 : f32
    %ge3A_432 = vector.broadcast %ge3A : f32 to vector<16xf32>
    %ge3A_433 = arith.cmpf oge, %add3A_431, %ge3A_432 : vector<16xf32>
    %mul3A_434 = arith.constant 2.000000e-01 : f32
    %mul3A_435 = vector.broadcast %mul3A_434 : f32 to vector<16xf32>
    %mul3A_436 = arith.mulf %add3A_431, %mul3A_435 : vector<16xf32>
    %select_n3A = arith.select %ge3A_433, %add3A_431, %mul3A_436 : vector<16xi1>, vector<16xf32>
    %exp3A = math.exp %select_n3A : vector<16xf32>
    %swap3A_437 = arith.constant 0 : index
    %swap3A_438 = tpu.vector_load %arg12[%swap3A_437] {strides = array<i32>} : memref<80xf32, #tpu.memory_space<vmem>>, vector<16xf32>,
    tpu.vector_store %arg12[%swap3A_437], %exp3A {strides = array<i32>} : memref<80xf32, #tpu.memory_space<vmem>>, vector<16xf32>,
    %get3A_439 = arith.constant 0 : index
    %get3A_440 = tpu.vector_load %arg10[%get3A_439] {strides = array<i32>} : memref<80xi32, #tpu.memory_space<vmem>>, vector<16xi32>,
    %shift_right_logical3A = arith.constant 4 : i32
    %shift_right_logical3A_441 = vector.broadcast %shift_right_logical3A : i32 to vector<16xi32>
    %shift_right_logical3A_442 = arith.shrui %get3A_440, %shift_right_logical3A_441 : vector<16xi32>
    %and3A = arith.constant 15 : i32
    %and3A_443 = vector.broadcast %and3A : i32 to vector<16xi32>
    %and3A_444 = arith.andi %get3A_440, %and3A_443 : vector<16xi32>
    tpu.vector_store_idx %arg25[%shift_right_logical3A_442, %and3A_444], %exp3A {add = true} : memref<640x16xf32, #tpu.memory_space<vmem>>[vector<16xi32>, vector<16xi32>], vector<16xf32>,
    %get3A_445 = arith.constant 16 : index
    %get3A_446 = tpu.vector_load %arg13[%get3A_445] {strides = array<i32>} : memref<80xf32, #tpu.memory_space<vmem>>, vector<16xf32>,
    %get3A_447 = arith.constant 16 : index
    %get3A_448 = tpu.vector_load %arg14[%get3A_447] {strides = array<i32>} : memref<80xf32, #tpu.memory_space<vmem>>, vector<16xf32>,
    %add3A_449 = arith.addf %get3A_446, %get3A_448 : vector<16xf32>
    %ge3A_450 = arith.constant 0.000000e+00 : f32
    %ge3A_451 = vector.broadcast %ge3A_450 : f32 to vector<16xf32>
    %ge3A_452 = arith.cmpf oge, %add3A_449, %ge3A_451 : vector<16xf32>
    %mul3A_453 = arith.constant 2.000000e-01 : f32
    %mul3A_454 = vector.broadcast %mul3A_453 : f32 to vector<16xf32>
    %mul3A_455 = arith.mulf %add3A_449, %mul3A_454 : vector<16xf32>
    %select_n3A_456 = arith.select %ge3A_452, %add3A_449, %mul3A_455 : vector<16xi1>, vector<16xf32>
    %exp3A_457 = math.exp %select_n3A_456 : vector<16xf32>
    %swap3A_458 = arith.constant 16 : index
    %swap3A_459 = tpu.vector_load %arg12[%swap3A_458] {strides = array<i32>} : memref<80xf32, #tpu.memory_space<vmem>>, vector<16xf32>,
    tpu.vector_store %arg12[%swap3A_458], %exp3A_457 {strides = array<i32>} : memref<80xf32, #tpu.memory_space<vmem>>, vector<16xf32>,
    %get3A_460 = arith.constant 16 : index
    %get3A_461 = tpu.vector_load %arg10[%get3A_460] {strides = array<i32>} : memref<80xi32, #tpu.memory_space<vmem>>, vector<16xi32>,
    %shift_right_logical3A_462 = arith.constant 4 : i32
    %shift_right_logical3A_463 = vector.broadcast %shift_right_logical3A_462 : i32 to vector<16xi32>
    %shift_right_logical3A_464 = arith.shrui %get3A_461, %shift_right_logical3A_463 : vector<16xi32>
    %and3A_465 = arith.constant 15 : i32
    %and3A_466 = vector.broadcast %and3A_465 : i32 to vector<16xi32>
    %and3A_467 = arith.andi %get3A_461, %and3A_466 : vector<16xi32>
    tpu.vector_store_idx %arg25[%shift_right_logical3A_464, %and3A_467], %exp3A_457 {add = true} : memref<640x16xf32, #tpu.memory_space<vmem>>[vector<16xi32>, vector<16xi32>], vector<16xf32>,
    %get3A_468 = arith.constant 32 : index
    %get3A_469 = tpu.vector_load %arg13[%get3A_468] {strides = array<i32>} : memref<80xf32, #tpu.memory_space<vmem>>, vector<16xf32>,
    %get3A_470 = arith.constant 32 : index
    %get3A_471 = tpu.vector_load %arg14[%get3A_470] {strides = array<i32>} : memref<80xf32, #tpu.memory_space<vmem>>, vector<16xf32>,
    %add3A_472 = arith.addf %get3A_469, %get3A_471 : vector<16xf32>
    %ge3A_473 = arith.constant 0.000000e+00 : f32
    %ge3A_474 = vector.broadcast %ge3A_473 : f32 to vector<16xf32>
    %ge3A_475 = arith.cmpf oge, %add3A_472, %ge3A_474 : vector<16xf32>
    %mul3A_476 = arith.constant 2.000000e-01 : f32
    %mul3A_477 = vector.broadcast %mul3A_476 : f32 to vector<16xf32>
    %mul3A_478 = arith.mulf %add3A_472, %mul3A_477 : vector<16xf32>
    %select_n3A_479 = arith.select %ge3A_475, %add3A_472, %mul3A_478 : vector<16xi1>, vector<16xf32>
    %exp3A_480 = math.exp %select_n3A_479 : vector<16xf32>
    %swap3A_481 = arith.constant 32 : index
    %swap3A_482 = tpu.vector_load %arg12[%swap3A_481] {strides = array<i32>} : memref<80xf32, #tpu.memory_space<vmem>>, vector<16xf32>,
    tpu.vector_store %arg12[%swap3A_481], %exp3A_480 {strides = array<i32>} : memref<80xf32, #tpu.memory_space<vmem>>, vector<16xf32>,
    %get3A_483 = arith.constant 32 : index
    %get3A_484 = tpu.vector_load %arg10[%get3A_483] {strides = array<i32>} : memref<80xi32, #tpu.memory_space<vmem>>, vector<16xi32>,
    %shift_right_logical3A_485 = arith.constant 4 : i32
    %shift_right_logical3A_486 = vector.broadcast %shift_right_logical3A_485 : i32 to vector<16xi32>
    %shift_right_logical3A_487 = arith.shrui %get3A_484, %shift_right_logical3A_486 : vector<16xi32>
    %and3A_488 = arith.constant 15 : i32
    %and3A_489 = vector.broadcast %and3A_488 : i32 to vector<16xi32>
    %and3A_490 = arith.andi %get3A_484, %and3A_489 : vector<16xi32>
    tpu.vector_store_idx %arg25[%shift_right_logical3A_487, %and3A_490], %exp3A_480 {add = true} : memref<640x16xf32, #tpu.memory_space<vmem>>[vector<16xi32>, vector<16xi32>], vector<16xf32>,
    %get3A_491 = arith.constant 48 : index
    %get3A_492 = tpu.vector_load %arg13[%get3A_491] {strides = array<i32>} : memref<80xf32, #tpu.memory_space<vmem>>, vector<16xf32>,
    %get3A_493 = arith.constant 48 : index
    %get3A_494 = tpu.vector_load %arg14[%get3A_493] {strides = array<i32>} : memref<80xf32, #tpu.memory_space<vmem>>, vector<16xf32>,
    %add3A_495 = arith.addf %get3A_492, %get3A_494 : vector<16xf32>
    %ge3A_496 = arith.constant 0.000000e+00 : f32
    %ge3A_497 = vector.broadcast %ge3A_496 : f32 to vector<16xf32>
    %ge3A_498 = arith.cmpf oge, %add3A_495, %ge3A_497 : vector<16xf32>
    %mul3A_499 = arith.constant 2.000000e-01 : f32
    %mul3A_500 = vector.broadcast %mul3A_499 : f32 to vector<16xf32>
    %mul3A_501 = arith.mulf %add3A_495, %mul3A_500 : vector<16xf32>
    %select_n3A_502 = arith.select %ge3A_498, %add3A_495, %mul3A_501 : vector<16xi1>, vector<16xf32>
    %exp3A_503 = math.exp %select_n3A_502 : vector<16xf32>
    %swap3A_504 = arith.constant 48 : index
    %swap3A_505 = tpu.vector_load %arg12[%swap3A_504] {strides = array<i32>} : memref<80xf32, #tpu.memory_space<vmem>>, vector<16xf32>,
    tpu.vector_store %arg12[%swap3A_504], %exp3A_503 {strides = array<i32>} : memref<80xf32, #tpu.memory_space<vmem>>, vector<16xf32>,
    %get3A_506 = arith.constant 48 : index
    %get3A_507 = tpu.vector_load %arg10[%get3A_506] {strides = array<i32>} : memref<80xi32, #tpu.memory_space<vmem>>, vector<16xi32>,
    %shift_right_logical3A_508 = arith.constant 4 : i32
    %shift_right_logical3A_509 = vector.broadcast %shift_right_logical3A_508 : i32 to vector<16xi32>
    %shift_right_logical3A_510 = arith.shrui %get3A_507, %shift_right_logical3A_509 : vector<16xi32>
    %and3A_511 = arith.constant 15 : i32
    %and3A_512 = vector.broadcast %and3A_511 : i32 to vector<16xi32>
    %and3A_513 = arith.andi %get3A_507, %and3A_512 : vector<16xi32>
    tpu.vector_store_idx %arg25[%shift_right_logical3A_510, %and3A_513], %exp3A_503 {add = true} : memref<640x16xf32, #tpu.memory_space<vmem>>[vector<16xi32>, vector<16xi32>], vector<16xf32>,
    %get3A_514 = arith.constant 64 : index
    %get3A_515 = tpu.vector_load %arg13[%get3A_514] {strides = array<i32>} : memref<80xf32, #tpu.memory_space<vmem>>, vector<16xf32>,
    %get3A_516 = arith.constant 64 : index
    %get3A_517 = tpu.vector_load %arg14[%get3A_516] {strides = array<i32>} : memref<80xf32, #tpu.memory_space<vmem>>, vector<16xf32>,
    %add3A_518 = arith.addf %get3A_515, %get3A_517 : vector<16xf32>
    %ge3A_519 = arith.constant 0.000000e+00 : f32
    %ge3A_520 = vector.broadcast %ge3A_519 : f32 to vector<16xf32>
    %ge3A_521 = arith.cmpf oge, %add3A_518, %ge3A_520 : vector<16xf32>
    %mul3A_522 = arith.constant 2.000000e-01 : f32
    %mul3A_523 = vector.broadcast %mul3A_522 : f32 to vector<16xf32>
    %mul3A_524 = arith.mulf %add3A_518, %mul3A_523 : vector<16xf32>
    %select_n3A_525 = arith.select %ge3A_521, %add3A_518, %mul3A_524 : vector<16xi1>, vector<16xf32>
    %exp3A_526 = math.exp %select_n3A_525 : vector<16xf32>
    %swap3A_527 = arith.constant 64 : index
    %swap3A_528 = tpu.vector_load %arg12[%swap3A_527] {strides = array<i32>} : memref<80xf32, #tpu.memory_space<vmem>>, vector<16xf32>,
    tpu.vector_store %arg12[%swap3A_527], %exp3A_526 {strides = array<i32>} : memref<80xf32, #tpu.memory_space<vmem>>, vector<16xf32>,
    %get3A_529 = arith.constant 64 : index
    %get3A_530 = tpu.vector_load %arg10[%get3A_529] {strides = array<i32>} : memref<80xi32, #tpu.memory_space<vmem>>, vector<16xi32>,
    %shift_right_logical3A_531 = arith.constant 4 : i32
    %shift_right_logical3A_532 = vector.broadcast %shift_right_logical3A_531 : i32 to vector<16xi32>
    %shift_right_logical3A_533 = arith.shrui %get3A_530, %shift_right_logical3A_532 : vector<16xi32>
    %and3A_534 = arith.constant 15 : i32
    %and3A_535 = vector.broadcast %and3A_534 : i32 to vector<16xi32>
    %and3A_536 = arith.andi %get3A_530, %and3A_535 : vector<16xi32>
    tpu.vector_store_idx %arg25[%shift_right_logical3A_533, %and3A_536], %exp3A_526 {add = true} : memref<640x16xf32, #tpu.memory_space<vmem>>[vector<16xi32>, vector<16xi32>], vector<16xf32>,
    %parallel_loop3A = arith.constant 0 : i32
    %parallel_loop3A_537 = arith.constant 80 : i32
    %parallel_loop3A_538 = arith.constant 1 : i32
    scf.for %parallel_loop3A_576 = %parallel_loop3A to %parallel_loop3A_537 step %parallel_loop3A_538  : i32 {
      %parallel_loop3A_577 = arith.constant 0 : i32
      %parallel_loop3A_578 = vector.broadcast %parallel_loop3A_577 : i32 to vector<16xi32>
      %parallel_loop3A_579 = vector.broadcast %parallel_loop3A_576 : i32 to vector<16xi32>
      %parallel_loop3A_580 = arith.addi %parallel_loop3A_578, %parallel_loop3A_579 : vector<16xi32>
      %parallel_loop3A_581 = tpu.vector_load_idx %arg12[%parallel_loop3A_580] : memref<80xf32, #tpu.memory_space<vmem>>[vector<16xi32>], vector<16xf32>,
      %parallel_loop3A_582 = arith.index_cast %parallel_loop3A_576 : i32 to index
      %parallel_loop3A_583 = arith.constant 0 : index
      %parallel_loop3A_584 = tpu.vector_load %arg16[%parallel_loop3A_582, %parallel_loop3A_583] {strides = array<i32>} : memref<80x128xbf16, #tpu.memory_space<vmem>>, vector<32xbf16>,
      %parallel_loop3A_585 = tpu.unpack_subelements %parallel_loop3A_584, 0 {pack_format = #tpu.pack_format<interleaved>} : vector<32xbf16> -> vector<16xf32>
      %parallel_loop3A_586 = tpu.unpack_subelements %parallel_loop3A_584, 1 {pack_format = #tpu.pack_format<interleaved>} : vector<32xbf16> -> vector<16xf32>
      %parallel_loop3A_587 = arith.mulf %parallel_loop3A_585, %parallel_loop3A_581 : vector<16xf32>
      %parallel_loop3A_588 = arith.index_cast %parallel_loop3A_576 : i32 to index
      %parallel_loop3A_589 = arith.constant 0 : index
      %parallel_loop3A_590 = tpu.vector_load %arg15[%parallel_loop3A_588, %parallel_loop3A_589] {strides = array<i32>} : memref<80x128xf32, #tpu.memory_space<vmem>>, vector<16xf32>,
      tpu.vector_store %arg15[%parallel_loop3A_588, %parallel_loop3A_589], %parallel_loop3A_587 {strides = array<i32>} : memref<80x128xf32, #tpu.memory_space<vmem>>, vector<16xf32>,
      %parallel_loop3A_591 = arith.mulf %parallel_loop3A_586, %parallel_loop3A_581 : vector<16xf32>
      %parallel_loop3A_592 = arith.index_cast %parallel_loop3A_576 : i32 to index
      %parallel_loop3A_593 = arith.constant 16 : index
      %parallel_loop3A_594 = tpu.vector_load %arg15[%parallel_loop3A_592, %parallel_loop3A_593] {strides = array<i32>} : memref<80x128xf32, #tpu.memory_space<vmem>>, vector<16xf32>,
      tpu.vector_store %arg15[%parallel_loop3A_592, %parallel_loop3A_593], %parallel_loop3A_591 {strides = array<i32>} : memref<80x128xf32, #tpu.memory_space<vmem>>, vector<16xf32>,
      %parallel_loop3A_595 = arith.index_cast %parallel_loop3A_576 : i32 to index
      %parallel_loop3A_596 = arith.constant 32 : index
      %parallel_loop3A_597 = tpu.vector_load %arg16[%parallel_loop3A_595, %parallel_loop3A_596] {strides = array<i32>} : memref<80x128xbf16, #tpu.memory_space<vmem>>, vector<32xbf16>,
      %parallel_loop3A_598 = tpu.unpack_subelements %parallel_loop3A_597, 0 {pack_format = #tpu.pack_format<interleaved>} : vector<32xbf16> -> vector<16xf32>
      %parallel_loop3A_599 = tpu.unpack_subelements %parallel_loop3A_597, 1 {pack_format = #tpu.pack_format<interleaved>} : vector<32xbf16> -> vector<16xf32>
      %parallel_loop3A_600 = arith.mulf %parallel_loop3A_598, %parallel_loop3A_581 : vector<16xf32>
      %parallel_loop3A_601 = arith.index_cast %parallel_loop3A_576 : i32 to index
      %parallel_loop3A_602 = arith.constant 32 : index
      %parallel_loop3A_603 = tpu.vector_load %arg15[%parallel_loop3A_601, %parallel_loop3A_602] {strides = array<i32>} : memref<80x128xf32, #tpu.memory_space<vmem>>, vector<16xf32>,
      tpu.vector_store %arg15[%parallel_loop3A_601, %parallel_loop3A_602], %parallel_loop3A_600 {strides = array<i32>} : memref<80x128xf32, #tpu.memory_space<vmem>>, vector<16xf32>,
      %parallel_loop3A_604 = arith.mulf %parallel_loop3A_599, %parallel_loop3A_581 : vector<16xf32>
      %parallel_loop3A_605 = arith.index_cast %parallel_loop3A_576 : i32 to index
      %parallel_loop3A_606 = arith.constant 48 : index
      %parallel_loop3A_607 = tpu.vector_load %arg15[%parallel_loop3A_605, %parallel_loop3A_606] {strides = array<i32>} : memref<80x128xf32, #tpu.memory_space<vmem>>, vector<16xf32>,
      tpu.vector_store %arg15[%parallel_loop3A_605, %parallel_loop3A_606], %parallel_loop3A_604 {strides = array<i32>} : memref<80x128xf32, #tpu.memory_space<vmem>>, vector<16xf32>,
      %parallel_loop3A_608 = arith.index_cast %parallel_loop3A_576 : i32 to index
      %parallel_loop3A_609 = arith.constant 64 : index
      %parallel_loop3A_610 = tpu.vector_load %arg16[%parallel_loop3A_608, %parallel_loop3A_609] {strides = array<i32>} : memref<80x128xbf16, #tpu.memory_space<vmem>>, vector<32xbf16>,
      %parallel_loop3A_611 = tpu.unpack_subelements %parallel_loop3A_610, 0 {pack_format = #tpu.pack_format<interleaved>} : vector<32xbf16> -> vector<16xf32>
      %parallel_loop3A_612 = tpu.unpack_subelements %parallel_loop3A_610, 1 {pack_format = #tpu.pack_format<interleaved>} : vector<32xbf16> -> vector<16xf32>
      %parallel_loop3A_613 = arith.mulf %parallel_loop3A_611, %parallel_loop3A_581 : vector<16xf32>
      %parallel_loop3A_614 = arith.index_cast %parallel_loop3A_576 : i32 to index
      %parallel_loop3A_615 = arith.constant 64 : index
      %parallel_loop3A_616 = tpu.vector_load %arg15[%parallel_loop3A_614, %parallel_loop3A_615] {strides = array<i32>} : memref<80x128xf32, #tpu.memory_space<vmem>>, vector<16xf32>,
      tpu.vector_store %arg15[%parallel_loop3A_614, %parallel_loop3A_615], %parallel_loop3A_613 {strides = array<i32>} : memref<80x128xf32, #tpu.memory_space<vmem>>, vector<16xf32>,
      %parallel_loop3A_617 = arith.mulf %parallel_loop3A_612, %parallel_loop3A_581 : vector<16xf32>
      %parallel_loop3A_618 = arith.index_cast %parallel_loop3A_576 : i32 to index
      %parallel_loop3A_619 = arith.constant 80 : index
      %parallel_loop3A_620 = tpu.vector_load %arg15[%parallel_loop3A_618, %parallel_loop3A_619] {strides = array<i32>} : memref<80x128xf32, #tpu.memory_space<vmem>>, vector<16xf32>,
      tpu.vector_store %arg15[%parallel_loop3A_618, %parallel_loop3A_619], %parallel_loop3A_617 {strides = array<i32>} : memref<80x128xf32, #tpu.memory_space<vmem>>, vector<16xf32>,
      %parallel_loop3A_621 = arith.index_cast %parallel_loop3A_576 : i32 to index
      %parallel_loop3A_622 = arith.constant 96 : index
      %parallel_loop3A_623 = tpu.vector_load %arg16[%parallel_loop3A_621, %parallel_loop3A_622] {strides = array<i32>} : memref<80x128xbf16, #tpu.memory_space<vmem>>, vector<32xbf16>,
      %parallel_loop3A_624 = tpu.unpack_subelements %parallel_loop3A_623, 0 {pack_format = #tpu.pack_format<interleaved>} : vector<32xbf16> -> vector<16xf32>
      %parallel_loop3A_625 = tpu.unpack_subelements %parallel_loop3A_623, 1 {pack_format = #tpu.pack_format<interleaved>} : vector<32xbf16> -> vector<16xf32>
      %parallel_loop3A_626 = arith.mulf %parallel_loop3A_624, %parallel_loop3A_581 : vector<16xf32>
      %parallel_loop3A_627 = arith.index_cast %parallel_loop3A_576 : i32 to index
      %parallel_loop3A_628 = arith.constant 96 : index
      %parallel_loop3A_629 = tpu.vector_load %arg15[%parallel_loop3A_627, %parallel_loop3A_628] {strides = array<i32>} : memref<80x128xf32, #tpu.memory_space<vmem>>, vector<16xf32>,
      tpu.vector_store %arg15[%parallel_loop3A_627, %parallel_loop3A_628], %parallel_loop3A_626 {strides = array<i32>} : memref<80x128xf32, #tpu.memory_space<vmem>>, vector<16xf32>,
      %parallel_loop3A_630 = arith.mulf %parallel_loop3A_625, %parallel_loop3A_581 : vector<16xf32>
      %parallel_loop3A_631 = arith.index_cast %parallel_loop3A_576 : i32 to index
      %parallel_loop3A_632 = arith.constant 112 : index
      %parallel_loop3A_633 = tpu.vector_load %arg15[%parallel_loop3A_631, %parallel_loop3A_632] {strides = array<i32>} : memref<80x128xf32, #tpu.memory_space<vmem>>, vector<16xf32>,
      tpu.vector_store %arg15[%parallel_loop3A_631, %parallel_loop3A_632], %parallel_loop3A_630 {strides = array<i32>} : memref<80x128xf32, #tpu.memory_space<vmem>>, vector<16xf32>,
    } {sc.loop_unroll_factor = 4 : i64, sc.parallel_access}
    %get3A_539 = arith.constant 0 : index
    %get3A_540 = tpu.vector_load %arg10[%get3A_539] {strides = array<i32>} : memref<80xi32, #tpu.memory_space<vmem>>, vector<16xi32>,
    %swap3A_541 = arith.constant 0 : index
    %swap3A_542 = tpu.vector_load %arg11[%swap3A_541] {strides = array<i32>} : memref<80xi32, #tpu.memory_space<vmem>>, vector<16xi32>,
    tpu.vector_store %arg11[%swap3A_541], %get3A_540 {strides = array<i32>} : memref<80xi32, #tpu.memory_space<vmem>>, vector<16xi32>,
    %get3A_543 = arith.constant 16 : index
    %get3A_544 = tpu.vector_load %arg10[%get3A_543] {strides = array<i32>} : memref<80xi32, #tpu.memory_space<vmem>>, vector<16xi32>,
    %swap3A_545 = arith.constant 16 : index
    %swap3A_546 = tpu.vector_load %arg11[%swap3A_545] {strides = array<i32>} : memref<80xi32, #tpu.memory_space<vmem>>, vector<16xi32>,
    tpu.vector_store %arg11[%swap3A_545], %get3A_544 {strides = array<i32>} : memref<80xi32, #tpu.memory_space<vmem>>, vector<16xi32>,
    %get3A_547 = arith.constant 32 : index
    %get3A_548 = tpu.vector_load %arg10[%get3A_547] {strides = array<i32>} : memref<80xi32, #tpu.memory_space<vmem>>, vector<16xi32>,
    %swap3A_549 = arith.constant 32 : index
    %swap3A_550 = tpu.vector_load %arg11[%swap3A_549] {strides = array<i32>} : memref<80xi32, #tpu.memory_space<vmem>>, vector<16xi32>,
    tpu.vector_store %arg11[%swap3A_549], %get3A_548 {strides = array<i32>} : memref<80xi32, #tpu.memory_space<vmem>>, vector<16xi32>,
    %get3A_551 = arith.constant 48 : index
    %get3A_552 = tpu.vector_load %arg10[%get3A_551] {strides = array<i32>} : memref<80xi32, #tpu.memory_space<vmem>>, vector<16xi32>,
    %swap3A_553 = arith.constant 48 : index
    %swap3A_554 = tpu.vector_load %arg11[%swap3A_553] {strides = array<i32>} : memref<80xi32, #tpu.memory_space<vmem>>, vector<16xi32>,
    tpu.vector_store %arg11[%swap3A_553], %get3A_552 {strides = array<i32>} : memref<80xi32, #tpu.memory_space<vmem>>, vector<16xi32>,
    %get3A_555 = arith.constant 64 : index
    %get3A_556 = tpu.vector_load %arg10[%get3A_555] {strides = array<i32>} : memref<80xi32, #tpu.memory_space<vmem>>, vector<16xi32>,
    %swap3A_557 = arith.constant 64 : index
    %swap3A_558 = tpu.vector_load %arg11[%swap3A_557] {strides = array<i32>} : memref<80xi32, #tpu.memory_space<vmem>>, vector<16xi32>,
    tpu.vector_store %arg11[%swap3A_557], %get3A_556 {strides = array<i32>} : memref<80xi32, #tpu.memory_space<vmem>>, vector<16xi32>,
    %dma_start3A_559 = arith.constant 0 : i32
    %dma_start3A_560 = arith.constant 0 : i32
    %dma_start3A_561 = tpu.memref_slice %arg27[%dma_start3A_559, %dma_start3A_560] : memref<10240x128xf32, #tpu.memory_space<vmem_shared>> -> memref<10240x128xf32, #tpu.memory_space<vmem_shared>>
    tpu.enqueue_indirect_dma source(%arg15 : memref<80x128xf32, #tpu.memory_space<vmem>>) target(%dma_start3A_561 : memref<10240x128xf32, #tpu.memory_space<vmem_shared>>) offsets(%arg11 : memref<80xi32, #tpu.memory_space<vmem>>) semaphore(%arg31 : memref<!tpu.dma_semaphore, #tpu.memory_space<semaphore_mem>>) {add = true}
    %dma_wait3A_562 = arith.constant 0 : i32
    %dma_wait3A_563 = arith.constant 0 : i32
    %dma_wait3A_564 = tpu.memref_slice %arg27[%dma_wait3A_562, %dma_wait3A_563] : memref<10240x128xf32, #tpu.memory_space<vmem_shared>> -> memref<10240x128xf32, #tpu.memory_space<vmem_shared>>
    tpu.wait_indirect_dma semaphore(%arg31 : memref<!tpu.dma_semaphore, #tpu.memory_space<semaphore_mem>>) src(%arg15 : memref<80x128xf32, #tpu.memory_space<vmem>>) dst(%dma_wait3A_564 : memref<10240x128xf32, #tpu.memory_space<vmem_shared>>)
    %run_scoped3A = arith.constant 0 : i32
    "tpu.region"() ({
      %run_scoped3A_576 = tpu.sem_alloc : memref<!tpu.dma_semaphore, #tpu.memory_space<semaphore_mem>>
      %dma_start3A_577 = arith.constant 0 : i32
      %dma_start3A_578 = arith.constant 0 : i32
      %dma_start3A_579 = tpu.memref_slice %arg25[%dma_start3A_577, %dma_start3A_578] : memref<640x16xf32, #tpu.memory_space<vmem>> -> memref<128x16xf32, #tpu.memory_space<vmem>>
      %dma_start3A_580 = arith.constant 0 : i32
      %dma_start3A_581 = tpu.memref_slice %arg26[%run_scoped3A, %dma_start3A_580] : memref<5x128xi32, #tpu.memory_space<vmem>> -> memref<1x128xi32, #tpu.memory_space<vmem>>
      %dma_start3A_582 = tpu.memref_squeeze %dma_start3A_581 : memref<1x128xi32, #tpu.memory_space<vmem>> -> memref<128xi32, #tpu.memory_space<vmem>>
      %dma_start3A_583 = arith.constant 0 : i32
      %dma_start3A_584 = arith.constant 0 : i32
      %dma_start3A_585 = tpu.memref_slice %arg28[%dma_start3A_583, %dma_start3A_584] : memref<640x16xf32, #tpu.memory_space<vmem_shared>> -> memref<640x16xf32, #tpu.memory_space<vmem_shared>>
      tpu.enqueue_indirect_dma source(%dma_start3A_579 : memref<128x16xf32, #tpu.memory_space<vmem>>) target(%dma_start3A_585 : memref<640x16xf32, #tpu.memory_space<vmem_shared>>) offsets(%dma_start3A_582 : memref<128xi32, #tpu.memory_space<vmem>>) semaphore(%run_scoped3A_576 : memref<!tpu.dma_semaphore, #tpu.memory_space<semaphore_mem>>) {add = true}
      %dma_wait3A_586 = arith.constant 0 : i32
      %dma_wait3A_587 = arith.constant 0 : i32
      %dma_wait3A_588 = tpu.memref_slice %arg25[%dma_wait3A_586, %dma_wait3A_587] : memref<640x16xf32, #tpu.memory_space<vmem>> -> memref<128x16xf32, #tpu.memory_space<vmem>>
      %dma_wait3A_589 = arith.constant 0 : i32
      %dma_wait3A_590 = tpu.memref_slice %arg26[%run_scoped3A, %dma_wait3A_589] : memref<5x128xi32, #tpu.memory_space<vmem>> -> memref<1x128xi32, #tpu.memory_space<vmem>>
      %dma_wait3A_591 = tpu.memref_squeeze %dma_wait3A_590 : memref<1x128xi32, #tpu.memory_space<vmem>> -> memref<128xi32, #tpu.memory_space<vmem>>
      %dma_wait3A_592 = arith.constant 0 : i32
      %dma_wait3A_593 = arith.constant 0 : i32
      %dma_wait3A_594 = tpu.memref_slice %arg28[%dma_wait3A_592, %dma_wait3A_593] : memref<640x16xf32, #tpu.memory_space<vmem_shared>> -> memref<640x16xf32, #tpu.memory_space<vmem_shared>>
      tpu.wait_indirect_dma semaphore(%run_scoped3A_576 : memref<!tpu.dma_semaphore, #tpu.memory_space<semaphore_mem>>) src(%dma_wait3A_588 : memref<128x16xf32, #tpu.memory_space<vmem>>) dst(%dma_wait3A_594 : memref<640x16xf32, #tpu.memory_space<vmem_shared>>)
      tpu.yield
    }) : () -> ()
    %run_scoped3A_565 = arith.constant 1 : i32
    "tpu.region"() ({
      %run_scoped3A_576 = tpu.sem_alloc : memref<!tpu.dma_semaphore, #tpu.memory_space<semaphore_mem>>
      %dma_start3A_577 = arith.constant 128 : i32
      %dma_start3A_578 = arith.constant 0 : i32
      %dma_start3A_579 = tpu.memref_slice %arg25[%dma_start3A_577, %dma_start3A_578] : memref<640x16xf32, #tpu.memory_space<vmem>> -> memref<128x16xf32, #tpu.memory_space<vmem>>
      %dma_start3A_580 = arith.constant 0 : i32
      %dma_start3A_581 = tpu.memref_slice %arg26[%run_scoped3A_565, %dma_start3A_580] : memref<5x128xi32, #tpu.memory_space<vmem>> -> memref<1x128xi32, #tpu.memory_space<vmem>>
      %dma_start3A_582 = tpu.memref_squeeze %dma_start3A_581 : memref<1x128xi32, #tpu.memory_space<vmem>> -> memref<128xi32, #tpu.memory_space<vmem>>
      %dma_start3A_583 = arith.constant 0 : i32
      %dma_start3A_584 = arith.constant 0 : i32
      %dma_start3A_585 = tpu.memref_slice %arg28[%dma_start3A_583, %dma_start3A_584] : memref<640x16xf32, #tpu.memory_space<vmem_shared>> -> memref<640x16xf32, #tpu.memory_space<vmem_shared>>
      tpu.enqueue_indirect_dma source(%dma_start3A_579 : memref<128x16xf32, #tpu.memory_space<vmem>>) target(%dma_start3A_585 : memref<640x16xf32, #tpu.memory_space<vmem_shared>>) offsets(%dma_start3A_582 : memref<128xi32, #tpu.memory_space<vmem>>) semaphore(%run_scoped3A_576 : memref<!tpu.dma_semaphore, #tpu.memory_space<semaphore_mem>>) {add = true}
      %dma_wait3A_586 = arith.constant 128 : i32
      %dma_wait3A_587 = arith.constant 0 : i32
      %dma_wait3A_588 = tpu.memref_slice %arg25[%dma_wait3A_586, %dma_wait3A_587] : memref<640x16xf32, #tpu.memory_space<vmem>> -> memref<128x16xf32, #tpu.memory_space<vmem>>
      %dma_wait3A_589 = arith.constant 0 : i32
      %dma_wait3A_590 = tpu.memref_slice %arg26[%run_scoped3A_565, %dma_wait3A_589] : memref<5x128xi32, #tpu.memory_space<vmem>> -> memref<1x128xi32, #tpu.memory_space<vmem>>
      %dma_wait3A_591 = tpu.memref_squeeze %dma_wait3A_590 : memref<1x128xi32, #tpu.memory_space<vmem>> -> memref<128xi32, #tpu.memory_space<vmem>>
      %dma_wait3A_592 = arith.constant 0 : i32
      %dma_wait3A_593 = arith.constant 0 : i32
      %dma_wait3A_594 = tpu.memref_slice %arg28[%dma_wait3A_592, %dma_wait3A_593] : memref<640x16xf32, #tpu.memory_space<vmem_shared>> -> memref<640x16xf32, #tpu.memory_space<vmem_shared>>
      tpu.wait_indirect_dma semaphore(%run_scoped3A_576 : memref<!tpu.dma_semaphore, #tpu.memory_space<semaphore_mem>>) src(%dma_wait3A_588 : memref<128x16xf32, #tpu.memory_space<vmem>>) dst(%dma_wait3A_594 : memref<640x16xf32, #tpu.memory_space<vmem_shared>>)
      tpu.yield
    }) : () -> ()
    %run_scoped3A_566 = arith.constant 2 : i32
    "tpu.region"() ({
      %run_scoped3A_576 = tpu.sem_alloc : memref<!tpu.dma_semaphore, #tpu.memory_space<semaphore_mem>>
      %dma_start3A_577 = arith.constant 256 : i32
      %dma_start3A_578 = arith.constant 0 : i32
      %dma_start3A_579 = tpu.memref_slice %arg25[%dma_start3A_577, %dma_start3A_578] : memref<640x16xf32, #tpu.memory_space<vmem>> -> memref<128x16xf32, #tpu.memory_space<vmem>>
      %dma_start3A_580 = arith.constant 0 : i32
      %dma_start3A_581 = tpu.memref_slice %arg26[%run_scoped3A_566, %dma_start3A_580] : memref<5x128xi32, #tpu.memory_space<vmem>> -> memref<1x128xi32, #tpu.memory_space<vmem>>
      %dma_start3A_582 = tpu.memref_squeeze %dma_start3A_581 : memref<1x128xi32, #tpu.memory_space<vmem>> -> memref<128xi32, #tpu.memory_space<vmem>>
      %dma_start3A_583 = arith.constant 0 : i32
      %dma_start3A_584 = arith.constant 0 : i32
      %dma_start3A_585 = tpu.memref_slice %arg28[%dma_start3A_583, %dma_start3A_584] : memref<640x16xf32, #tpu.memory_space<vmem_shared>> -> memref<640x16xf32, #tpu.memory_space<vmem_shared>>
      tpu.enqueue_indirect_dma source(%dma_start3A_579 : memref<128x16xf32, #tpu.memory_space<vmem>>) target(%dma_start3A_585 : memref<640x16xf32, #tpu.memory_space<vmem_shared>>) offsets(%dma_start3A_582 : memref<128xi32, #tpu.memory_space<vmem>>) semaphore(%run_scoped3A_576 : memref<!tpu.dma_semaphore, #tpu.memory_space<semaphore_mem>>) {add = true}
      %dma_wait3A_586 = arith.constant 256 : i32
      %dma_wait3A_587 = arith.constant 0 : i32
      %dma_wait3A_588 = tpu.memref_slice %arg25[%dma_wait3A_586, %dma_wait3A_587] : memref<640x16xf32, #tpu.memory_space<vmem>> -> memref<128x16xf32, #tpu.memory_space<vmem>>
      %dma_wait3A_589 = arith.constant 0 : i32
      %dma_wait3A_590 = tpu.memref_slice %arg26[%run_scoped3A_566, %dma_wait3A_589] : memref<5x128xi32, #tpu.memory_space<vmem>> -> memref<1x128xi32, #tpu.memory_space<vmem>>
      %dma_wait3A_591 = tpu.memref_squeeze %dma_wait3A_590 : memref<1x128xi32, #tpu.memory_space<vmem>> -> memref<128xi32, #tpu.memory_space<vmem>>
      %dma_wait3A_592 = arith.constant 0 : i32
      %dma_wait3A_593 = arith.constant 0 : i32
      %dma_wait3A_594 = tpu.memref_slice %arg28[%dma_wait3A_592, %dma_wait3A_593] : memref<640x16xf32, #tpu.memory_space<vmem_shared>> -> memref<640x16xf32, #tpu.memory_space<vmem_shared>>
      tpu.wait_indirect_dma semaphore(%run_scoped3A_576 : memref<!tpu.dma_semaphore, #tpu.memory_space<semaphore_mem>>) src(%dma_wait3A_588 : memref<128x16xf32, #tpu.memory_space<vmem>>) dst(%dma_wait3A_594 : memref<640x16xf32, #tpu.memory_space<vmem_shared>>)
      tpu.yield
    }) : () -> ()
    %run_scoped3A_567 = arith.constant 3 : i32
    "tpu.region"() ({
      %run_scoped3A_576 = tpu.sem_alloc : memref<!tpu.dma_semaphore, #tpu.memory_space<semaphore_mem>>
      %dma_start3A_577 = arith.constant 384 : i32
      %dma_start3A_578 = arith.constant 0 : i32
      %dma_start3A_579 = tpu.memref_slice %arg25[%dma_start3A_577, %dma_start3A_578] : memref<640x16xf32, #tpu.memory_space<vmem>> -> memref<128x16xf32, #tpu.memory_space<vmem>>
      %dma_start3A_580 = arith.constant 0 : i32
      %dma_start3A_581 = tpu.memref_slice %arg26[%run_scoped3A_567, %dma_start3A_580] : memref<5x128xi32, #tpu.memory_space<vmem>> -> memref<1x128xi32, #tpu.memory_space<vmem>>
      %dma_start3A_582 = tpu.memref_squeeze %dma_start3A_581 : memref<1x128xi32, #tpu.memory_space<vmem>> -> memref<128xi32, #tpu.memory_space<vmem>>
      %dma_start3A_583 = arith.constant 0 : i32
      %dma_start3A_584 = arith.constant 0 : i32
      %dma_start3A_585 = tpu.memref_slice %arg28[%dma_start3A_583, %dma_start3A_584] : memref<640x16xf32, #tpu.memory_space<vmem_shared>> -> memref<640x16xf32, #tpu.memory_space<vmem_shared>>
      tpu.enqueue_indirect_dma source(%dma_start3A_579 : memref<128x16xf32, #tpu.memory_space<vmem>>) target(%dma_start3A_585 : memref<640x16xf32, #tpu.memory_space<vmem_shared>>) offsets(%dma_start3A_582 : memref<128xi32, #tpu.memory_space<vmem>>) semaphore(%run_scoped3A_576 : memref<!tpu.dma_semaphore, #tpu.memory_space<semaphore_mem>>) {add = true}
      %dma_wait3A_586 = arith.constant 384 : i32
      %dma_wait3A_587 = arith.constant 0 : i32
      %dma_wait3A_588 = tpu.memref_slice %arg25[%dma_wait3A_586, %dma_wait3A_587] : memref<640x16xf32, #tpu.memory_space<vmem>> -> memref<128x16xf32, #tpu.memory_space<vmem>>
      %dma_wait3A_589 = arith.constant 0 : i32
      %dma_wait3A_590 = tpu.memref_slice %arg26[%run_scoped3A_567, %dma_wait3A_589] : memref<5x128xi32, #tpu.memory_space<vmem>> -> memref<1x128xi32, #tpu.memory_space<vmem>>
      %dma_wait3A_591 = tpu.memref_squeeze %dma_wait3A_590 : memref<1x128xi32, #tpu.memory_space<vmem>> -> memref<128xi32, #tpu.memory_space<vmem>>
      %dma_wait3A_592 = arith.constant 0 : i32
      %dma_wait3A_593 = arith.constant 0 : i32
      %dma_wait3A_594 = tpu.memref_slice %arg28[%dma_wait3A_592, %dma_wait3A_593] : memref<640x16xf32, #tpu.memory_space<vmem_shared>> -> memref<640x16xf32, #tpu.memory_space<vmem_shared>>
      tpu.wait_indirect_dma semaphore(%run_scoped3A_576 : memref<!tpu.dma_semaphore, #tpu.memory_space<semaphore_mem>>) src(%dma_wait3A_588 : memref<128x16xf32, #tpu.memory_space<vmem>>) dst(%dma_wait3A_594 : memref<640x16xf32, #tpu.memory_space<vmem_shared>>)
      tpu.yield
    }) : () -> ()
    %run_scoped3A_568 = arith.constant 4 : i32
    "tpu.region"() ({
      %run_scoped3A_576 = tpu.sem_alloc : memref<!tpu.dma_semaphore, #tpu.memory_space<semaphore_mem>>
      %dma_start3A_577 = arith.constant 512 : i32
      %dma_start3A_578 = arith.constant 0 : i32
      %dma_start3A_579 = tpu.memref_slice %arg25[%dma_start3A_577, %dma_start3A_578] : memref<640x16xf32, #tpu.memory_space<vmem>> -> memref<128x16xf32, #tpu.memory_space<vmem>>
      %dma_start3A_580 = arith.constant 0 : i32
      %dma_start3A_581 = tpu.memref_slice %arg26[%run_scoped3A_568, %dma_start3A_580] : memref<5x128xi32, #tpu.memory_space<vmem>> -> memref<1x128xi32, #tpu.memory_space<vmem>>
      %dma_start3A_582 = tpu.memref_squeeze %dma_start3A_581 : memref<1x128xi32, #tpu.memory_space<vmem>> -> memref<128xi32, #tpu.memory_space<vmem>>
      %dma_start3A_583 = arith.constant 0 : i32
      %dma_start3A_584 = arith.constant 0 : i32
      %dma_start3A_585 = tpu.memref_slice %arg28[%dma_start3A_583, %dma_start3A_584] : memref<640x16xf32, #tpu.memory_space<vmem_shared>> -> memref<640x16xf32, #tpu.memory_space<vmem_shared>>
      tpu.enqueue_indirect_dma source(%dma_start3A_579 : memref<128x16xf32, #tpu.memory_space<vmem>>) target(%dma_start3A_585 : memref<640x16xf32, #tpu.memory_space<vmem_shared>>) offsets(%dma_start3A_582 : memref<128xi32, #tpu.memory_space<vmem>>) semaphore(%run_scoped3A_576 : memref<!tpu.dma_semaphore, #tpu.memory_space<semaphore_mem>>) {add = true}
      %dma_wait3A_586 = arith.constant 512 : i32
      %dma_wait3A_587 = arith.constant 0 : i32
      %dma_wait3A_588 = tpu.memref_slice %arg25[%dma_wait3A_586, %dma_wait3A_587] : memref<640x16xf32, #tpu.memory_space<vmem>> -> memref<128x16xf32, #tpu.memory_space<vmem>>
      %dma_wait3A_589 = arith.constant 0 : i32
      %dma_wait3A_590 = tpu.memref_slice %arg26[%run_scoped3A_568, %dma_wait3A_589] : memref<5x128xi32, #tpu.memory_space<vmem>> -> memref<1x128xi32, #tpu.memory_space<vmem>>
      %dma_wait3A_591 = tpu.memref_squeeze %dma_wait3A_590 : memref<1x128xi32, #tpu.memory_space<vmem>> -> memref<128xi32, #tpu.memory_space<vmem>>
      %dma_wait3A_592 = arith.constant 0 : i32
      %dma_wait3A_593 = arith.constant 0 : i32
      %dma_wait3A_594 = tpu.memref_slice %arg28[%dma_wait3A_592, %dma_wait3A_593] : memref<640x16xf32, #tpu.memory_space<vmem_shared>> -> memref<640x16xf32, #tpu.memory_space<vmem_shared>>
      tpu.wait_indirect_dma semaphore(%run_scoped3A_576 : memref<!tpu.dma_semaphore, #tpu.memory_space<semaphore_mem>>) src(%dma_wait3A_588 : memref<128x16xf32, #tpu.memory_space<vmem>>) dst(%dma_wait3A_594 : memref<640x16xf32, #tpu.memory_space<vmem_shared>>)
      tpu.yield
    }) : () -> ()
    %barrier3A_569 = arith.constant 0 : index
    tpu.barrier barrier_id(%barrier3A_569)
    %mul3A_570 = arith.constant 640 : i32
    %mul3A_571 = arith.muli %arg1, %mul3A_570 : i32
    "tpu.region"() ({
      %run_scoped3A_576 = tpu.sem_alloc : memref<!tpu.dma_semaphore, #tpu.memory_space<semaphore_mem>>
      %dma_start3A_577 = arith.constant 0 : i32
      %dma_start3A_578 = tpu.memref_slice %arg7[%arg0, %mul3A_571, %dma_start3A_577] : memref<2x10240x128xf32, #tpu.memory_space<hbm>> -> memref<1x640x128xf32, #tpu.memory_space<hbm>>
      %dma_start3A_579 = tpu.memref_squeeze %dma_start3A_578 : memref<1x640x128xf32, #tpu.memory_space<hbm>> -> memref<640x128xf32, #tpu.memory_space<hbm>>
      %dma_start3A_580 = arith.constant 0 : i32
      %dma_start3A_581 = tpu.memref_slice %arg27[%mul3A_571, %dma_start3A_580] : memref<10240x128xf32, #tpu.memory_space<vmem_shared>> -> memref<640x128xf32, #tpu.memory_space<vmem_shared>>
      tpu.enqueue_dma source(%dma_start3A_581 : memref<640x128xf32, #tpu.memory_space<vmem_shared>>) target(%dma_start3A_579 : memref<640x128xf32, #tpu.memory_space<hbm>>) target_semaphore(%run_scoped3A_576 : memref<!tpu.dma_semaphore, #tpu.memory_space<semaphore_mem>>)
      %dma_wait3A_582 = arith.constant 0 : i32
      %dma_wait3A_583 = tpu.memref_slice %arg7[%arg0, %mul3A_571, %dma_wait3A_582] : memref<2x10240x128xf32, #tpu.memory_space<hbm>> -> memref<1x640x128xf32, #tpu.memory_space<hbm>>
      %dma_wait3A_584 = tpu.memref_squeeze %dma_wait3A_583 : memref<1x640x128xf32, #tpu.memory_space<hbm>> -> memref<640x128xf32, #tpu.memory_space<hbm>>
      %dma_wait3A_585 = arith.constant 0 : i32
      %dma_wait3A_586 = tpu.memref_slice %arg27[%mul3A_571, %dma_wait3A_585] : memref<10240x128xf32, #tpu.memory_space<vmem_shared>> -> memref<640x128xf32, #tpu.memory_space<vmem_shared>>
      tpu.wait_dma2 semaphore(%run_scoped3A_576 : memref<!tpu.dma_semaphore, #tpu.memory_space<semaphore_mem>>) src(%dma_wait3A_586 : memref<640x128xf32, #tpu.memory_space<vmem_shared>>) dst(%dma_wait3A_584 : memref<640x128xf32, #tpu.memory_space<hbm>>)
      tpu.yield
    }) : () -> ()
    %mul3A_572 = arith.constant 40 : i32
    %mul3A_573 = arith.muli %arg1, %mul3A_572 : i32
    %mul3A_574 = arith.constant 40 : i32
    %mul3A_575 = arith.muli %arg1, %mul3A_574 : i32
    "tpu.region"() ({
      %run_scoped3A_576 = tpu.sem_alloc : memref<!tpu.dma_semaphore, #tpu.memory_space<semaphore_mem>>
      %dma_start3A_577 = arith.constant 0 : i32
      %dma_start3A_578 = tpu.memref_slice %arg8[%arg0, %mul3A_575, %dma_start3A_577] : memref<2x640x16xf32, #tpu.memory_space<hbm>> -> memref<1x40x16xf32, #tpu.memory_space<hbm>>
      %dma_start3A_579 = tpu.memref_squeeze %dma_start3A_578 : memref<1x40x16xf32, #tpu.memory_space<hbm>> -> memref<40x16xf32, #tpu.memory_space<hbm>>
      %dma_start3A_580 = arith.constant 0 : i32
      %dma_start3A_581 = tpu.memref_slice %arg28[%mul3A_573, %dma_start3A_580] : memref<640x16xf32, #tpu.memory_space<vmem_shared>> -> memref<40x16xf32, #tpu.memory_space<vmem_shared>>
      tpu.enqueue_dma source(%dma_start3A_581 : memref<40x16xf32, #tpu.memory_space<vmem_shared>>) target(%dma_start3A_579 : memref<40x16xf32, #tpu.memory_space<hbm>>) target_semaphore(%run_scoped3A_576 : memref<!tpu.dma_semaphore, #tpu.memory_space<semaphore_mem>>)
      %dma_wait3A_582 = arith.constant 0 : i32
      %dma_wait3A_583 = tpu.memref_slice %arg8[%arg0, %mul3A_575, %dma_wait3A_582] : memref<2x640x16xf32, #tpu.memory_space<hbm>> -> memref<1x40x16xf32, #tpu.memory_space<hbm>>
      %dma_wait3A_584 = tpu.memref_squeeze %dma_wait3A_583 : memref<1x40x16xf32, #tpu.memory_space<hbm>> -> memref<40x16xf32, #tpu.memory_space<hbm>>
      %dma_wait3A_585 = arith.constant 0 : i32
      %dma_wait3A_586 = tpu.memref_slice %arg28[%mul3A_573, %dma_wait3A_585] : memref<640x16xf32, #tpu.memory_space<vmem_shared>> -> memref<40x16xf32, #tpu.memory_space<vmem_shared>>
      tpu.wait_dma2 semaphore(%run_scoped3A_576 : memref<!tpu.dma_semaphore, #tpu.memory_space<semaphore_mem>>) src(%dma_wait3A_586 : memref<40x16xf32, #tpu.memory_space<vmem_shared>>) dst(%dma_wait3A_584 : memref<40x16xf32, #tpu.memory_space<hbm>>)
      tpu.yield
    }) : () -> ()
    return
  }
}

module attributes {stable_mosaic.version = 14 : i64} {
  func.func @_fc_body(%arg0: memref<10000x128xf32, #tpu.memory_space<vmem>>, %arg1: memref<128x128xf32, #tpu.memory_space<vmem>>, %arg2: memref<1x128xf32, #tpu.memory_space<vmem>>, %arg3: memref<1x128xf32, #tpu.memory_space<vmem>>, %arg4: memref<10000x128xbf16, #tpu.memory_space<vmem>>, %arg5: memref<10000xf32, #tpu.memory_space<vmem>>, %arg6: memref<10000xf32, #tpu.memory_space<vmem>>) attributes {dimension_semantics = [], scalar_prefetch = 0 : i64, scratch_operands = 0 : i64, tpu.core_type = #tpu.core_type<tc>} {
    %get3A = arith.constant 0 : index
    %get3A_0 = arith.constant 0 : index
    %get3A_1 = vector.load %arg0[%get3A, %get3A_0] : memref<10000x128xf32, #tpu.memory_space<vmem>>, vector<10000x128xf32>
    %get3A_2 = arith.constant 0 : index
    %get3A_3 = arith.constant 0 : index
    %get3A_4 = vector.load %arg1[%get3A_2, %get3A_3] : memref<128x128xf32, #tpu.memory_space<vmem>>, vector<128x128xf32>
    %dot_general3A = arith.constant dense<0.000000e+00> : vector<10000x128xf32>
    %dot_general3A_5 = tpu.matmul %get3A_1, %get3A_4, %dot_general3A {dimension_numbers = #tpu.dot_dimension_numbers<[1], [0], [0], [1], [0, 0, 1, 1], [], []>, transpose_lhs_hint = false} : vector<10000x128xf32>, vector<128x128xf32>, vector<10000x128xf32> -> vector<10000x128xf32>
    %convert_element_type3A = arith.truncf %dot_general3A_5 : vector<10000x128xf32> to vector<10000x128xbf16>
    %swap3A = arith.constant 0 : index
    %swap3A_6 = arith.constant 0 : index
    %swap3A_7 = vector.load %arg4[%swap3A, %swap3A_6] : memref<10000x128xbf16, #tpu.memory_space<vmem>>, vector<10000x128xbf16>
    tpu.vector_store %arg4[%swap3A, %swap3A_6], %convert_element_type3A {strides = array<i32>} : memref<10000x128xbf16, #tpu.memory_space<vmem>>, vector<10000x128xbf16>,
    %get3A_8 = arith.constant 0 : index
    %get3A_9 = arith.constant 0 : index
    %get3A_10 = vector.load %arg2[%get3A_8, %get3A_9] : memref<1x128xf32, #tpu.memory_space<vmem>>, vector<1x128xf32>
    %mul3A = vector.broadcast %get3A_10 : vector<1x128xf32> to vector<10000x128xf32>
    %mul3A_11 = arith.mulf %dot_general3A_5, %mul3A : vector<10000x128xf32>
    %reduce_sum3A = arith.constant dense<0.000000e+00> : vector<10000xf32>
    %reduce_sum3A_12 = vector.multi_reduction <add>, %mul3A_11, %reduce_sum3A [1] : vector<10000x128xf32> to vector<10000xf32>
    %swap3A_13 = arith.constant 0 : index
    %swap3A_14 = vector.load %arg5[%swap3A_13] : memref<10000xf32, #tpu.memory_space<vmem>>, vector<10000xf32>
    tpu.vector_store %arg5[%swap3A_13], %reduce_sum3A_12 {strides = array<i32>} : memref<10000xf32, #tpu.memory_space<vmem>>, vector<10000xf32>,
    %get3A_15 = arith.constant 0 : index
    %get3A_16 = arith.constant 0 : index
    %get3A_17 = vector.load %arg3[%get3A_15, %get3A_16] : memref<1x128xf32, #tpu.memory_space<vmem>>, vector<1x128xf32>
    %mul3A_18 = vector.broadcast %get3A_17 : vector<1x128xf32> to vector<10000x128xf32>
    %mul3A_19 = arith.mulf %dot_general3A_5, %mul3A_18 : vector<10000x128xf32>
    %reduce_sum3A_20 = arith.constant dense<0.000000e+00> : vector<10000xf32>
    %reduce_sum3A_21 = vector.multi_reduction <add>, %mul3A_19, %reduce_sum3A_20 [1] : vector<10000x128xf32> to vector<10000xf32>
    %swap3A_22 = arith.constant 0 : index
    %swap3A_23 = vector.load %arg6[%swap3A_22] : memref<10000xf32, #tpu.memory_space<vmem>>, vector<10000xf32>
    tpu.vector_store %arg6[%swap3A_22], %reduce_sum3A_21 {strides = array<i32>} : memref<10000xf32, #tpu.memory_space<vmem>>, vector<10000xf32>,
    return
  }
}

module attributes {stable_mosaic.version = 14 : i64} {
  func.func @_fin_body(%arg0: memref<2x10240x128xf32, #tpu.memory_space<vmem>>, %arg1: memref<2x10240xf32, #tpu.memory_space<vmem>>, %arg2: memref<10000x128xf32, #tpu.memory_space<vmem>>, %arg3: memref<1x128xf32, #tpu.memory_space<vmem>>, %arg4: memref<10000x128xf32, #tpu.memory_space<vmem>>) attributes {dimension_semantics = [], scalar_prefetch = 0 : i64, scratch_operands = 0 : i64, tpu.core_type = #tpu.core_type<tc>} {
    %get3A = arith.constant 0 : index
    %get3A_0 = arith.constant 0 : index
    %get3A_1 = arith.constant 0 : index
    %get3A_2 = vector.load %arg0[%get3A, %get3A_0, %get3A_1] : memref<2x10240x128xf32, #tpu.memory_space<vmem>>, vector<1x10000x128xf32>
    %get3A_3 = vector.shape_cast %get3A_2 : vector<1x10000x128xf32> to vector<10000x128xf32>
    %get3A_4 = arith.constant 1 : index
    %get3A_5 = arith.constant 0 : index
    %get3A_6 = arith.constant 0 : index
    %get3A_7 = vector.load %arg0[%get3A_4, %get3A_5, %get3A_6] : memref<2x10240x128xf32, #tpu.memory_space<vmem>>, vector<1x10000x128xf32>
    %get3A_8 = vector.shape_cast %get3A_7 : vector<1x10000x128xf32> to vector<10000x128xf32>
    %add3A = arith.addf %get3A_3, %get3A_8 : vector<10000x128xf32>
    %get3A_9 = arith.constant 0 : index
    %get3A_10 = arith.constant 0 : index
    %get3A_11 = vector.load %arg1[%get3A_9, %get3A_10] : memref<2x10240xf32, #tpu.memory_space<vmem>>, vector<1x10000xf32>
    %get3A_12 = vector.shape_cast %get3A_11 : vector<1x10000xf32> to vector<10000xf32>
    %get3A_13 = arith.constant 1 : index
    %get3A_14 = arith.constant 0 : index
    %get3A_15 = vector.load %arg1[%get3A_13, %get3A_14] : memref<2x10240xf32, #tpu.memory_space<vmem>>, vector<1x10000xf32>
    %get3A_16 = vector.shape_cast %get3A_15 : vector<1x10000xf32> to vector<10000xf32>
    %add3A_17 = arith.addf %get3A_12, %get3A_16 : vector<10000xf32>
    %eq3A = arith.constant 0.000000e+00 : f32
    %eq3A_18 = vector.broadcast %eq3A : f32 to vector<10000xf32>
    %eq3A_19 = arith.cmpf oeq, %add3A_17, %eq3A_18 : vector<10000xf32>
    %jit3A = arith.constant 1.000000e+00 : f32
    %broadcast_in_dim3A = vector.broadcast %jit3A : f32 to vector<10000xf32>
    %select_n3A = arith.select %eq3A_19, %broadcast_in_dim3A, %add3A_17 : vector<10000xi1>, vector<10000xf32>
    %broadcast_in_dim3A_20 = vector.shape_cast %select_n3A : vector<10000xf32> to vector<10000x1xf32>
    %div3A = vector.broadcast %broadcast_in_dim3A_20 : vector<10000x1xf32> to vector<10000x128xf32>
    %div3A_21 = arith.divf %add3A, %div3A : vector<10000x128xf32>
    %get3A_22 = arith.constant 0 : index
    %get3A_23 = arith.constant 0 : index
    %get3A_24 = vector.load %arg2[%get3A_22, %get3A_23] : memref<10000x128xf32, #tpu.memory_space<vmem>>, vector<10000x128xf32>
    %add3A_25 = arith.addf %div3A_21, %get3A_24 : vector<10000x128xf32>
    %get3A_26 = arith.constant 0 : index
    %get3A_27 = arith.constant 0 : index
    %get3A_28 = vector.load %arg3[%get3A_26, %get3A_27] : memref<1x128xf32, #tpu.memory_space<vmem>>, vector<1x128xf32>
    %add3A_29 = vector.broadcast %get3A_28 : vector<1x128xf32> to vector<10000x128xf32>
    %add3A_30 = arith.addf %add3A_25, %add3A_29 : vector<10000x128xf32>
    %swap3A = arith.constant 0 : index
    %swap3A_31 = arith.constant 0 : index
    %swap3A_32 = vector.load %arg4[%swap3A, %swap3A_31] : memref<10000x128xf32, #tpu.memory_space<vmem>>, vector<10000x128xf32>
    tpu.vector_store %arg4[%swap3A, %swap3A_31], %add3A_30 {strides = array<i32>} : memref<10000x128xf32, #tpu.memory_space<vmem>>, vector<10000x128xf32>,
    return
  }
}

</mosaic_0001>

<sc_bundles>
// kernel: kernel.5.cloned.1.call-start
scs
__scs_entry_jumppad:
0x0: {  	(pc) =	sbr.rel $0x88, $3  }
0x1: {  	(tag) =	ssettag $0x0;
	lr =	simm.s32 $0x1  }
0x2: {  	[smem:$0x3F9B] =	sst lr;
	_ =	strace $0xD0000000  }
0x3: {  	_ = 	snop  }
0x4: {  	_ = 	snop  }
0x5: {  	_ = 	snop  }
0x6: {  	_ = 	snop  }
0x7: {  	_ = 	snop  }
__scs_overlays_trampoline_lowered:
0x8: {  	[smem:$0x3FAA] =	sst s0  }
0x9: {  	[smem:$0x3FAB] =	sst s1  }
0xa: {  	[smem:$0x3FAC] =	sst s2  }
0xb: {  	[smem:$0x3FAD] =	sst s3  }
0xc: {  	[smem:$0x3FAE] =	sst s4  }
0xd: {  	[smem:$0x3FAF] =	sst s5  }
0xe: {  	[smem:$0x3FB0] =	sst s6  }
0xf: {  	[smem:$0x3FB1] =	sst s7  }
0x10: {  	[smem:$0x3FB2] =	sst s8  }
0x11: {  	[smem:$0x3FB3] =	sst s9;
	s0 =	simm.s32 @!p0 $0x0  }
0x12: {  	s1 =	sld [smem:$0x3F99];
	s0 =	simm.s32 @p0 $0x1  }
0x13: {  	[smem:$0x3FB4] =	sst s0;
	s0 =	simm.s32 @!p1 $0x0  }
0x14: {  	s2 =	sld [smem:$0x3F98];
	s0 =	simm.s32 @p1 $0x1  }
0x15: {  	[smem:$0x3FB5] =	sst s0;
	s0 =	simm.s32 @!p2 $0x0  }
0x16: {  	s3 =	sld [smem:$0x3FDB];
	s0 =	simm.s32 @p2 $0x1  }
0x17: {  	s4 =	simm.s32 $0x1BF5;
	[smem:$0x3FB7] =	sst s0  }
0x18: {  	s0 =	sld [smem:$0x3F9A];
	_ =	swait.ge [sflag:s4], $0x0  }
0x19: {  	s7 =	sld [smem:$0x3F9B]  }
0x1a: {  	s8 =	sadd.s32 $0xFFFFE003, lr  }
0x1b: {  	s9 =	sadd.s32 $0xFFFFFEF7, lr;
	s5 =	simm.s32 $0xFFFFFFFF;
	p2 =	slt.u32 s8, $0xFFFFF086  }
0x1c: {  	p1 =	slt.u32 s9, $0xF7A;
	s5 =	simm.s32 @!p2 $0x0  }
0x1d: {  	s5 =	simm.s32 @p1 $0x1;
	p0 =	seq.s32 s7, s2  }
0x1e: {  	s7 =	smul.u32 @!p0 $0xF7A, s2;
	p2 =	seq.s32 @!p0 s5, $0x0  }
0x1f: {  	s9 =	smul.u32 $0xF7A, s1;
	s8 =	simm.s32 @!p0 $0x1BF5;
	p2 =	por !p2, p0  }
0x20: {  	[sflag:s8] =	ssyncset.s32 @!p0 $0xFFFFF086;
	s6 =	sadd.s32 @!p0 s3, s7;
	s7 =	simm.s32 @!p0 $0x108  }
0x21: {  	s3 =	sadd.s32 s3, s9;
	s6 =	sadd.s32 @!p0 $0x88, s6;
	s7 =	simm.s32 @p2 $0x1082  }
0x22: {  	[simem:s7], [sflag:s8] =	dma.local @!p0 [hbm:s6], $0xF7A  }
0x23: {  	s9 =	sor.u32 $0xD0000000, s2;
	s6 =	simm.s32 $0x108;
	_ =	swait.ge @!p0 [sflag:s8], $0x0  }
0x24: {  	s3 =	sadd.s32 $0x88, s3;
	s6 =	simm.s32 @!p1 $0x1082;
	[sflag:s4] =	ssyncset.s32 $0xFFFFF086  }
0x25: {  	[simem:s6], [sflag:s4] =	dma.local [hbm:s3], $0xF7A  }
0x26: {  	[smem:$0x3F9B] =	sst s1;
	(tag) =	ssettag s2;
	_ =	strace s9  }
0x27: {  	s1 =	sld [smem:$0x3FAB]  }
0x28: {  	s2 =	sld [smem:$0x3FAC]  }
0x29: {  	s4 =	sld [smem:$0x3FAE]  }
0x2a: {  	p0 =	seq.s32 s5, $0x0;
	s5 =	sld [smem:$0x3FAF]  }
0x2b: {  	s6 =	sld [smem:$0x3FB0]  }
0x2c: {  	s7 =	sld [smem:$0x3FB1]  }
0x2d: {  	s3 =	simm.s32 $0x108;
	s8 =	sld [smem:$0x3FB2]  }
0x2e: {  	s3 =	simm.s32 @!p0 $0x1082;
	s9 =	sld [smem:$0x3FB3]  }
0x2f: {  	lr =	sadd.s32 s0, s3;
	s0 =	sld [smem:$0x3FAA]  }
0x30: {  	s3 =	sld [smem:$0x3FAD]  }
0x31: {  	[smem:$0x3FB6] =	sst s10  }
0x32: {  	s10 =	sld [smem:$0x3FB4];
	_ =	sdelay $0x3  }
0x33: {  	p0 =	seq.s32 s10, $0x1;
	s10 =	sld [smem:$0x3FB6];
	_ =	sdelay $0x3  }
0x34: {  	[smem:$0x3FB6] =	sst s10  }
0x35: {  	s10 =	sld [smem:$0x3FB5];
	_ =	sdelay $0x3  }
0x36: {  	p1 =	seq.s32 s10, $0x1;
	s10 =	sld [smem:$0x3FB6];
	_ =	sdelay $0x3  }
0x37: {  	[smem:$0x3FB6] =	sst s10  }
0x38: {  	s10 =	sld [smem:$0x3FB7]  }
0x39: {  	_ = 	snop;
	(pc) =	sbr.ind lr, $3  }
0x3a: {  	_ = 	snop  }
0x3b: {  	_ = 	snop  }
0x3c: {  	p2 =	seq.s32 s10, $0x1;
	s10 =	sld [smem:$0x3FB6]  }
0x3d: {  	_ =	shalt  }
0x3e: {  	_ =	shalt  }
0x3f: {  	_ =	shalt  }
0x40: {  	_ =	shalt  }
0x41: {  	_ =	shalt  }
0x42: {  	_ =	shalt  }
0x43: {  	_ =	shalt  }
0x44: {  	_ =	shalt  }
0x45: {  	_ =	shalt  }
0x46: {  	_ =	shalt  }
0x47: {  	_ =	shalt  }
0x48: {  	_ =	shalt  }
0x49: {  	_ =	shalt  }
0x4a: {  	_ =	shalt  }
0x4b: {  	_ =	shalt  }
0x4c: {  	_ =	shalt  }
0x4d: {  	_ =	shalt  }
0x4e: {  	_ =	shalt  }
0x4f: {  	_ =	shalt  }
0x50: {  	_ =	shalt  }
0x51: {  	_ =	shalt  }
0x52: {  	_ =	shalt  }
0x53: {  	_ =	shalt  }
0x54: {  	_ =	shalt  }
0x55: {  	_ =	shalt  }
0x56: {  	_ =	shalt  }
0x57: {  	_ =	shalt  }
0x58: {  	_ =	shalt  }
0x59: {  	_ =	shalt  }
0x5a: {  	_ =	shalt  }
0x5b: {  	_ =	shalt  }
0x5c: {  	_ =	shalt  }
0x5d: {  	_ =	shalt  }
0x5e: {  	_ =	shalt  }
0x5f: {  	_ =	shalt  }
0x60: {  	_ =	shalt  }
0x61: {  	_ =	shalt  }
0x62: {  	_ =	shalt  }
0x63: {  	_ =	shalt  }
0x64: {  	_ =	shalt  }
0x65: {  	_ =	shalt  }
0x66: {  	_ =	shalt  }
0x67: {  	_ =	shalt  }
0x68: {  	_ =	shalt  }
0x69: {  	_ =	shalt  }
0x6a: {  	_ =	shalt  }
0x6b: {  	_ =	shalt  }
0x6c: {  	_ =	shalt  }
0x6d: {  	_ =	shalt  }
0x6e: {  	_ =	shalt  }
0x6f: {  	_ =	shalt  }
0x70: {  	_ =	shalt  }
0x71: {  	_ =	shalt  }
0x72: {  	_ =	shalt  }
0x73: {  	_ =	shalt  }
0x74: {  	_ =	shalt  }
0x75: {  	_ =	shalt  }
0x76: {  	_ =	shalt  }
0x77: {  	_ =	shalt  }
0x78: {  	_ =	shalt  }
0x79: {  	_ =	shalt  }
0x7a: {  	_ =	shalt  }
0x7b: {  	_ =	shalt  }
0x7c: {  	_ =	shalt  }
0x7d: {  	_ =	shalt  }
0x7e: {  	_ =	shalt  }
0x7f: {  	_ =	shalt  }
0x80: {  	_ =	shalt  }
0x81: {  	_ =	shalt  }
0x82: {  	_ =	shalt  }
0x83: {  	_ =	shalt  }
0x84: {  	_ =	shalt  }
0x85: {  	_ =	shalt  }
0x86: {  	_ =	shalt  }
0x87: {  	_ =	shalt  }
.Lfunc_end0:
.L_simem_size_0:
called_computation_lowered:
.L_overlay_start_0:
0x88: {  	s2 =	sld [smem:$0x3FD9]  }
0x89: {  	s3 =	sld [smem:$0x3FFE];
	_ =	sdelay $0x1  }
0x8a: {  	s1 =	srdreg.scid  }
0x8b: {  	s0 =	sand.u32 $0x1, s1  }
0x8c: {  	s17 =	sshll.u32 s0, $0xA;
	s2 =	sadd.s32 s3, s2  }
0x8d: {  	s2 =	sadd.s32 s2, s17  }
0x8e: {  	[smem:$0x3FC2] =	sst s2  }
0x8f: {  	_ = 	snop  }
0x90: {  	s2 =	sld [smem:$0x3FD0];
	(tm) =	ssettm $0x1  }
0x91: {  	s18 =	sld [smem:$0x3FFB];
	_ =	sdelay $0x3  }
0x92: {  	_ =	strace s18  }
0x93: {  	s3 =	sld [smem:$0x3FFC];
	_ =	sdelay $0x3  }
0x94: {  	_ =	strace s3  }
0x95: {  	s3 =	sld [smem:$0x3FFD];
	_ =	sdelay $0x3  }
0x96: {  	_ =	strace s3  }
0x97: {  	_ =	strace $0x8FFFFFFF  }
0x98: {  	s19 =	sld [smem:$0x3FDB];
	_ =	sdelay $0x1  }
0x99: {  	s4 =	simm.s32 $_scs_section_size  }
0x9a: {  	s5 =	simm.s32 $_size__tile_overlayer_lowered;
	s6 =	simm.s32 $_tile_overlayer_lowered  }
0x9b: {  	s22 =	simm.s32 $0x1BFF;
	s21 =	sshll.u32 s6, $0x1;
	s3 =	sadd.s32 s4, s19  }
0x9c: {  	s7 =	simm.s32 $0x0;
	s20 =	sshll.u32 s5, $0x1;
	s5 =	sadd.s32 s21, s3  }
0x9d: {  	[timem:s7], [sflag:s22] =	dma.local [hbm:s5], s20  }
0x9e: {  	_ =	swait.ge [sflag:s22], s20  }
0x9f: {  	s4 =	ssub.s32 $0x0, s20;
	[sflag:s22] =	ssyncset.done $0x0  }
0xa0: {  	[sflag:s22] =	ssyncadd.s32 s4;
	_ =	sdelay $0x1  }
0xa1: {  	s23 =	simm.s32 $0x1B8B  }
0xa2: {  	_ =	swait.ge [sflag:s23], $0x1  }
0xa3: {  	[sflag:s23] =	ssyncset.done $0x0  }
0xa4: {  	s25 =	simm.s32 $0x1B8E;
	s24 =	sld [smem:$0x3FFE];
	[sflag:s23] =	ssyncadd.s32 $0xFFFFFFFF  }
0xa5: {  	s26 =	simm.s32 $execute0_lowered;
	[smem:$0x3FD2] =	sst s25  }
0xa6: {  	s5 =	sshll.u32 s26, $0x1;
	_ =	strace $0x80000046;
	[dreg:$0x1] =	wrdreg $0xFFFFFFFF  }
0xa7: {  	s28 =	simm.s32 $_size_execute0_lowered;
	s3 =	sadd.s32 s3, s5;
	[dreg:$0x0] =	wrdreg $0x0  }
0xa8: {  	s5 =	sshll.u32 s28, $0x1;
	[dreg:$0x2] =	wrdreg s3  }
0xa9: {  	[dreg:$0x3] =	wrdreg s5  }
0xaa: {  	[dreg:$0x4] =	wrdreg $0xC0  }
0xab: {  	_ =	task [dreg:s7], $0x5FFFF  }
0xac: {  	[dreg:$0x1] =	wrdreg $0xFFFFFFFF  }
0xad: {  	[dreg:$0x0] =	wrdreg $0x60  }
0xae: {  	[dreg:$0x2] =	wrdreg s24  }
0xaf: {  	[dreg:$0x3] =	wrdreg s2  }
0xb0: {  	[dreg:$0x4] =	wrdreg $0xA6400  }
0xb1: {  	[dreg:$0x5] =	wrdreg $0x1E6400  }
0xb2: {  	[dreg:$0x6] =	wrdreg $0x9  }
0xb3: {  	_ =	task.clear_ibuf [dreg:s7], $0x7FFFF;
	_ =	strace $0x90000046  }
0xb4: {  	s29 =	simm.s32 $0x9;
	_ =	strace $0x80000048  }
0xb5: {  	_ =	swait.ge [sflag:s29], $0x1  }
0xb6: {  	[sflag:s29] =	ssyncadd.s32 $0xFFFFFFFF  }
0xb7: {  	_ =	strace $0x90000048  }
0xb8: {  	_ =	sfence  }
0xb9: {  	s30 =	sld [smem:$0x0];
	_ =	sdelay $0x2  }
0xba: {  	s31 =	sshll.u32 s1, $0xD;
	s1 =	sshrl.u32 s1, $0x2  }
0xbb: {  	s3 =	sand.u32 $0x4000, s31;
	s1 =	sadd.s32 s1, s30  }
0xbc: {  	s0 =	sor.u32 s3, s0;
	s1 =	sshll.u32 s1, $0x11  }
0xbd: {  	s0 =	sor.u32 s1, s0  }
0xbe: {  	s0 =	sadd.s32 $0x8F2B, s0  }
0xbf: {  	[sflag:s0] =	ssyncadd.remote.s32 $0x1  }
0xc0: {  	_ =	sfence.sel $0xFFFF  }
0xc1: {  	[dreg:$0x0] =	wrdreg $0xFFFFFFFF;
	(pc) =	sbr.abs _section_cstart, $3  }
0xc2: {  	[dreg:$0x1] =	wrdreg $0xFFFFFFFF  }
0xc3: {  	_ =	task.clear_ibuf [dreg:s7], $0x2FFFF;
	_ =	strace $0x9FFFFFFF  }
0xc4: {  	(tm) =	ssettm $0x7FFFFFFF  }
0xc5: {  	_ =	shalt  }
tec
execute0_lowered:
.L_overlay_start_1:
0x0: {  	(tag) =	ssettag $0x1  }
0x1: {  	s0 =	rddreg [dreg:$0x0]  }
0x2: {  	s1 =	rddreg [dreg:$0x1]  }
0x3: {  	s3 =	rddreg [dreg:$0x2]  }
0x4: {  	s16 =	rddreg [dreg:$0x3]  }
0x5: {  	s2 =	srdreg.scid;
	s15 =	stileid.u32;
	s5 =	simm.s32 $0x0  }
0x6: {  	s29 =	simm.s32 $0x1E0;
	s30 =	simm.s32 $0x5;
	s31 =	simm.s32 $0x7BC0  }
0x7: {  	s2 =	sand.u32 $0x1, s2;
	s4 =	smul.u32 $0x14000, s15;
	[smem:$0x7FF] =	sst s5  }
0x8: {  	s11 =	smul.u32 $0x280, s15;
	s6 =	sadd.s32 $0xAC00, s0;
	s7 =	sadd.s32 $0xE00, s0  }
0x9: {  	s8 =	sadd.s32 $0x14A00, s0;
	s9 =	sadd.s32 $0x15000, s0;
	s13 =	smul.u32 $0x50000, s15  }
0xa: {  	s26 =	sshll.u32 s15, $0x1;
	s10 =	smul.u32 $0x140000, s2;
	_ =	strace $0x80000047  }
0xb: {  	s12 =	smul.u32 $0x2800, s2;
	s14 =	ssub.s32 $0x2, s2;
	s2 =	sor.u32 s2, s26  }
0xc: {  	s25 =	sshrl.u32 s14, $0x1;
	s13 =	sshrl.u32 s13, $0x2;
	s2 =	smul.u32 $0x2710, s2  }
0xd: {  	s10 =	sadd.s32 s4, s10;
	s12 =	sadd.s32 s11, s12;
	s13 =	sadd.s32 s13, s3  }
0xe: {  	s10 =	sshrl.u32 s10, $0x3;
	s12 =	sshrl.u32 s12, $0x3;
	s28 =	sadd.s32 $0x2800, s13  }
0xf: {  	s15 =	sadd.s32 $0x5000, s13;
	s17 =	sadd.s32 $0x7800, s13;
	[dreg:$0x6] =	wrdreg s28  }
0x10: {  	s18 =	sadd.s32 $0xA000, s13;
	s19 =	sadd.s32 $0xC800, s13;
	[dreg:$0x7] =	wrdreg s15  }
0x11: {  	v0 =	vimm.f32 $0.0e+00;
	v1 =	vlaneseq.u32;
	s20 =	sadd.s32 $0xF000, s13;
	s21 =	sadd.s32 $0x11800, s13;
	[dreg:$0x8] =	wrdreg s17  }
0x12: {  	v2 =	vor.u32 $0x10, v1;
	v3 =	vor.u32 $0x20, v1;
	v4 =	vor.u32 $0x30, v1;
	s22 =	sshrl.u32 s2, $0x3;
	s13 =	simm.s32 $0x0;
	[dreg:$0x9] =	wrdreg s18  }
0x13: {  	v5 =	vor.u32 $0x40, v1;
	v6 =	vor.u32 $0x50, v1;
	v7 =	vor.u32 $0x60, v1;
	s10 =	sadd.s32 s10, s0;
	s0 =	sadd.s32 s12, s0;
	[dreg:$0xa] =	wrdreg s19  }
0x14: {  	v8 =	vor.u32 $0x70, v1;
	v9 =	vor.u32 $0x80, v1;
	v10 =	vor.u32 $0x90, v1;
	s12 =	ssub.s32 s14, s25;
	s14 =	sadd.s32 s4, s3;
	[dreg:$0xb] =	wrdreg s20  }
0x15: {  	v11 =	vor.u32 $0xA0, v1;
	v12 =	vor.u32 $0xB0, v1;
	v13 =	vor.u32 $0xC0, v1;
	[dreg:$0xc] =	wrdreg s21;
	s15 =	sadd.s32 s11, s16;
	s23 =	sadd.s32 s6, s22  }
0x16: {  	v14 =	vor.u32 $0xD0, v1;
	v15 =	vor.u32 $0xE0, v1;
	v16 =	vor.u32 $0xF0, v1;
	s24 =	sadd.s32 s7, s22;
	s4 =	sadd.s32 $0xA, s22;
	[dreg:$0xe] =	wrdreg s23  }
0x17: {  	v17 =	vor.u32 $0x100, v1;
	v18 =	vor.u32 $0x110, v1;
	v19 =	vor.u32 $0x120, v1;
	s11 =	simm.s32 $0x3E30;
	s19 =	simm.s32 $0x2;
	[dreg:$0xf] =	wrdreg s24  }
0x18: {  	v20 =	vor.u32 $0x130, v1;
	v21 =	vor.u32 $0x140, v1;
	v22 =	vor.u32 $0x150, v1;
	s20 =	simm.s32 $0x4;
	s21 =	simm.s32 $0x3;
	[dreg:$0x5] =	wrdreg s14  }
0x19: {  	v23 =	vor.u32 $0x160, v1;
	v24 =	vor.u32 $0x170, v1;
	v25 =	vor.u32 $0x180, v1;
	s22 =	simm.s32 $0x3ED0;
	s25 =	sadd.s32 s6, s4;
	[dreg:$0xd] =	wrdreg s15  }
0x1a: {  	v26 =	vor.u32 $0x190, v1;
	v27 =	vor.u32 $0x1A0, v1;
	v28 =	vor.u32 $0x1B0, v1;
	s4 =	sadd.s32 s7, s4;
	s23 =	sadd.s32 $0xA0, s2;
	[dreg:$0x10] =	wrdreg s25  }
0x1b: {  	v29 =	vor.u32 $0x1C0, v1;
	v30 =	vor.u32 $0x1D0, v1;
	v31 =	vor.u32 $0x1E0, v1;
	s24 =	sadd.s32 $0xF0, s2;
	s26 =	sadd.s32 $0x16000, s10;
	[dreg:$0x11] =	wrdreg s4  }
0x1c: {  	v32 =	vor.u32 $0x1F0, v1;
	v33 =	vor.u32 $0x200, v1;
	v34 =	vor.u32 $0x210, v1;
	s0 =	sadd.s32 $0x15600, s0;
	s28 =	smax.u32 s12, $0x1;
	[dreg:$0x12] =	wrdreg s26  }
0x1d: {  	v35 =	vor.u32 $0x220, v1;
	v36 =	vor.u32 $0x230, v1;
	v37 =	vor.u32 $0x240, v1;
	s2 =	simm.s32 $0x3DE0;
	s12 =	simm.s32 $0x1;
	[dreg:$0x13] =	wrdreg s0  }
0x1e: {  	v38 =	vor.u32 $0x250, v1;
	v39 =	vor.u32 $0x260, v1;
	v40 =	vor.u32 $0x270, v1;
	s10 =	simm.s32 $0xF0;
	[dreg:$0x14] =	wrdreg s28;
	s0 =	simm.s32 $0x50  }
.LBB2_1:
0x1f: {  	[dreg:$0x15] =	wrdreg s13;
	s4 =	simm.s32 $0x0;
	s13 =	simm.s32 $0x200  }
.LBB2_2:
0x20: {  	p0 =	sne.s32 s13, $0x9E00;
	[tilespmem:s4+$0x250] =	vst v0  }
0x21: {  	[tilespmem:s4+$0x1E0] =	vst v0  }
0x22: {  	[tilespmem:s4+$0x1F0] =	vst v0  }
.Ltmp0:
0x23: {  	[tilespmem:s4+$0x200] =	vst v0;
	(pc) =	sbr.rel @p0 .LBB2_2-.Ltmp0, $4  }
0x24: {  	[tilespmem:s4+$0x210] =	vst v0  }
0x25: {  	[tilespmem:s4+$0x220] =	vst v0  }
0x26: {  	[tilespmem:s4+$0x230] =	vst v0  }
0x27: {  	[tilespmem:s4+$0x240] =	vst v0;
	s4 =	sshra.s32 s13, $0x2;
	s13 =	sadd.s32 $0x200, s13  }
0x28: {  	[tilespmem:s4+$0x250] =	vst v0  }
0x29: {  	[tilespmem:s4+$0x1E0] =	vst v0  }
0x2a: {  	[tilespmem:s4+$0x1F0] =	vst v0  }
0x2b: {  	[tilespmem:s4+$0x200] =	vst v0  }
0x2c: {  	[tilespmem:s4+$0x210] =	vst v0  }
0x2d: {  	[tilespmem:s4+$0x220] =	vst v0  }
0x2e: {  	[tilespmem:s4+$0x230] =	vst v0  }
0x2f: {  	[tilespmem:s4+$0x240] =	vst v0;
	s4 =	simm.s32 $0x0;
	s13 =	simm.s32 $0x200  }
.LBB2_4:
0x30: {  	p0 =	sne.s32 s13, $0x9E00;
	[tilespmem:s4+$0x4030] =	vst v0  }
0x31: {  	[tilespmem:s4+$0x3FC0] =	vst v0  }
0x32: {  	[tilespmem:s4+$0x3FD0] =	vst v0  }
.Ltmp1:
0x33: {  	[tilespmem:s4+$0x3FE0] =	vst v0;
	(pc) =	sbr.rel @p0 .LBB2_4-.Ltmp1, $4  }
0x34: {  	[tilespmem:s4+$0x3FF0] =	vst v0  }
0x35: {  	[tilespmem:s4+$0x4000] =	vst v0  }
0x36: {  	[tilespmem:s4+$0x4010] =	vst v0  }
0x37: {  	[tilespmem:s4+$0x4020] =	vst v0;
	s4 =	sshra.s32 s13, $0x2;
	s13 =	sadd.s32 $0x200, s13  }
0x38: {  	[tilespmem:s4+$0x4030] =	vst v0  }
0x39: {  	[tilespmem:s4+$0x3FC0] =	vst v0  }
0x3a: {  	[tilespmem:s4+$0x3FD0] =	vst v0  }
0x3b: {  	[tilespmem:s4+$0x3FE0] =	vst v0  }
0x3c: {  	[tilespmem:s4+$0x3FF0] =	vst v0  }
0x3d: {  	[tilespmem:s4+$0x4000] =	vst v0  }
0x3e: {  	[tilespmem:s4+$0x4010] =	vst v0  }
0x3f: {  	[tilespmem:s4+$0x4020] =	vst v0;
	s4 =	simm.s32 $0x40;
	s13 =	simm.s32 $0x0  }
.LBB2_6:
0x40: {  	p0 =	sne.s32 s4, $0x9FC0;
	[tilespmem:s13+$0x7BC0] =	vst v0;
	s13 =	smov.u32 s4;
	s4 =	sadd.s32 $0x40, s4  }
.Ltmp2:
0x41: {  	(pc) =	sbr.rel @p0 .LBB2_6-.Ltmp2, $2  }
0x42: {  	_ =	sdelay $0x2  }
0x43: {  	s13 =	sshra.s32 s13, $0x2  }
0x44: {  	[tilespmem:s13+$0x7BC0] =	vst v0  }
0x45: {  	[tilespmem:$0xA3C0] =	vst v1  }
0x46: {  	[tilespmem:$0xA3D0] =	vst v2  }
0x47: {  	[tilespmem:$0xA3E0] =	vst v3  }
0x48: {  	[tilespmem:$0xA3F0] =	vst v4  }
0x49: {  	[tilespmem:$0xA400] =	vst v5  }
0x4a: {  	[tilespmem:$0xA410] =	vst v6  }
0x4b: {  	[tilespmem:$0xA420] =	vst v7  }
0x4c: {  	[tilespmem:$0xA430] =	vst v8  }
0x4d: {  	[tilespmem:$0xA440] =	vst v9  }
0x4e: {  	[tilespmem:$0xA450] =	vst v10  }
0x4f: {  	[tilespmem:$0xA460] =	vst v11  }
0x50: {  	[tilespmem:$0xA470] =	vst v12  }
0x51: {  	[tilespmem:$0xA480] =	vst v13  }
0x52: {  	[tilespmem:$0xA490] =	vst v14  }
0x53: {  	[tilespmem:$0xA4A0] =	vst v15  }
0x54: {  	[tilespmem:$0xA4B0] =	vst v16  }
0x55: {  	[tilespmem:$0xA4C0] =	vst v17  }
0x56: {  	[tilespmem:$0xA4D0] =	vst v18  }
0x57: {  	[tilespmem:$0xA4E0] =	vst v19  }
0x58: {  	[tilespmem:$0xA4F0] =	vst v20  }
0x59: {  	[tilespmem:$0xA500] =	vst v21  }
0x5a: {  	[tilespmem:$0xA510] =	vst v22  }
0x5b: {  	[tilespmem:$0xA520] =	vst v23  }
0x5c: {  	[tilespmem:$0xA530] =	vst v24  }
0x5d: {  	[tilespmem:$0xA540] =	vst v25  }
0x5e: {  	[tilespmem:$0xA550] =	vst v26  }
0x5f: {  	[tilespmem:$0xA560] =	vst v27  }
0x60: {  	[tilespmem:$0xA570] =	vst v28  }
0x61: {  	[tilespmem:$0xA580] =	vst v29  }
0x62: {  	[tilespmem:$0xA590] =	vst v30  }
0x63: {  	[tilespmem:$0xA5A0] =	vst v31  }
0x64: {  	[tilespmem:$0xA5B0] =	vst v32  }
0x65: {  	[tilespmem:$0xA5C0] =	vst v33  }
0x66: {  	[tilespmem:$0xA5D0] =	vst v34  }
0x67: {  	[tilespmem:$0xA5E0] =	vst v35  }
0x68: {  	[tilespmem:$0xA5F0] =	vst v36  }
0x69: {  	[tilespmem:$0xA600] =	vst v37  }
0x6a: {  	[tilespmem:$0xA610] =	vst v38  }
0x6b: {  	[tilespmem:$0xA620] =	vst v39  }
0x6c: {  	[tilespmem:$0xA630] =	vst v40  }
0x6d: {  	[spmem:s14] =	stream.linear.scatter [tilespmem:s29], [sflag:$0x5], $0x2800, $0x38;
	[tilespmem:$0x1E8C0] =	vst v63  }
0x6e: {  	_ =	swait.ge [sflag:s30], $0x2800  }
0x6f: {  	[sflag:s30] =	ssyncset.done $0x0  }
0x70: {  	s4 =	rddreg [dreg:$0x6];
	[sflag:s30] =	ssyncadd.s32 $0xFFFFD800  }
0x71: {  	[spmem:s4] =	stream.linear.scatter [tilespmem:s29], [sflag:$0x5], $0x2800, $0x38;
	[tilespmem:$0x1E8C0] =	vst v63  }
0x72: {  	_ =	swait.ge [sflag:s30], $0x2800  }
0x73: {  	[sflag:s30] =	ssyncset.done $0x0  }
0x74: {  	s13 =	rddreg [dreg:$0x7];
	[sflag:s30] =	ssyncadd.s32 $0xFFFFD800  }
0x75: {  	[spmem:s13] =	stream.linear.scatter [tilespmem:s29], [sflag:$0x5], $0x2800, $0x38;
	[tilespmem:$0x1E8C0] =	vst v63  }
0x76: {  	_ =	swait.ge [sflag:s30], $0x2800  }
0x77: {  	[sflag:s30] =	ssyncset.done $0x0  }
0x78: {  	s14 =	rddreg [dreg:$0x8];
	[sflag:s30] =	ssyncadd.s32 $0xFFFFD800  }
0x79: {  	[spmem:s14] =	stream.linear.scatter [tilespmem:s29], [sflag:$0x5], $0x2800, $0x38;
	[tilespmem:$0x1E8C0] =	vst v63  }
0x7a: {  	_ =	swait.ge [sflag:s30], $0x2800  }
0x7b: {  	[sflag:s30] =	ssyncset.done $0x0  }
0x7c: {  	s16 =	rddreg [dreg:$0x9];
	[sflag:s30] =	ssyncadd.s32 $0xFFFFD800  }
0x7d: {  	[spmem:s16] =	stream.linear.scatter [tilespmem:s29], [sflag:$0x5], $0x2800, $0x38;
	[tilespmem:$0x1E8C0] =	vst v63  }
0x7e: {  	_ =	swait.ge [sflag:s30], $0x2800  }
0x7f: {  	[sflag:s30] =	ssyncset.done $0x0  }
0x80: {  	s17 =	rddreg [dreg:$0xa];
	[sflag:s30] =	ssyncadd.s32 $0xFFFFD800  }
0x81: {  	[spmem:s17] =	stream.linear.scatter [tilespmem:s29], [sflag:$0x5], $0x2800, $0x38;
	[tilespmem:$0x1E8C0] =	vst v63  }
0x82: {  	_ =	swait.ge [sflag:s30], $0x2800  }
0x83: {  	[sflag:s30] =	ssyncset.done $0x0  }
0x84: {  	s18 =	rddreg [dreg:$0xb];
	[sflag:s30] =	ssyncadd.s32 $0xFFFFD800  }
0x85: {  	[spmem:s18] =	stream.linear.scatter [tilespmem:s29], [sflag:$0x5], $0x2800, $0x38;
	[tilespmem:$0x1E8C0] =	vst v63  }
0x86: {  	_ =	swait.ge [sflag:s30], $0x2800  }
0x87: {  	[sflag:s30] =	ssyncset.done $0x0  }
0x88: {  	s25 =	rddreg [dreg:$0xc];
	[sflag:s30] =	ssyncadd.s32 $0xFFFFD800  }
0x89: {  	[spmem:s25] =	stream.linear.scatter [tilespmem:s29], [sflag:$0x5], $0x2800, $0x38;
	[tilespmem:$0x1E8C0] =	vst v63  }
0x8a: {  	_ =	swait.ge [sflag:s30], $0x2800  }
0x8b: {  	[sflag:s30] =	ssyncset.done $0x0  }
0x8c: {  	[sflag:s30] =	ssyncadd.s32 $0xFFFFD800  }
0x8d: {  	[spmem:s15] =	stream.linear.scatter [tilespmem:s31], [sflag:$0x5], $0x280, $0x38;
	[tilespmem:$0x1E8C0] =	vst v63  }
0x8e: {  	_ =	swait.ge [sflag:s30], $0x280  }
0x8f: {  	[sflag:s30] =	ssyncset.done $0x0  }
0x90: {  	[sflag:s30] =	ssyncadd.s32 $0xFFFFFD80  }
0x91: {  	[bflag:$0x0] =	sbarrier.arrive $0xFFFF  }
0x92: {  	s4 =	simm.s32 $0x0;
	s26 =	rddreg [dreg:$0xe]  }
0x93: {  	[tilespmem:s4], [sflag:$0x1] =	stream.linear.gather [hbm4b:s26+s4], $0x50, $0x38;
	[tilespmem:$0x1E8C0] =	vst v63  }
0x94: {  	s28 =	rddreg [dreg:$0xf]  }
0x95: {  	[tilespmem:s0], [sflag:$0x1] =	stream.linear.gather [hbm4b:s28+s4], $0x50, $0x38;
	[tilespmem:$0x1E8C0] =	vst v63  }
0x96: {  	s14 =	rddreg [dreg:$0x10]  }
0x97: {  	[tilespmem:s2], [sflag:$0x1] =	stream.linear.gather [hbm4b:s14+s4], $0x50, $0x38;
	[tilespmem:$0x1E8C0] =	vst v63  }
0x98: {  	s17 =	rddreg [dreg:$0x11]  }
0x99: {  	[tilespmem:s11], [sflag:$0x1] =	stream.linear.gather [hbm4b:s17+s4], $0x50, $0x38;
	[tilespmem:$0x1E8C0] =	vst v63  }
0x9a: {  	_ =	swait.ge [sflag:s12], $0x50  }
0x9b: {  	[sflag:s12] =	ssyncset.done $0x0  }
0x9c: {  	[sflag:s12] =	ssyncadd.s32 $0xFFFFFFB0  }
0x9d: {  	_ =	swait.ge [sflag:s12], $0x50  }
0x9e: {  	[sflag:s12] =	ssyncset.done $0x0  }
0x9f: {  	[sflag:s12] =	ssyncadd.s32 $0xFFFFFFB0  }
0xa0: {  	_ =	swait.ge [sflag:s12], $0x50  }
0xa1: {  	[sflag:s12] =	ssyncset.done $0x0  }
0xa2: {  	[sflag:s12] =	ssyncadd.s32 $0xFFFFFFB0  }
0xa3: {  	_ =	swait.ge [sflag:s12], $0x50  }
0xa4: {  	[sflag:s12] =	ssyncset.done $0x0  }
0xa5: {  	[sflag:s12] =	ssyncadd.s32 $0xFFFFFFB0  }
0xa6: {  	v41 =	vld [tilespmem:$0x3E30]  }
0xa7: {  	v42 =	vld [tilespmem:$0x3E40]  }
0xa8: {  	v43 =	vld [tilespmem:$0x3E50]  }
0xa9: {  	v44 =	vld [tilespmem:$0x3E60]  }
0xaa: {  	v45 =	vld [tilespmem:$0x3E70]  }
0xab: {  	[tilespmem:$0x3E80] =	vst v41  }
0xac: {  	[tilespmem:$0x3E90] =	vst v42  }
0xad: {  	[tilespmem:$0x3EA0] =	vst v43  }
0xae: {  	[tilespmem:$0x3EB0] =	vst v44  }
0xaf: {  	s16 =	simm.s32 $0x3FC0;
	s18 =	simm.s32 $0x3E80;
	[tilespmem:$0x3EC0] =	vst v45  }
0xb0: {  	[spmem:s3] =	stream.indirect.scatter.add.f32 [tilespmem:s16], [sflag:$0x4], $0x80, s18, s0, $0xb8;
	[tilespmem:$0x1E8C0] =	vst v63  }
0xb1: {  	s25 =	simm.s32 $0x29E0  }
0xb2: {  	[tilespmem:s25], [sflag:$0x2] =	stream.indirect.gather [hbm4b:s1+s0], $0x40, s4, s0, $0xb8;
	[tilespmem:$0x1E8C0] =	vst v63  }
0xb3: {  	s26 =	simm.s32 $0x140  }
0xb4: {  	[tilespmem:s26], [sflag:$0x2] =	stream.indirect.gather [hbm4b:s8+s0], $0x1, s4, s0, $0xb8;
	[tilespmem:$0x1E8C0] =	vst v63  }
0xb5: {  	s28 =	simm.s32 $0x190  }
0xb6: {  	[tilespmem:s28], [sflag:$0x2] =	stream.indirect.gather [hbm4b:s9+s0], $0x1, s0, s0, $0xb8;
	[tilespmem:$0x1E8C0] =	vst v63  }
0xb7: {  	_ = 	snop  }
0xb8: {  	[tilespmem:s2], [sflag:$0x1] =	stream.linear.gather [hbm4b:s14+s4], $0x50, $0x38;
	[tilespmem:$0x1E8C0] =	vst v63  }
0xb9: {  	s25 =	simm.s32 $0x0  }
0xba: {  	[tilespmem:s11], [sflag:$0x1] =	stream.linear.gather [hbm4b:s17+s4], $0x50, $0x38;
	[tilespmem:$0x1E8C0] =	vst v63  }
.LBB2_8:
0xbb: {  	_ =	swait.ge [sflag:s19], $0x1400  }
0xbc: {  	[sflag:s19] =	ssyncset.done $0x0  }
0xbd: {  	[sflag:s19] =	ssyncadd.s32 $0xFFFFEC00  }
0xbe: {  	_ =	swait.ge [sflag:s19], $0x50  }
0xbf: {  	[sflag:s19] =	ssyncset.done $0x0  }
0xc0: {  	[sflag:s19] =	ssyncadd.s32 $0xFFFFFFB0  }
0xc1: {  	_ =	swait.ge [sflag:s19], $0x50  }
0xc2: {  	[sflag:s19] =	ssyncset.done $0x0  }
0xc3: {  	[sflag:s19] =	ssyncadd.s32 $0xFFFFFFB0  }
0xc4: {  	_ =	swait.ge [sflag:s12], $0x50  }
0xc5: {  	[sflag:s12] =	ssyncset.done $0x0  }
0xc6: {  	[sflag:s12] =	ssyncadd.s32 $0xFFFFFFB0  }
0xc7: {  	_ =	swait.ge [sflag:s12], $0x50  }
0xc8: {  	[sflag:s12] =	ssyncset.done $0x0  }
0xc9: {  	[sflag:s12] =	ssyncadd.s32 $0xFFFFFFB0  }
0xca: {  	_ =	swait.ge [sflag:s20], $0x2800  }
0xcb: {  	[sflag:s20] =	ssyncset.done $0x0  }
0xcc: {  	s13 =	simm.s32 $0x67C0;
	[sflag:s20] =	ssyncadd.s32 $0xFFFFD800  }
0xcd: {  	[tilespmem:s13], [sflag:$0x2] =	stream.indirect.gather [hbm4b:s1+s0], $0x40, s2, s0, $0xb8;
	[tilespmem:$0x1E8C0] =	vst v63  }
0xce: {  	s26 =	simm.s32 $0x3F20  }
0xcf: {  	[tilespmem:s26], [sflag:$0x2] =	stream.indirect.gather [hbm4b:s8+s0], $0x1, s2, s0, $0xb8;
	[tilespmem:$0x1E8C0] =	vst v63  }
0xd0: {  	s14 =	simm.s32 $0x3F70  }
0xd1: {  	[tilespmem:s14], [sflag:$0x2] =	stream.indirect.gather [hbm4b:s9+s0], $0x1, s11, s0, $0xb8;
	[tilespmem:$0x1E8C0] =	vst v63  }
0xd2: {  	v41 =	vld [tilespmem:$0x140]  }
0xd3: {  	v42 =	vld [tilespmem:$0x190];
	_ =	sdelay $0x4  }
0xd4: {  	v41 =	vadd.f32 v42, v41;
	_ =	sdelay $0x1  }
0xd5: {  	v42 =	vmul.f32 $2.000000030e-01, v41  }
0xd6: {  	vm0 =	vge.f32 v41, $0.0e+00  }
0xd7: {  	v41 =	vsel vm0, v41, v42  }
0xd8: {  	v41 =	vmul.f32 $1.442695020e+00, v41;
	_ =	sdelay $0x1  }
0xd9: {  	(erf) = vpow2.f32 v41;
	_ =	sdelay $0x2  }
0xda: {  	v49 =	vld [tilespmem:$0x50];
	_ =	sdelay $0x5  }
0xdb: {  	v50 =	vpop (erf)  }
0xdc: {  	[tilespmem:$0xF0] =	vst v50  }
0xdd: {  	[tilespmem:v49+s31+$0x0] =	vst.idx.add.f32.msk $0xffff, v50  }
0xde: {  	v41 =	vld [tilespmem:$0x150]  }
0xdf: {  	v42 =	vld [tilespmem:$0x1A0];
	_ =	sdelay $0x4  }
0xe0: {  	v41 =	vadd.f32 v42, v41;
	_ =	sdelay $0x1  }
0xe1: {  	v42 =	vmul.f32 $2.000000030e-01, v41  }
0xe2: {  	vm12 =	vge.f32 v41, $0.0e+00  }
0xe3: {  	v41 =	vsel vm12, v41, v42  }
0xe4: {  	v41 =	vmul.f32 $1.442695020e+00, v41;
	_ =	sdelay $0x1  }
0xe5: {  	(erf) = vpow2.f32 v41;
	_ =	sdelay $0x2  }
0xe6: {  	v51 =	vld [tilespmem:$0x60];
	_ =	sdelay $0x5  }
0xe7: {  	v52 =	vpop (erf)  }
0xe8: {  	[tilespmem:$0x100] =	vst v52  }
0xe9: {  	[tilespmem:v51+s31+$0x0] =	vst.idx.add.f32.msk $0xffff, v52  }
0xea: {  	v41 =	vld [tilespmem:$0x160]  }
0xeb: {  	v42 =	vld [tilespmem:$0x1B0];
	_ =	sdelay $0x4  }
0xec: {  	v41 =	vadd.f32 v42, v41;
	_ =	sdelay $0x1  }
0xed: {  	v42 =	vmul.f32 $2.000000030e-01, v41  }
0xee: {  	vm13 =	vge.f32 v41, $0.0e+00  }
0xef: {  	v41 =	vsel vm13, v41, v42  }
0xf0: {  	v41 =	vmul.f32 $1.442695020e+00, v41;
	_ =	sdelay $0x1  }
0xf1: {  	(erf) = vpow2.f32 v41;
	_ =	sdelay $0x2  }
0xf2: {  	v53 =	vld [tilespmem:$0x70];
	_ =	sdelay $0x5  }
0xf3: {  	v54 =	vpop (erf)  }
0xf4: {  	[tilespmem:$0x110] =	vst v54  }
0xf5: {  	[tilespmem:v53+s31+$0x0] =	vst.idx.add.f32.msk $0xffff, v54  }
0xf6: {  	v41 =	vld [tilespmem:$0x170]  }
0xf7: {  	v42 =	vld [tilespmem:$0x1C0];
	_ =	sdelay $0x4  }
0xf8: {  	v41 =	vadd.f32 v42, v41;
	_ =	sdelay $0x1  }
0xf9: {  	v42 =	vmul.f32 $2.000000030e-01, v41  }
0xfa: {  	vm14 =	vge.f32 v41, $0.0e+00  }
0xfb: {  	v41 =	vsel vm14, v41, v42  }
0xfc: {  	v41 =	vmul.f32 $1.442695020e+00, v41;
	_ =	sdelay $0x1  }
0xfd: {  	(erf) = vpow2.f32 v41;
	_ =	sdelay $0x2  }
0xfe: {  	v55 =	vld [tilespmem:$0x80];
	_ =	sdelay $0x5  }
0xff: {  	v56 =	vpop (erf)  }
0x100: {  	[tilespmem:$0x120] =	vst v56  }
0x101: {  	[tilespmem:v55+s31+$0x0] =	vst.idx.add.f32.msk $0xffff, v56  }
0x102: {  	v41 =	vld [tilespmem:$0x180]  }
0x103: {  	v42 =	vld [tilespmem:$0x1D0];
	_ =	sdelay $0x4  }
0x104: {  	v41 =	vadd.f32 v42, v41;
	_ =	sdelay $0x1  }
0x105: {  	v42 =	vmul.f32 $2.000000030e-01, v41  }
0x106: {  	vm15 =	vge.f32 v41, $0.0e+00  }
0x107: {  	v41 =	vsel vm15, v41, v42  }
0x108: {  	v41 =	vmul.f32 $1.442695020e+00, v41;
	_ =	sdelay $0x1  }
0x109: {  	(erf) = vpow2.f32 v41;
	_ =	sdelay $0x2  }
0x10a: {  	v57 =	vld [tilespmem:$0x90]  }
0x10b: {  	s15 =	simm.s32 $0x2  }
0x10c: {  	v58 =	vmov s15  }
0x10d: {  	s16 =	simm.s32 $0x1;
	v42 =	vand.u32 $0xFFFFFFFE, v58  }
0x10e: {  	v44 =	vmov s16;
	v42 =	vbroadcast v42, $0x0  }
0x10f: {  	v44 =	vand.u32 $0xFFFFFFFD, v44  }
0x110: {  	v60 =	vbroadcast v44, $0x0;
	v43 =	vpop (erf)  }
0x111: {  	v59 =	vmov s4;
	[tilespmem:$0x130] =	vst v43  }
0x112: {  	s15 =	simm.s32 $0x2A60;
	v41 =	vand.u32 $0xFFFFFFFC, v59;
	[tilespmem:v57+s31+$0x0] =	vst.idx.add.f32.msk $0xffff, v43  }
0x113: {  	v41 =	vbroadcast v41, $0x0;
	v61 =	vld [tilespmem:s15+$0x0]  }
0x114: {  	v48 =	vld.idx.msk [tilespmem:v42+s10+$0x0], $0xffff  }
0x115: {  	s17 =	simm.s32 $0x3;
	v49 =	vld [tilespmem:s15+$0xFFFFFFC0]  }
0x116: {  	v62 =	vmov s17;
	v47 =	vld.idx.msk [tilespmem:v60+s10+$0x0], $0xffff;
	_ =	sdelay $0x1  }
0x117: {  	v50 =	vld [tilespmem:s15+$0xFFFFFF80];
	v63 =	vunpack.i.l.bf16.f32 v61  }
0x118: {  	v46 =	vld.idx.msk [tilespmem:v41+s10+$0x0], $0xffff;
	v44 =	vunpack.i.u.bf16.f32 v61;
	v43 =	vmul.f32 v63, v48  }
0x119: {  	s26 =	simm.s32 $0x2E0;
	v52 =	vld [tilespmem:s15+$0x40];
	v53 =	vunpack.i.l.bf16.f32 v49;
	v51 =	vmul.f32 v44, v48  }
0x11a: {  	v45 =	vld.idx.msk [tilespmem:v62+s10+$0x0], $0xffff;
	v54 =	vunpack.i.u.bf16.f32 v49;
	v42 =	vmul.f32 v53, v47;
	[tilespmem:s26+$0x0] =	vst v43  }
0x11b: {  	v41 =	vmul.f32 v54, v47;
	[tilespmem:s26+$0x10] =	vst v51  }
0x11c: {  	v55 =	vunpack.i.l.bf16.f32 v50;
	[tilespmem:s26+$0xFFFFFF80] =	vst v42;
	v43 =	vld [tilespmem:s15+$0x10]  }
0x11d: {  	v50 =	vunpack.i.u.bf16.f32 v50;
	v49 =	vmul.f32 v55, v46;
	[tilespmem:s26+$0xFFFFFF90] =	vst v41  }
0x11e: {  	v56 =	vunpack.i.l.bf16.f32 v52;
	v50 =	vmul.f32 v50, v46;
	v58 =	vld [tilespmem:s15+$0xFFFFFFD0]  }
0x11f: {  	v57 =	vunpack.i.u.bf16.f32 v52;
	v42 =	vmul.f32 v56, v45;
	[tilespmem:s26+$0xFFFFFF00] =	vst v49  }
0x120: {  	v41 =	vmul.f32 v57, v45;
	[tilespmem:s26+$0xFFFFFF10] =	vst v50  }
0x121: {  	v50 =	vld [tilespmem:s15+$0xFFFFFF90];
	[tilespmem:s26+$0x80] =	vst v42;
	v59 =	vunpack.i.l.bf16.f32 v43  }
0x122: {  	[tilespmem:s26+$0x90] =	vst v41;
	v60 =	vunpack.i.u.bf16.f32 v43;
	v61 =	vmul.f32 v59, v48  }
0x123: {  	v63 =	vld [tilespmem:s15+$0x50];
	v55 =	vunpack.i.l.bf16.f32 v58;
	v62 =	vmul.f32 v60, v48  }
0x124: {  	v56 =	vunpack.i.u.bf16.f32 v58;
	v43 =	vmul.f32 v55, v47;
	[tilespmem:s26+$0x20] =	vst v61  }
0x125: {  	v41 =	vmul.f32 v56, v47;
	[tilespmem:s26+$0x30] =	vst v62  }
0x126: {  	s18 =	simm.s32 $0x4;
	v51 =	vunpack.i.l.bf16.f32 v50;
	v50 =	vunpack.i.u.bf16.f32 v50;
	[tilespmem:s26+$0xFFFFFFA0] =	vst v43  }
0x127: {  	s16 =	simm.s32 $0x6;
	v58 =	vmov s18;
	v51 =	vmul.f32 v51, v46;
	v59 =	vmul.f32 v50, v46;
	[tilespmem:s26+$0xFFFFFFB0] =	vst v41;
	v57 =	vld [tilespmem:s15+$0x20]  }
0x128: {  	v60 =	vunpack.i.l.bf16.f32 v63;
	v43 =	vand.u32 $0xFFFFFFFC, v58;
	v61 =	vmov s16;
	v50 =	vld [tilespmem:s15+$0xFFFFFFE0]  }
0x129: {  	s17 =	simm.s32 $0x5;
	v42 =	vunpack.i.u.bf16.f32 v63;
	[tilespmem:s26+$0xFFFFFF20] =	vst v51;
	v62 =	vand.u32 $0xFFFFFFFE, v61;
	v43 =	vbroadcast v43, $0x0  }
0x12a: {  	v41 =	vmul.f32 v60, v45;
	[tilespmem:s26+$0xFFFFFF30] =	vst v59;
	v58 =	vmov s17;
	v49 =	vbroadcast v62, $0x0  }
0x12b: {  	v42 =	vmul.f32 v42, v45;
	v53 =	vld [tilespmem:s15+$0xFFFFFFA0];
	v60 =	vand.u32 $0xFFFFFFFD, v58  }
0x12c: {  	s13 =	simm.s32 $0x2B60;
	[tilespmem:s26+$0xA0] =	vst v41;
	v54 =	vbroadcast v60, $0x0;
	v63 =	vunpack.i.l.bf16.f32 v57  }
0x12d: {  	v55 =	vld [tilespmem:s13+$0x0];
	[tilespmem:s26+$0xB0] =	vst v42;
	v56 =	vunpack.i.u.bf16.f32 v57;
	v61 =	vunpack.i.l.bf16.f32 v50;
	v57 =	vmul.f32 v63, v48  }
0x12e: {  	s14 =	simm.s32 $0x7;
	v51 =	vld [tilespmem:s15+$0x60];
	v44 =	vmul.f32 v61, v47  }
0x12f: {  	v52 =	vmov s14;
	v59 =	vmul.f32 v56, v48;
	v42 =	vld.idx.msk [tilespmem:v43+s10+$0x0], $0xffff;
	[tilespmem:s26+$0x40] =	vst v57  }
0x130: {  	v62 =	vunpack.i.u.bf16.f32 v50;
	v58 =	vunpack.i.l.bf16.f32 v53;
	v53 =	vunpack.i.u.bf16.f32 v53;
	[tilespmem:s26+$0xFFFFFFC0] =	vst v44;
	v44 =	vld.idx.msk [tilespmem:v49+s10+$0x0], $0xffff  }
0x131: {  	v63 =	vmul.f32 v62, v47;
	[tilespmem:s26+$0x50] =	vst v59;
	v59 =	vmul.f32 v53, v46;
	v53 =	vld [tilespmem:s13+$0xFFFFFFC0]  }
0x132: {  	v56 =	vmul.f32 v58, v46;
	v50 =	vld [tilespmem:s15+$0x30]  }
0x133: {  	v60 =	vunpack.i.l.bf16.f32 v51;
	v43 =	vld.idx.msk [tilespmem:v54+s10+$0x0], $0xffff;
	[tilespmem:s26+$0xFFFFFFD0] =	vst v63  }
0x134: {  	v41 =	vld.idx.msk [tilespmem:v52+s10+$0x0], $0xffff;
	v51 =	vunpack.i.u.bf16.f32 v51;
	[tilespmem:s26+$0xFFFFFF40] =	vst v56;
	v61 =	vmul.f32 v60, v45  }
0x135: {  	v54 =	vld [tilespmem:s13+$0xFFFFFF80];
	v51 =	vmul.f32 v51, v45;
	v63 =	vunpack.i.l.bf16.f32 v55;
	[tilespmem:s26+$0xFFFFFF50] =	vst v59;
	v59 =	vunpack.i.u.bf16.f32 v55  }
0x136: {  	v56 =	vld [tilespmem:s13+$0x40];
	[tilespmem:s26+$0xC0] =	vst v61;
	v52 =	vmul.f32 v63, v44;
	v60 =	vmul.f32 v59, v44  }
0x137: {  	s14 =	simm.s32 $0x4E0;
	[tilespmem:s26+$0xD0] =	vst v51;
	v55 =	vld [tilespmem:s15+$0xFFFFFFF0];
	v61 =	vunpack.i.l.bf16.f32 v53;
	v53 =	vunpack.i.u.bf16.f32 v53;
	v62 =	vunpack.i.u.bf16.f32 v50  }
0x138: {  	v50 =	vunpack.i.l.bf16.f32 v50;
	v51 =	vmul.f32 v61, v43;
	v63 =	vmul.f32 v53, v43;
	[tilespmem:s14+$0x0] =	vst v52  }
0x139: {  	v49 =	vmul.f32 v62, v48;
	v48 =	vmul.f32 v50, v48;
	v50 =	vld [tilespmem:s15+$0xFFFFFFB0];
	[tilespmem:s14+$0x10] =	vst v60  }
0x13a: {  	v52 =	vld [tilespmem:s15+$0x70];
	v62 =	vunpack.i.l.bf16.f32 v54;
	v54 =	vunpack.i.u.bf16.f32 v54;
	[tilespmem:s14+$0xFFFFFF80] =	vst v51  }
0x13b: {  	v57 =	vunpack.i.u.bf16.f32 v56;
	v53 =	vld [tilespmem:s13+$0x10];
	v54 =	vmul.f32 v54, v42;
	[tilespmem:s14+$0xFFFFFF90] =	vst v63  }
0x13c: {  	v60 =	vunpack.i.l.bf16.f32 v56;
	v61 =	vunpack.i.u.bf16.f32 v55;
	[tilespmem:s26+$0x70] =	vst v49;
	v49 =	vmul.f32 v62, v42  }
0x13d: {  	v51 =	vmul.f32 v60, v41;
	v62 =	vunpack.i.l.bf16.f32 v55;
	v55 =	vmul.f32 v57, v41;
	[tilespmem:s14+$0xFFFFFF10] =	vst v54  }
0x13e: {  	s16 =	simm.s32 $0xB;
	v56 =	vmul.f32 v61, v47;
	v57 =	vld [tilespmem:s13+$0xFFFFFFD0];
	v54 =	vmul.f32 v62, v47;
	[tilespmem:s14+$0xFFFFFF00] =	vst v49  }
0x13f: {  	[tilespmem:s14+$0x90] =	vst v55;
	v55 =	vmov s16;
	v58 =	vunpack.i.u.bf16.f32 v50;
	v63 =	vunpack.i.l.bf16.f32 v50  }
0x140: {  	[tilespmem:s26+$0x60] =	vst v48;
	v50 =	vunpack.i.u.bf16.f32 v52;
	v59 =	vld [tilespmem:s13+$0xFFFFFF90];
	v60 =	vunpack.i.l.bf16.f32 v53;
	v49 =	vmul.f32 v63, v46  }
0x141: {  	[tilespmem:s14+$0x80] =	vst v51;
	v61 =	vunpack.i.u.bf16.f32 v53;
	v48 =	vmul.f32 v58, v46;
	v62 =	vmul.f32 v60, v44  }
0x142: {  	s18 =	simm.s32 $0x8;
	[tilespmem:s26+$0xFFFFFFF0] =	vst v56;
	v63 =	vunpack.i.l.bf16.f32 v52;
	v52 =	vld [tilespmem:s13+$0x50];
	v46 =	vmul.f32 v50, v45;
	v51 =	vmul.f32 v61, v44  }
0x143: {  	v47 =	vmul.f32 v63, v45;
	v58 =	vunpack.i.l.bf16.f32 v57;
	v60 =	vmov s18;
	[tilespmem:s14+$0x20] =	vst v62  }
0x144: {  	s17 =	simm.s32 $0x9;
	v61 =	vunpack.i.u.bf16.f32 v57;
	v45 =	vmul.f32 v58, v43;
	v50 =	vand.u32 $0xFFFFFFFC, v60;
	[tilespmem:s14+$0x30] =	vst v51  }
0x145: {  	[tilespmem:s26+$0xFFFFFFE0] =	vst v54;
	v60 =	vmov s17;
	v62 =	vmul.f32 v61, v43;
	v63 =	vunpack.i.l.bf16.f32 v59;
	v57 =	vld [tilespmem:s13+$0x20]  }
0x146: {  	v50 =	vbroadcast v50, $0x0;
	v59 =	vunpack.i.u.bf16.f32 v59;
	[tilespmem:s14+$0xFFFFFFA0] =	vst v45;
	v53 =	vmul.f32 v63, v42  }
0x147: {  	v45 =	vand.u32 $0xFFFFFFFD, v60;
	v61 =	vmul.f32 v59, v42;
	[tilespmem:s14+$0xFFFFFFB0] =	vst v62;
	v62 =	vunpack.i.l.bf16.f32 v52  }
0x148: {  	s18 =	simm.s32 $0xA;
	v52 =	vunpack.i.u.bf16.f32 v52;
	v51 =	vbroadcast v45, $0x0;
	v58 =	vmul.f32 v62, v41;
	v54 =	vld [tilespmem:s13+$0xFFFFFFE0];
	[tilespmem:s14+$0xFFFFFF20] =	vst v53  }
0x149: {  	v63 =	vmov s18;
	v59 =	vmul.f32 v52, v41;
	[tilespmem:s14+$0xFFFFFF30] =	vst v61  }
0x14a: {  	v56 =	vand.u32 $0xFFFFFFFE, v63;
	v53 =	vld [tilespmem:s13+$0xFFFFFFA0];
	[tilespmem:s14+$0xA0] =	vst v58;
	v60 =	vunpack.i.l.bf16.f32 v57  }
0x14b: {  	s28 =	simm.s32 $0x4E0;
	s15 =	simm.s32 $0x2B60;
	s16 =	simm.s32 $0xC;
	v45 =	vld.idx.msk [tilespmem:v55+s10+$0x0], $0xffff;
	v52 =	vbroadcast v56, $0x0;
	[tilespmem:s14+$0xB0] =	vst v59;
	v56 =	vunpack.i.u.bf16.f32 v57;
	v55 =	vmul.f32 v60, v44  }
.LBB2_9:
0x14c: {  	p0 =	slt.u32 s16, $0x4C;
	v56 =	vmul.f32 v56, v44;
	v57 =	vld [tilespmem:s13+$0x60];
	[tilespmem:s26+$0xFFFFFF60] =	vst v49  }
0x14d: {  	v50 =	vld.idx.msk [tilespmem:v50+s10+$0x0], $0xffff;
	v49 =	vunpack.i.u.bf16.f32 v54;
	v54 =	vunpack.i.l.bf16.f32 v54;
	[tilespmem:s14+$0x40] =	vst v55  }
0x14e: {  	v51 =	vld.idx.msk [tilespmem:v51+s10+$0x0], $0xffff;
	v54 =	vmul.f32 v54, v43;
	v49 =	vmul.f32 v49, v43;
	[tilespmem:s14+$0x50] =	vst v56  }
0x14f: {  	s13 =	sadd.s32 $0x100, s13;
	v55 =	vunpack.i.u.bf16.f32 v53;
	v53 =	vunpack.i.l.bf16.f32 v53;
	v56 =	vld [tilespmem:s15+$0x30];
	[tilespmem:s26+$0xFFFFFF70] =	vst v48  }
0x150: {  	v48 =	vld [tilespmem:s13+$0x0];
	v53 =	vmul.f32 v53, v42;
	v55 =	vmul.f32 v55, v42;
	[tilespmem:s14+$0xFFFFFFC0] =	vst v54  }
0x151: {  	v52 =	vld.idx.msk [tilespmem:v52+s10+$0x0], $0xffff;
	[tilespmem:s14+$0xFFFFFFD0] =	vst v49;
	v49 =	vunpack.i.u.bf16.f32 v57;
	v54 =	vunpack.i.l.bf16.f32 v57  }
0x152: {  	v57 =	vld [tilespmem:s13+$0xFFFFFF80];
	[tilespmem:s14+$0xFFFFFF40] =	vst v53;
	v53 =	vmul.f32 v54, v41;
	v49 =	vmul.f32 v49, v41  }
0x153: {  	v54 =	vld [tilespmem:s13+$0xFFFFFFC0];
	[tilespmem:s14+$0xFFFFFF50] =	vst v55  }
0x154: {  	v55 =	vld [tilespmem:s13+$0x40];
	v58 =	vunpack.i.u.bf16.f32 v56;
	v56 =	vunpack.i.l.bf16.f32 v56;
	[tilespmem:s14+$0xC0] =	vst v53  }
0x155: {  	v53 =	vld [tilespmem:s15+$0xFFFFFFF0];
	v56 =	vmul.f32 v56, v44;
	v60 =	vmul.f32 v58, v44;
	[tilespmem:s14+$0xD0] =	vst v49  }
0x156: {  	v49 =	vunpack.i.l.bf16.f32 v48;
	v58 =	vld [tilespmem:s15+$0xFFFFFFB0];
	[tilespmem:s26+$0xE0] =	vst v47  }
0x157: {  	v48 =	vunpack.i.u.bf16.f32 v48;
	v49 =	vmul.f32 v49, v52;
	v44 =	vmovc v52;
	v47 =	vunpack.i.u.bf16.f32 v57;
	[tilespmem:s14+$0x70] =	vst v60;
	v59 =	vld [tilespmem:s15+$0x70];
	s15 =	smov.u32 s13  }
0x158: {  	v52 =	vunpack.i.l.bf16.f32 v57;
	v48 =	vmul.f32 v48, v44;
	s14 =	sadd.s32 $0x200, s14;
	v57 =	vunpack.i.u.bf16.f32 v54;
	[tilespmem:s28+$0x60] =	vst v56  }
0x159: {  	v54 =	vunpack.i.l.bf16.f32 v54;
	[tilespmem:s14+$0x0] =	vst v49;
	v49 =	vunpack.i.u.bf16.f32 v55;
	v55 =	vunpack.i.l.bf16.f32 v55  }
0x15a: {  	v54 =	vmul.f32 v54, v51;
	v56 =	vmul.f32 v57, v51;
	[tilespmem:s14+$0x10] =	vst v48;
	v48 =	vunpack.i.u.bf16.f32 v53  }
0x15b: {  	v52 =	vmul.f32 v52, v50;
	v47 =	vmul.f32 v47, v50;
	v53 =	vunpack.i.l.bf16.f32 v53;
	v57 =	vld [tilespmem:s13+$0x10];
	[tilespmem:s26+$0xF0] =	vst v46;
	s26 =	smov.u32 s28;
	s28 =	smov.u32 s14  }
0x15c: {  	v46 =	vmul.f32 v55, v45;
	v55 =	vunpack.i.u.bf16.f32 v58;
	[tilespmem:s14+$0xFFFFFF80] =	vst v54;
	v54 =	vmul.f32 v49, v45  }
0x15d: {  	v49 =	vunpack.i.l.bf16.f32 v58;
	v58 =	vunpack.i.l.bf16.f32 v59;
	[tilespmem:s14+$0xFFFFFF90] =	vst v56;
	v56 =	vunpack.i.u.bf16.f32 v59  }
0x15e: {  	v53 =	vmul.f32 v53, v43;
	v59 =	vmul.f32 v48, v43;
	v43 =	vmov v51;
	[tilespmem:s14+$0xFFFFFF00] =	vst v52;
	v52 =	vld [tilespmem:s13+$0xFFFFFFD0]  }
0x15f: {  	v49 =	vmul.f32 v49, v42;
	v48 =	vmul.f32 v55, v42;
	v42 =	vmov v50;
	[tilespmem:s14+$0xFFFFFF10] =	vst v47  }
0x160: {  	v47 =	vmul.f32 v58, v41;
	v51 =	vld [tilespmem:s13+$0xFFFFFF90];
	v50 =	vunpack.i.l.bf16.f32 v57;
	[tilespmem:s14+$0x80] =	vst v46;
	v46 =	vmul.f32 v56, v41;
	v41 =	vmovc v45  }
0x161: {  	s17 =	sadd.s32 $0x3, s16;
	v45 =	vunpack.i.u.bf16.f32 v57;
	v50 =	vmul.f32 v50, v44;
	[tilespmem:s14+$0x90] =	vst v54  }
0x162: {  	v55 =	vmov s17;
	v54 =	vmov s16;
	v45 =	vmul.f32 v45, v44;
	v56 =	vld [tilespmem:s13+$0x50];
	[tilespmem:s26+$0xFFFFFFE0] =	vst v53  }
0x163: {  	s17 =	sadd.s32 $0x1, s16;
	v53 =	vand.u32 $0xFFFFFFFC, v54;
	v54 =	vunpack.i.u.bf16.f32 v52;
	v52 =	vunpack.i.l.bf16.f32 v52;
	[tilespmem:s14+$0x20] =	vst v50  }
0x164: {  	v57 =	vmov s17;
	v52 =	vmul.f32 v52, v43;
	v54 =	vmul.f32 v54, v43;
	[tilespmem:s14+$0x30] =	vst v45  }
0x165: {  	v50 =	vbroadcast v53, $0x0;
	v45 =	vunpack.i.u.bf16.f32 v51;
	v51 =	vunpack.i.l.bf16.f32 v51;
	v58 =	vld [tilespmem:s13+$0x20];
	[tilespmem:s26+$0xFFFFFFF0] =	vst v59  }
0x166: {  	v53 =	vand.u32 $0xFFFFFFFD, v57;
	v57 =	vmul.f32 v51, v42;
	v45 =	vmul.f32 v45, v42;
	[tilespmem:s14+$0xFFFFFFA0] =	vst v52  }
.Ltmp3:
0x167: {  	v51 =	vbroadcast v53, $0x0;
	[tilespmem:s14+$0xFFFFFFB0] =	vst v54;
	v52 =	vunpack.i.u.bf16.f32 v56;
	v53 =	vunpack.i.l.bf16.f32 v56;
	(pc) =	sbr.rel @p0 .LBB2_9-.Ltmp3, $4  }
0x168: {  	s17 =	sadd.s32 $0x2, s16;
	[tilespmem:s14+$0xFFFFFF20] =	vst v57;
	v54 =	vld [tilespmem:s13+$0xFFFFFFE0];
	v56 =	vmul.f32 v53, v41;
	v57 =	vmul.f32 v52, v41  }
0x169: {  	v52 =	vmov s17;
	[tilespmem:s14+$0xFFFFFF30] =	vst v45  }
0x16a: {  	v45 =	vand.u32 $0xFFFFFFFE, v52;
	v53 =	vld [tilespmem:s13+$0xFFFFFFA0];
	v59 =	vunpack.i.l.bf16.f32 v58;
	[tilespmem:s14+$0xA0] =	vst v56  }
0x16b: {  	s16 =	sadd.s32 $0x4, s16;
	v52 =	vbroadcast v45, $0x0;
	v56 =	vunpack.i.u.bf16.f32 v58;
	v45 =	vld.idx.msk [tilespmem:v55+s10+$0x0], $0xffff;
	v55 =	vmul.f32 v59, v44;
	[tilespmem:s14+$0xB0] =	vst v57  }
0x16c: {  	[tilespmem:s26+$0xFFFFFF60] =	vst v49  }
0x16d: {  	v56 =	vmul.f32 v56, v44;
	[tilespmem:s26+$0xFFFFFF70] =	vst v48  }
0x16e: {  	v57 =	vld [tilespmem:s13+$0x60];
	[tilespmem:s14+$0x40] =	vst v55  }
0x16f: {  	v60 =	vunpack.i.l.bf16.f32 v54;
	[tilespmem:s14+$0x50] =	vst v56  }
0x170: {  	[tilespmem:s26+$0xE0] =	vst v47;
	v61 =	vunpack.i.u.bf16.f32 v54;
	v49 =	vmul.f32 v60, v43;
	v56 =	vld [tilespmem:s15+$0x30]  }
0x171: {  	s17 =	sadd.s32 $0x100, s13;
	[tilespmem:s26+$0xF0] =	vst v46;
	v54 =	vmul.f32 v61, v43;
	v63 =	vunpack.i.u.bf16.f32 v53  }
0x172: {  	v62 =	vunpack.i.l.bf16.f32 v53;
	[tilespmem:s14+$0xFFFFFFC0] =	vst v49;
	v49 =	vld [tilespmem:s17+$0x0];
	v48 =	vmul.f32 v63, v42  }
0x173: {  	v52 =	vld.idx.msk [tilespmem:v52+s10+$0x0], $0xffff;
	v58 =	vmul.f32 v62, v42;
	[tilespmem:s14+$0xFFFFFFD0] =	vst v54;
	v59 =	vunpack.i.l.bf16.f32 v57  }
0x174: {  	v60 =	vunpack.i.u.bf16.f32 v57;
	v61 =	vmul.f32 v59, v41;
	[tilespmem:s14+$0xFFFFFF50] =	vst v48;
	v48 =	vld [tilespmem:s17+$0xFFFFFFC0]  }
0x175: {  	v51 =	vld.idx.msk [tilespmem:v51+s10+$0x0], $0xffff;
	[tilespmem:s14+$0xFFFFFF40] =	vst v58;
	v62 =	vmul.f32 v60, v41;
	v63 =	vunpack.i.u.bf16.f32 v56  }
0x176: {  	v54 =	vld [tilespmem:s17+$0xFFFFFF80];
	[tilespmem:s14+$0xC0] =	vst v61;
	v57 =	vunpack.i.l.bf16.f32 v56;
	v55 =	vmul.f32 v63, v44  }
0x177: {  	v47 =	vld.idx.msk [tilespmem:v50+s10+$0x0], $0xffff;
	[tilespmem:s14+$0xD0] =	vst v62;
	v58 =	vmul.f32 v57, v44;
	v59 =	vunpack.i.l.bf16.f32 v49  }
0x178: {  	v61 =	vld [tilespmem:s17+$0x40];
	v49 =	vunpack.i.u.bf16.f32 v49;
	v60 =	vmul.f32 v59, v52;
	[tilespmem:s14+$0x70] =	vst v55  }
0x179: {  	s18 =	sadd.s32 $0x200, s14;
	v49 =	vmul.f32 v49, v52;
	v62 =	vunpack.i.l.bf16.f32 v48;
	[tilespmem:s28+$0x60] =	vst v58  }
0x17a: {  	v50 =	vld [tilespmem:s15+$0xFFFFFFF0];
	v48 =	vunpack.i.u.bf16.f32 v48;
	[tilespmem:s18+$0x0] =	vst v60;
	v44 =	vmul.f32 v62, v51  }
0x17b: {  	v63 =	vunpack.i.l.bf16.f32 v54;
	[tilespmem:s18+$0x10] =	vst v49;
	v48 =	vmul.f32 v48, v51  }
0x17c: {  	v58 =	vunpack.i.u.bf16.f32 v54;
	v49 =	vmul.f32 v63, v47;
	v57 =	vld [tilespmem:s17+$0x10];
	[tilespmem:s18+$0xFFFFFF80] =	vst v44  }
0x17d: {  	v59 =	vunpack.i.l.bf16.f32 v61;
	v46 =	vmul.f32 v58, v47;
	[tilespmem:s18+$0xFFFFFF90] =	vst v48  }
0x17e: {  	v60 =	vunpack.i.u.bf16.f32 v61;
	v44 =	vmul.f32 v59, v45;
	[tilespmem:s18+$0xFFFFFF00] =	vst v49;
	v49 =	vld [tilespmem:s17+$0xFFFFFFD0]  }
0x17f: {  	v61 =	vunpack.i.l.bf16.f32 v50;
	v48 =	vmul.f32 v60, v45;
	[tilespmem:s18+$0xFFFFFF10] =	vst v46  }
0x180: {  	v58 =	vunpack.i.u.bf16.f32 v50;
	v62 =	vmul.f32 v61, v43;
	v53 =	vld [tilespmem:s17+$0xFFFFFF90];
	[tilespmem:s18+$0x80] =	vst v44  }
0x181: {  	v60 =	vmul.f32 v58, v43;
	[tilespmem:s18+$0x90] =	vst v48;
	v63 =	vunpack.i.l.bf16.f32 v57  }
0x182: {  	[tilespmem:s28+$0xFFFFFFE0] =	vst v62;
	v59 =	vld [tilespmem:s17+$0x50];
	v57 =	vunpack.i.u.bf16.f32 v57;
	v54 =	vmul.f32 v63, v52  }
0x183: {  	[tilespmem:s28+$0xFFFFFFF0] =	vst v60;
	v44 =	vmul.f32 v57, v52;
	v61 =	vunpack.i.l.bf16.f32 v49  }
0x184: {  	v48 =	vld [tilespmem:s15+$0xFFFFFFB0];
	v49 =	vunpack.i.u.bf16.f32 v49;
	[tilespmem:s18+$0x20] =	vst v54;
	v46 =	vmul.f32 v61, v51  }
0x185: {  	[tilespmem:s18+$0x30] =	vst v44;
	v62 =	vmul.f32 v49, v51;
	v63 =	vunpack.i.l.bf16.f32 v53  }
0x186: {  	v56 =	vunpack.i.u.bf16.f32 v53;
	v54 =	vld [tilespmem:s17+$0x20];
	v49 =	vmul.f32 v63, v47;
	[tilespmem:s18+$0xFFFFFFA0] =	vst v46  }
0x187: {  	v43 =	vmul.f32 v56, v47;
	v57 =	vunpack.i.l.bf16.f32 v59;
	[tilespmem:s18+$0xFFFFFFB0] =	vst v62  }
0x188: {  	v58 =	vunpack.i.u.bf16.f32 v59;
	v44 =	vmul.f32 v57, v45;
	[tilespmem:s18+$0xFFFFFF20] =	vst v49;
	v49 =	vld [tilespmem:s17+$0xFFFFFFE0]  }
0x189: {  	v59 =	vunpack.i.l.bf16.f32 v48;
	v46 =	vmul.f32 v58, v45;
	[tilespmem:s18+$0xFFFFFF30] =	vst v43  }
0x18a: {  	v55 =	vunpack.i.u.bf16.f32 v48;
	v60 =	vmul.f32 v59, v42;
	v61 =	vld [tilespmem:s17+$0xFFFFFFA0];
	[tilespmem:s18+$0xA0] =	vst v44  }
0x18b: {  	v57 =	vmul.f32 v55, v42;
	[tilespmem:s18+$0xB0] =	vst v46;
	v62 =	vunpack.i.l.bf16.f32 v54  }
0x18c: {  	[tilespmem:s28+$0xFFFFFF60] =	vst v60;
	v56 =	vld [tilespmem:s17+$0x60];
	v63 =	vunpack.i.u.bf16.f32 v54;
	v53 =	vmul.f32 v62, v52  }
0x18d: {  	[tilespmem:s28+$0xFFFFFF70] =	vst v57;
	v44 =	vmul.f32 v63, v52;
	v58 =	vunpack.i.l.bf16.f32 v49  }
0x18e: {  	v46 =	vld [tilespmem:s15+$0x70];
	v49 =	vunpack.i.u.bf16.f32 v49;
	[tilespmem:s18+$0x40] =	vst v53;
	v43 =	vmul.f32 v58, v51  }
0x18f: {  	[tilespmem:s18+$0x50] =	vst v44;
	v59 =	vmul.f32 v49, v51;
	v60 =	vunpack.i.l.bf16.f32 v61  }
0x190: {  	v61 =	vunpack.i.u.bf16.f32 v61;
	v53 =	vld [tilespmem:s17+$0x30];
	v49 =	vmul.f32 v60, v47;
	[tilespmem:s18+$0xFFFFFFC0] =	vst v43  }
0x191: {  	v42 =	vmul.f32 v61, v47;
	v62 =	vunpack.i.l.bf16.f32 v56;
	[tilespmem:s18+$0xFFFFFFD0] =	vst v59  }
0x192: {  	v63 =	vunpack.i.u.bf16.f32 v56;
	v43 =	vmul.f32 v62, v45;
	[tilespmem:s18+$0xFFFFFF40] =	vst v49;
	v54 =	vld [tilespmem:s17+$0xFFFFFFF0]  }
0x193: {  	v55 =	vunpack.i.l.bf16.f32 v46;
	v44 =	vmul.f32 v63, v45;
	[tilespmem:s18+$0xFFFFFF50] =	vst v42  }
0x194: {  	v56 =	vmul.f32 v55, v41;
	v60 =	vunpack.i.u.bf16.f32 v46;
	[tilespmem:s18+$0xC0] =	vst v43;
	v58 =	vld [tilespmem:s17+$0xFFFFFFB0]  }
0x195: {  	v63 =	vmul.f32 v60, v41;
	[tilespmem:s18+$0xD0] =	vst v44;
	v57 =	vunpack.i.u.bf16.f32 v53  }
0x196: {  	[tilespmem:s28+$0xE0] =	vst v56;
	v62 =	vld [tilespmem:s17+$0x70];
	v59 =	vunpack.i.l.bf16.f32 v53;
	v49 =	vmul.f32 v57, v52  }
0x197: {  	[tilespmem:s28+$0xF0] =	vst v63;
	v61 =	vmul.f32 v59, v52;
	v50 =	vunpack.i.l.bf16.f32 v54  }
0x198: {  	v52 =	vunpack.i.u.bf16.f32 v54;
	[tilespmem:s18+$0x70] =	vst v49;
	v44 =	vmul.f32 v50, v51  }
0x199: {  	[tilespmem:s18+$0x60] =	vst v61;
	v53 =	vunpack.i.l.bf16.f32 v58;
	v46 =	vmul.f32 v52, v51  }
0x19a: {  	v43 =	vunpack.i.u.bf16.f32 v58;
	v41 =	vmul.f32 v53, v47;
	[tilespmem:s18+$0xFFFFFFE0] =	vst v44  }
0x19b: {  	v54 =	vunpack.i.l.bf16.f32 v62;
	v43 =	vmul.f32 v43, v47;
	[tilespmem:s18+$0xFFFFFFF0] =	vst v46  }
0x19c: {  	v42 =	vunpack.i.u.bf16.f32 v62;
	v44 =	vmul.f32 v54, v45;
	[tilespmem:s18+$0xFFFFFF60] =	vst v41  }
0x19d: {  	v55 =	vmul.f32 v42, v45;
	[tilespmem:s18+$0xFFFFFF70] =	vst v43  }
0x19e: {  	[tilespmem:s18+$0xE0] =	vst v44  }
0x19f: {  	[tilespmem:s18+$0xF0] =	vst v55  }
0x1a0: {  	v41 =	vld [tilespmem:$0x50]  }
0x1a1: {  	v56 =	vld [tilespmem:$0x60]  }
0x1a2: {  	v43 =	vld [tilespmem:$0x70]  }
0x1a3: {  	v44 =	vld [tilespmem:$0x80]  }
0x1a4: {  	v57 =	vld [tilespmem:$0x90]  }
0x1a5: {  	[tilespmem:$0xA0] =	vst v41  }
0x1a6: {  	s26 =	smul.u32 $0xA0, s25;
	[tilespmem:$0xB0] =	vst v56  }
0x1a7: {  	[tilespmem:$0xC0] =	vst v43  }
0x1a8: {  	s17 =	sadd.s32 s26, s23;
	[tilespmem:$0xD0] =	vst v44  }
0x1a9: {  	s16 =	simm.s32 $0xA0;
	s13 =	sshrl.u32 s17, $0x3;
	[tilespmem:$0xE0] =	vst v57  }
0x1aa: {  	[spmem:s3] =	stream.indirect.scatter.add.f32 [tilespmem:s29], [sflag:$0x3], $0x80, s16, s0, $0xb8;
	[tilespmem:$0x1E8C0] =	vst v63  }
0x1ab: {  	s14 =	simm.s32 $0x0;
	s18 =	sadd.s32 s6, s13  }
0x1ac: {  	[tilespmem:s14], [sflag:$0x1] =	stream.linear.gather [hbm4b:s18+s14], $0x50, $0x38;
	[tilespmem:$0x1E8C0] =	vst v63  }
0x1ad: {  	s13 =	sadd.s32 s7, s13  }
0x1ae: {  	[tilespmem:s0], [sflag:$0x1] =	stream.linear.gather [hbm4b:s13+s14], $0x50, $0x38;
	[tilespmem:$0x1E8C0] =	vst v63  }
0x1af: {  	_ =	swait.ge [sflag:s19], $0x1400  }
0x1b0: {  	[sflag:s19] =	ssyncset.done $0x0  }
0x1b1: {  	[sflag:s19] =	ssyncadd.s32 $0xFFFFEC00  }
0x1b2: {  	_ =	swait.ge [sflag:s19], $0x50  }
0x1b3: {  	[sflag:s19] =	ssyncset.done $0x0  }
0x1b4: {  	[sflag:s19] =	ssyncadd.s32 $0xFFFFFFB0  }
0x1b5: {  	_ =	swait.ge [sflag:s19], $0x50  }
0x1b6: {  	[sflag:s19] =	ssyncset.done $0x0  }
0x1b7: {  	[sflag:s19] =	ssyncadd.s32 $0xFFFFFFB0  }
0x1b8: {  	_ =	swait.ge [sflag:s12], $0x50  }
0x1b9: {  	[sflag:s12] =	ssyncset.done $0x0  }
0x1ba: {  	[sflag:s12] =	ssyncadd.s32 $0xFFFFFFB0  }
0x1bb: {  	_ =	swait.ge [sflag:s12], $0x50  }
0x1bc: {  	[sflag:s12] =	ssyncset.done $0x0  }
0x1bd: {  	[sflag:s12] =	ssyncadd.s32 $0xFFFFFFB0  }
0x1be: {  	_ =	swait.ge [sflag:s21], $0x2800  }
0x1bf: {  	[sflag:s21] =	ssyncset.done $0x0  }
0x1c0: {  	s15 =	simm.s32 $0x29E0;
	[sflag:s21] =	ssyncadd.s32 $0xFFFFD800  }
0x1c1: {  	[tilespmem:s15], [sflag:$0x2] =	stream.indirect.gather [hbm4b:s1+s0], $0x40, s14, s0, $0xb8;
	[tilespmem:$0x1E8C0] =	vst v63  }
0x1c2: {  	s16 =	simm.s32 $0x140  }
0x1c3: {  	[tilespmem:s16], [sflag:$0x2] =	stream.indirect.gather [hbm4b:s8+s0], $0x1, s14, s0, $0xb8;
	[tilespmem:$0x1E8C0] =	vst v63  }
0x1c4: {  	s17 =	simm.s32 $0x190  }
0x1c5: {  	[tilespmem:s17], [sflag:$0x2] =	stream.indirect.gather [hbm4b:s9+s0], $0x1, s0, s0, $0xb8;
	[tilespmem:$0x1E8C0] =	vst v63  }
0x1c6: {  	v58 =	vld [tilespmem:$0x3F20]  }
0x1c7: {  	v59 =	vld [tilespmem:$0x3F70];
	_ =	sdelay $0x4  }
0x1c8: {  	v41 =	vadd.f32 v59, v58;
	_ =	sdelay $0x1  }
0x1c9: {  	v42 =	vmul.f32 $2.000000030e-01, v41  }
0x1ca: {  	vm0 =	vge.f32 v41, $0.0e+00  }
0x1cb: {  	v41 =	vsel vm0, v41, v42  }
0x1cc: {  	v41 =	vmul.f32 $1.442695020e+00, v41;
	_ =	sdelay $0x1  }
0x1cd: {  	(erf) = vpow2.f32 v41;
	_ =	sdelay $0x2  }
0x1ce: {  	v60 =	vld [tilespmem:$0x3E30];
	_ =	sdelay $0x5  }
0x1cf: {  	v61 =	vpop (erf)  }
0x1d0: {  	[tilespmem:$0x3ED0] =	vst v61  }
0x1d1: {  	[tilespmem:v60+s31+$0x0] =	vst.idx.add.f32.msk $0xffff, v61  }
0x1d2: {  	v41 =	vld [tilespmem:$0x3F30]  }
0x1d3: {  	v42 =	vld [tilespmem:$0x3F80];
	_ =	sdelay $0x4  }
0x1d4: {  	v41 =	vadd.f32 v42, v41;
	_ =	sdelay $0x1  }
0x1d5: {  	v42 =	vmul.f32 $2.000000030e-01, v41  }
0x1d6: {  	vm12 =	vge.f32 v41, $0.0e+00  }
0x1d7: {  	v41 =	vsel vm12, v41, v42  }
0x1d8: {  	v41 =	vmul.f32 $1.442695020e+00, v41;
	_ =	sdelay $0x1  }
0x1d9: {  	(erf) = vpow2.f32 v41;
	_ =	sdelay $0x2  }
0x1da: {  	v62 =	vld [tilespmem:$0x3E40];
	_ =	sdelay $0x5  }
0x1db: {  	v63 =	vpop (erf)  }
0x1dc: {  	[tilespmem:$0x3EE0] =	vst v63  }
0x1dd: {  	[tilespmem:v62+s31+$0x0] =	vst.idx.add.f32.msk $0xffff, v63  }
0x1de: {  	v41 =	vld [tilespmem:$0x3F40]  }
0x1df: {  	v42 =	vld [tilespmem:$0x3F90];
	_ =	sdelay $0x4  }
0x1e0: {  	v41 =	vadd.f32 v42, v41;
	_ =	sdelay $0x1  }
0x1e1: {  	v42 =	vmul.f32 $2.000000030e-01, v41  }
0x1e2: {  	vm13 =	vge.f32 v41, $0.0e+00  }
0x1e3: {  	v41 =	vsel vm13, v41, v42  }
0x1e4: {  	v41 =	vmul.f32 $1.442695020e+00, v41;
	_ =	sdelay $0x1  }
0x1e5: {  	(erf) = vpow2.f32 v41;
	_ =	sdelay $0x2  }
0x1e6: {  	v45 =	vld [tilespmem:$0x3E50];
	_ =	sdelay $0x5  }
0x1e7: {  	v46 =	vpop (erf)  }
0x1e8: {  	[tilespmem:$0x3EF0] =	vst v46  }
0x1e9: {  	[tilespmem:v45+s31+$0x0] =	vst.idx.add.f32.msk $0xffff, v46  }
0x1ea: {  	v41 =	vld [tilespmem:$0x3F50]  }
0x1eb: {  	v42 =	vld [tilespmem:$0x3FA0];
	_ =	sdelay $0x4  }
0x1ec: {  	v41 =	vadd.f32 v42, v41;
	_ =	sdelay $0x1  }
0x1ed: {  	v42 =	vmul.f32 $2.000000030e-01, v41  }
0x1ee: {  	vm14 =	vge.f32 v41, $0.0e+00  }
0x1ef: {  	v41 =	vsel vm14, v41, v42  }
0x1f0: {  	v41 =	vmul.f32 $1.442695020e+00, v41;
	_ =	sdelay $0x1  }
0x1f1: {  	(erf) = vpow2.f32 v41;
	_ =	sdelay $0x2  }
0x1f2: {  	v47 =	vld [tilespmem:$0x3E60];
	_ =	sdelay $0x5  }
0x1f3: {  	v48 =	vpop (erf)  }
0x1f4: {  	[tilespmem:$0x3F00] =	vst v48  }
0x1f5: {  	[tilespmem:v47+s31+$0x0] =	vst.idx.add.f32.msk $0xffff, v48  }
0x1f6: {  	v41 =	vld [tilespmem:$0x3F60]  }
0x1f7: {  	v42 =	vld [tilespmem:$0x3FB0];
	_ =	sdelay $0x4  }
0x1f8: {  	v41 =	vadd.f32 v42, v41;
	_ =	sdelay $0x1  }
0x1f9: {  	v42 =	vmul.f32 $2.000000030e-01, v41  }
0x1fa: {  	vm15 =	vge.f32 v41, $0.0e+00  }
0x1fb: {  	v41 =	vsel vm15, v41, v42  }
0x1fc: {  	v41 =	vmul.f32 $1.442695020e+00, v41;
	_ =	sdelay $0x1  }
0x1fd: {  	(erf) = vpow2.f32 v41;
	_ =	sdelay $0x2  }
0x1fe: {  	v49 =	vld [tilespmem:$0x3E70]  }
0x1ff: {  	s18 =	simm.s32 $0x2  }
0x200: {  	v50 =	vmov s18  }
0x201: {  	s15 =	simm.s32 $0x1;
	v42 =	vand.u32 $0xFFFFFFFE, v50  }
0x202: {  	v52 =	vmov s15;
	v42 =	vbroadcast v42, $0x0  }
0x203: {  	v44 =	vand.u32 $0xFFFFFFFD, v52  }
0x204: {  	v53 =	vmov s14;
	v54 =	vbroadcast v44, $0x0;
	v51 =	vpop (erf)  }
0x205: {  	v41 =	vand.u32 $0xFFFFFFFC, v53;
	[tilespmem:$0x3F10] =	vst v51  }
0x206: {  	s13 =	simm.s32 $0x6840;
	v41 =	vbroadcast v41, $0x0;
	[tilespmem:v49+s31+$0x0] =	vst.idx.add.f32.msk $0xffff, v51  }
0x207: {  	v55 =	vld [tilespmem:s13+$0x0]  }
0x208: {  	s16 =	simm.s32 $0x3;
	v48 =	vld.idx.msk [tilespmem:v42+s22+$0x0], $0xffff  }
0x209: {  	v56 =	vmov s16;
	v57 =	vld [tilespmem:s13+$0xFFFFFFC0]  }
0x20a: {  	v47 =	vld.idx.msk [tilespmem:v54+s22+$0x0], $0xffff  }
0x20b: {  	v59 =	vld [tilespmem:s13+$0xFFFFFF80]  }
0x20c: {  	v46 =	vld.idx.msk [tilespmem:v41+s22+$0x0], $0xffff;
	v58 =	vunpack.i.l.bf16.f32 v55  }
0x20d: {  	v61 =	vld [tilespmem:s13+$0x40];
	v44 =	vunpack.i.u.bf16.f32 v55;
	v43 =	vmul.f32 v58, v48  }
0x20e: {  	s28 =	simm.s32 $0x40C0;
	v45 =	vld.idx.msk [tilespmem:v56+s22+$0x0], $0xffff;
	v62 =	vunpack.i.l.bf16.f32 v57;
	v60 =	vmul.f32 v44, v48  }
0x20f: {  	v63 =	vunpack.i.u.bf16.f32 v57;
	v42 =	vmul.f32 v62, v47;
	[tilespmem:s28+$0x0] =	vst v43  }
0x210: {  	v52 =	vunpack.i.l.bf16.f32 v59;
	v41 =	vmul.f32 v63, v47;
	[tilespmem:s28+$0x10] =	vst v60  }
0x211: {  	v50 =	vunpack.i.u.bf16.f32 v59;
	v49 =	vmul.f32 v52, v46;
	[tilespmem:s28+$0xFFFFFF80] =	vst v42;
	v43 =	vld [tilespmem:s13+$0x10]  }
0x212: {  	v53 =	vunpack.i.l.bf16.f32 v61;
	v50 =	vmul.f32 v50, v46;
	[tilespmem:s28+$0xFFFFFF90] =	vst v41  }
0x213: {  	v54 =	vunpack.i.u.bf16.f32 v61;
	v42 =	vmul.f32 v53, v45;
	[tilespmem:s28+$0xFFFFFF00] =	vst v49;
	v55 =	vld [tilespmem:s13+$0xFFFFFFD0]  }
0x214: {  	v41 =	vmul.f32 v54, v45;
	[tilespmem:s28+$0xFFFFFF10] =	vst v50  }
0x215: {  	[tilespmem:s28+$0x80] =	vst v42  }
0x216: {  	v50 =	vld [tilespmem:s13+$0xFFFFFF90];
	[tilespmem:s28+$0x90] =	vst v41;
	v56 =	vunpack.i.l.bf16.f32 v43  }
0x217: {  	v60 =	vld [tilespmem:s13+$0x50];
	v57 =	vunpack.i.u.bf16.f32 v43;
	v58 =	vmul.f32 v56, v48  }
0x218: {  	v61 =	vunpack.i.l.bf16.f32 v55;
	v59 =	vmul.f32 v57, v48  }
0x219: {  	v62 =	vunpack.i.u.bf16.f32 v55;
	v43 =	vmul.f32 v61, v47;
	[tilespmem:s28+$0x20] =	vst v58  }
0x21a: {  	s17 =	simm.s32 $0x4;
	v41 =	vmul.f32 v62, v47;
	[tilespmem:s28+$0x30] =	vst v59  }
0x21b: {  	v63 =	vmov s17;
	v56 =	vunpack.i.l.bf16.f32 v50;
	[tilespmem:s28+$0xFFFFFFA0] =	vst v43;
	v44 =	vld [tilespmem:s13+$0x20]  }
0x21c: {  	s16 =	simm.s32 $0x6;
	v50 =	vunpack.i.u.bf16.f32 v50;
	v51 =	vmul.f32 v56, v46;
	v42 =	vunpack.i.u.bf16.f32 v60;
	[tilespmem:s28+$0xFFFFFFB0] =	vst v41  }
0x21d: {  	s18 =	simm.s32 $0x7;
	v58 =	vmul.f32 v50, v46;
	v59 =	vunpack.i.l.bf16.f32 v60;
	v60 =	vmov s16;
	v50 =	vld [tilespmem:s13+$0xFFFFFFE0]  }
0x21e: {  	v52 =	vmov s18;
	v42 =	vmul.f32 v42, v45;
	[tilespmem:s28+$0xFFFFFF20] =	vst v51;
	v61 =	vand.u32 $0xFFFFFFFE, v60  }
0x21f: {  	s17 =	simm.s32 $0x5;
	v57 =	vand.u32 $0xFFFFFFFC, v63;
	v41 =	vmul.f32 v59, v45;
	[tilespmem:s28+$0xFFFFFF30] =	vst v58;
	v49 =	vbroadcast v61, $0x0  }
0x220: {  	s14 =	simm.s32 $0x6940;
	v56 =	vmov s17;
	v43 =	vbroadcast v57, $0x0;
	[tilespmem:s28+$0xB0] =	vst v42;
	v63 =	vld [tilespmem:s13+$0xFFFFFFA0];
	v62 =	vunpack.i.l.bf16.f32 v44  }
0x221: {  	v58 =	vand.u32 $0xFFFFFFFD, v56;
	v56 =	vld [tilespmem:s14+$0x40];
	[tilespmem:s28+$0xA0] =	vst v41;
	v54 =	vunpack.i.u.bf16.f32 v44;
	v55 =	vmul.f32 v62, v48  }
0x222: {  	v51 =	vld [tilespmem:s13+$0x60];
	v59 =	vunpack.i.l.bf16.f32 v50;
	v57 =	vmul.f32 v54, v48  }
0x223: {  	v41 =	vld.idx.msk [tilespmem:v52+s22+$0x0], $0xffff;
	v54 =	vbroadcast v58, $0x0;
	v44 =	vmul.f32 v59, v47;
	[tilespmem:s28+$0x40] =	vst v55  }
0x224: {  	v60 =	vunpack.i.u.bf16.f32 v50;
	[tilespmem:s28+$0x50] =	vst v57;
	v55 =	vld [tilespmem:s14+$0x0]  }
0x225: {  	v61 =	vmul.f32 v60, v47;
	v62 =	vunpack.i.l.bf16.f32 v63;
	[tilespmem:s28+$0xFFFFFFC0] =	vst v44;
	v44 =	vld.idx.msk [tilespmem:v49+s22+$0x0], $0xffff  }
0x226: {  	v53 =	vunpack.i.u.bf16.f32 v63;
	v63 =	vmul.f32 v62, v46;
	v50 =	vld [tilespmem:s13+$0x30]  }
0x227: {  	v42 =	vld.idx.msk [tilespmem:v43+s22+$0x0], $0xffff;
	v58 =	vmul.f32 v53, v46;
	[tilespmem:s28+$0xFFFFFFD0] =	vst v61;
	v59 =	vunpack.i.l.bf16.f32 v51  }
0x228: {  	v51 =	vunpack.i.u.bf16.f32 v51;
	v61 =	vld [tilespmem:s14+$0xFFFFFFC0];
	v60 =	vmul.f32 v59, v45;
	[tilespmem:s28+$0xFFFFFF40] =	vst v63  }
0x229: {  	v51 =	vmul.f32 v51, v45;
	[tilespmem:s28+$0xFFFFFF50] =	vst v58;
	v43 =	vld.idx.msk [tilespmem:v54+s22+$0x0], $0xffff;
	v63 =	vunpack.i.l.bf16.f32 v55  }
0x22a: {  	[tilespmem:s28+$0xC0] =	vst v60;
	v54 =	vld [tilespmem:s14+$0xFFFFFF80];
	v58 =	vunpack.i.u.bf16.f32 v55;
	v52 =	vmul.f32 v63, v44  }
0x22b: {  	s15 =	simm.s32 $0x42C0;
	[tilespmem:s28+$0xD0] =	vst v51;
	v55 =	vld [tilespmem:s13+$0xFFFFFFF0];
	v62 =	vunpack.i.u.bf16.f32 v50;
	v59 =	vmul.f32 v58, v44  }
0x22c: {  	v50 =	vunpack.i.l.bf16.f32 v50;
	v49 =	vmul.f32 v62, v48;
	[tilespmem:s15+$0x0] =	vst v52  }
0x22d: {  	v60 =	vunpack.i.l.bf16.f32 v61;
	v48 =	vmul.f32 v50, v48;
	v50 =	vld [tilespmem:s13+$0xFFFFFFB0];
	[tilespmem:s15+$0x10] =	vst v59  }
0x22e: {  	v53 =	vunpack.i.u.bf16.f32 v61;
	v63 =	vunpack.i.u.bf16.f32 v56;
	v52 =	vld [tilespmem:s13+$0x70];
	[tilespmem:s28+$0x70] =	vst v49;
	v51 =	vmul.f32 v60, v43  }
0x22f: {  	v61 =	vunpack.i.l.bf16.f32 v54;
	[tilespmem:s28+$0x60] =	vst v48;
	v62 =	vmul.f32 v53, v43;
	v53 =	vld [tilespmem:s14+$0x10];
	v54 =	vunpack.i.u.bf16.f32 v54  }
0x230: {  	v60 =	vunpack.i.l.bf16.f32 v56;
	v49 =	vmul.f32 v61, v42;
	v61 =	vunpack.i.u.bf16.f32 v55;
	[tilespmem:s15+$0xFFFFFF80] =	vst v51  }
0x231: {  	v54 =	vmul.f32 v54, v42;
	[tilespmem:s15+$0xFFFFFF90] =	vst v62;
	v62 =	vunpack.i.l.bf16.f32 v55;
	v51 =	vmul.f32 v60, v41  }
0x232: {  	v55 =	vmul.f32 v63, v41;
	v56 =	vmul.f32 v61, v47;
	[tilespmem:s15+$0xFFFFFF00] =	vst v49;
	v57 =	vld [tilespmem:s14+$0xFFFFFFD0];
	v58 =	vunpack.i.u.bf16.f32 v50  }
0x233: {  	v63 =	vunpack.i.l.bf16.f32 v50;
	[tilespmem:s15+$0xFFFFFF10] =	vst v54;
	v54 =	vmul.f32 v62, v47;
	v50 =	vunpack.i.u.bf16.f32 v52  }
0x234: {  	v59 =	vld [tilespmem:s14+$0xFFFFFF90];
	[tilespmem:s15+$0x80] =	vst v51;
	v49 =	vmul.f32 v63, v46;
	v63 =	vunpack.i.l.bf16.f32 v52;
	v60 =	vunpack.i.l.bf16.f32 v53  }
0x235: {  	s16 =	simm.s32 $0xB;
	[tilespmem:s15+$0x90] =	vst v55;
	v48 =	vmul.f32 v58, v46;
	v61 =	vunpack.i.u.bf16.f32 v53;
	v62 =	vmul.f32 v60, v44  }
0x236: {  	s18 =	simm.s32 $0x8;
	v55 =	vmov s16;
	[tilespmem:s28+$0xFFFFFFF0] =	vst v56;
	v52 =	vld [tilespmem:s14+$0x50];
	v47 =	vmul.f32 v63, v45;
	v51 =	vmul.f32 v61, v44  }
0x237: {  	v46 =	vmul.f32 v50, v45;
	v60 =	vmov s18;
	v58 =	vunpack.i.l.bf16.f32 v57;
	[tilespmem:s15+$0x20] =	vst v62  }
0x238: {  	s17 =	simm.s32 $0x9;
	v50 =	vand.u32 $0xFFFFFFFC, v60;
	v61 =	vunpack.i.u.bf16.f32 v57;
	[tilespmem:s15+$0x30] =	vst v51;
	v45 =	vmul.f32 v58, v43  }
0x239: {  	[tilespmem:s28+$0xFFFFFFE0] =	vst v54;
	v60 =	vmov s17;
	v62 =	vmul.f32 v61, v43;
	v63 =	vunpack.i.l.bf16.f32 v59;
	v57 =	vld [tilespmem:s14+$0x20]  }
0x23a: {  	v50 =	vbroadcast v50, $0x0;
	v59 =	vunpack.i.u.bf16.f32 v59;
	v53 =	vmul.f32 v63, v42;
	[tilespmem:s15+$0xFFFFFFA0] =	vst v45  }
0x23b: {  	v61 =	vmul.f32 v59, v42;
	[tilespmem:s15+$0xFFFFFFB0] =	vst v62;
	v62 =	vunpack.i.l.bf16.f32 v52;
	v45 =	vand.u32 $0xFFFFFFFD, v60  }
0x23c: {  	s18 =	simm.s32 $0xA;
	v52 =	vunpack.i.u.bf16.f32 v52;
	[tilespmem:s15+$0xFFFFFF20] =	vst v53;
	v58 =	vmul.f32 v62, v41;
	v54 =	vld [tilespmem:s14+$0xFFFFFFE0];
	v51 =	vbroadcast v45, $0x0  }
0x23d: {  	v63 =	vmov s18;
	v59 =	vmul.f32 v52, v41;
	[tilespmem:s15+$0xFFFFFF30] =	vst v61  }
0x23e: {  	v56 =	vand.u32 $0xFFFFFFFE, v63;
	v53 =	vld [tilespmem:s14+$0xFFFFFFA0];
	v60 =	vunpack.i.l.bf16.f32 v57;
	[tilespmem:s15+$0xA0] =	vst v58  }
0x23f: {  	s13 =	simm.s32 $0x42C0;
	s16 =	simm.s32 $0x6940;
	s17 =	simm.s32 $0xC;
	v52 =	vbroadcast v56, $0x0;
	v45 =	vld.idx.msk [tilespmem:v55+s22+$0x0], $0xffff;
	v56 =	vunpack.i.u.bf16.f32 v57;
	[tilespmem:s15+$0xB0] =	vst v59;
	v55 =	vmul.f32 v60, v44  }
.LBB2_11:
0x240: {  	p0 =	slt.u32 s17, $0x4C;
	v56 =	vmul.f32 v56, v44;
	v57 =	vld [tilespmem:s14+$0x60];
	[tilespmem:s28+$0xFFFFFF60] =	vst v49  }
0x241: {  	v50 =	vld.idx.msk [tilespmem:v50+s22+$0x0], $0xffff;
	v49 =	vunpack.i.u.bf16.f32 v54;
	v54 =	vunpack.i.l.bf16.f32 v54;
	[tilespmem:s15+$0x40] =	vst v55  }
0x242: {  	v51 =	vld.idx.msk [tilespmem:v51+s22+$0x0], $0xffff;
	v54 =	vmul.f32 v54, v43;
	v49 =	vmul.f32 v49, v43;
	[tilespmem:s15+$0x50] =	vst v56  }
0x243: {  	s14 =	sadd.s32 $0x100, s14;
	v55 =	vunpack.i.u.bf16.f32 v53;
	v53 =	vunpack.i.l.bf16.f32 v53;
	v56 =	vld [tilespmem:s16+$0x30];
	[tilespmem:s28+$0xFFFFFF70] =	vst v48  }
0x244: {  	v48 =	vld [tilespmem:s14+$0x0];
	v53 =	vmul.f32 v53, v42;
	v55 =	vmul.f32 v55, v42;
	[tilespmem:s15+$0xFFFFFFC0] =	vst v54  }
0x245: {  	v52 =	vld.idx.msk [tilespmem:v52+s22+$0x0], $0xffff;
	[tilespmem:s15+$0xFFFFFFD0] =	vst v49;
	v49 =	vunpack.i.u.bf16.f32 v57;
	v54 =	vunpack.i.l.bf16.f32 v57  }
0x246: {  	v57 =	vld [tilespmem:s14+$0xFFFFFF80];
	[tilespmem:s15+$0xFFFFFF40] =	vst v53;
	v53 =	vmul.f32 v54, v41;
	v49 =	vmul.f32 v49, v41  }
0x247: {  	v54 =	vld [tilespmem:s14+$0xFFFFFFC0];
	[tilespmem:s15+$0xFFFFFF50] =	vst v55  }
0x248: {  	v55 =	vld [tilespmem:s14+$0x40];
	v58 =	vunpack.i.u.bf16.f32 v56;
	v56 =	vunpack.i.l.bf16.f32 v56;
	[tilespmem:s15+$0xC0] =	vst v53  }
0x249: {  	v53 =	vld [tilespmem:s16+$0xFFFFFFF0];
	v56 =	vmul.f32 v56, v44;
	v60 =	vmul.f32 v58, v44;
	[tilespmem:s15+$0xD0] =	vst v49  }
0x24a: {  	v49 =	vunpack.i.l.bf16.f32 v48;
	v58 =	vld [tilespmem:s16+$0xFFFFFFB0];
	[tilespmem:s28+$0xE0] =	vst v47  }
0x24b: {  	v48 =	vunpack.i.u.bf16.f32 v48;
	v49 =	vmul.f32 v49, v52;
	v44 =	vmovc v52;
	v47 =	vunpack.i.u.bf16.f32 v57;
	[tilespmem:s15+$0x70] =	vst v60;
	v59 =	vld [tilespmem:s16+$0x70];
	s16 =	smov.u32 s14  }
0x24c: {  	v52 =	vunpack.i.l.bf16.f32 v57;
	v48 =	vmul.f32 v48, v44;
	s15 =	sadd.s32 $0x200, s15;
	v57 =	vunpack.i.u.bf16.f32 v54;
	[tilespmem:s13+$0x60] =	vst v56  }
0x24d: {  	v54 =	vunpack.i.l.bf16.f32 v54;
	[tilespmem:s15+$0x0] =	vst v49;
	v49 =	vunpack.i.u.bf16.f32 v55;
	v55 =	vunpack.i.l.bf16.f32 v55  }
0x24e: {  	v54 =	vmul.f32 v54, v51;
	v56 =	vmul.f32 v57, v51;
	[tilespmem:s15+$0x10] =	vst v48;
	v48 =	vunpack.i.u.bf16.f32 v53  }
0x24f: {  	v52 =	vmul.f32 v52, v50;
	v47 =	vmul.f32 v47, v50;
	v53 =	vunpack.i.l.bf16.f32 v53;
	v57 =	vld [tilespmem:s14+$0x10];
	[tilespmem:s28+$0xF0] =	vst v46;
	s28 =	smov.u32 s13;
	s13 =	smov.u32 s15  }
0x250: {  	v46 =	vmul.f32 v55, v45;
	v55 =	vunpack.i.u.bf16.f32 v58;
	[tilespmem:s15+$0xFFFFFF80] =	vst v54;
	v54 =	vmul.f32 v49, v45  }
0x251: {  	v49 =	vunpack.i.l.bf16.f32 v58;
	v58 =	vunpack.i.l.bf16.f32 v59;
	[tilespmem:s15+$0xFFFFFF90] =	vst v56;
	v56 =	vunpack.i.u.bf16.f32 v59  }
0x252: {  	v53 =	vmul.f32 v53, v43;
	v59 =	vmul.f32 v48, v43;
	v43 =	vmov v51;
	[tilespmem:s15+$0xFFFFFF00] =	vst v52;
	v52 =	vld [tilespmem:s14+$0xFFFFFFD0]  }
0x253: {  	v49 =	vmul.f32 v49, v42;
	v48 =	vmul.f32 v55, v42;
	v42 =	vmov v50;
	[tilespmem:s15+$0xFFFFFF10] =	vst v47  }
0x254: {  	v47 =	vmul.f32 v58, v41;
	v51 =	vld [tilespmem:s14+$0xFFFFFF90];
	v50 =	vunpack.i.l.bf16.f32 v57;
	[tilespmem:s15+$0x80] =	vst v46;
	v46 =	vmul.f32 v56, v41;
	v41 =	vmovc v45  }
0x255: {  	s18 =	sadd.s32 $0x3, s17;
	v45 =	vunpack.i.u.bf16.f32 v57;
	v50 =	vmul.f32 v50, v44;
	[tilespmem:s15+$0x90] =	vst v54  }
0x256: {  	v55 =	vmov s18;
	v54 =	vmov s17;
	v45 =	vmul.f32 v45, v44;
	v56 =	vld [tilespmem:s14+$0x50];
	[tilespmem:s28+$0xFFFFFFE0] =	vst v53  }
0x257: {  	s18 =	sadd.s32 $0x1, s17;
	v53 =	vand.u32 $0xFFFFFFFC, v54;
	v54 =	vunpack.i.u.bf16.f32 v52;
	v52 =	vunpack.i.l.bf16.f32 v52;
	[tilespmem:s15+$0x20] =	vst v50  }
0x258: {  	v57 =	vmov s18;
	v52 =	vmul.f32 v52, v43;
	v54 =	vmul.f32 v54, v43;
	[tilespmem:s15+$0x30] =	vst v45  }
0x259: {  	v50 =	vbroadcast v53, $0x0;
	v45 =	vunpack.i.u.bf16.f32 v51;
	v51 =	vunpack.i.l.bf16.f32 v51;
	v58 =	vld [tilespmem:s14+$0x20];
	[tilespmem:s28+$0xFFFFFFF0] =	vst v59  }
0x25a: {  	v53 =	vand.u32 $0xFFFFFFFD, v57;
	v57 =	vmul.f32 v51, v42;
	v45 =	vmul.f32 v45, v42;
	[tilespmem:s15+$0xFFFFFFA0] =	vst v52  }
.Ltmp4:
0x25b: {  	v51 =	vbroadcast v53, $0x0;
	[tilespmem:s15+$0xFFFFFFB0] =	vst v54;
	v52 =	vunpack.i.u.bf16.f32 v56;
	v53 =	vunpack.i.l.bf16.f32 v56;
	(pc) =	sbr.rel @p0 .LBB2_11-.Ltmp4, $4  }
0x25c: {  	s18 =	sadd.s32 $0x2, s17;
	[tilespmem:s15+$0xFFFFFF20] =	vst v57;
	v54 =	vld [tilespmem:s14+$0xFFFFFFE0];
	v56 =	vmul.f32 v53, v41;
	v57 =	vmul.f32 v52, v41  }
0x25d: {  	v52 =	vmov s18;
	[tilespmem:s15+$0xFFFFFF30] =	vst v45  }
0x25e: {  	v45 =	vand.u32 $0xFFFFFFFE, v52;
	v53 =	vld [tilespmem:s14+$0xFFFFFFA0];
	v59 =	vunpack.i.l.bf16.f32 v58;
	[tilespmem:s15+$0xA0] =	vst v56  }
0x25f: {  	s17 =	sadd.s32 $0x4, s17;
	v52 =	vbroadcast v45, $0x0;
	v56 =	vunpack.i.u.bf16.f32 v58;
	v45 =	vld.idx.msk [tilespmem:v55+s22+$0x0], $0xffff;
	v55 =	vmul.f32 v59, v44;
	[tilespmem:s15+$0xB0] =	vst v57  }
0x260: {  	[tilespmem:s28+$0xFFFFFF60] =	vst v49  }
0x261: {  	v56 =	vmul.f32 v56, v44;
	[tilespmem:s28+$0xFFFFFF70] =	vst v48  }
0x262: {  	v57 =	vld [tilespmem:s14+$0x60];
	v58 =	vunpack.i.l.bf16.f32 v54;
	[tilespmem:s15+$0x40] =	vst v55  }
0x263: {  	v49 =	vmul.f32 v58, v43;
	[tilespmem:s15+$0x50] =	vst v56  }
0x264: {  	s17 =	sadd.s32 $0x100, s14;
	[tilespmem:s28+$0xE0] =	vst v47;
	v59 =	vunpack.i.u.bf16.f32 v54;
	v56 =	vld [tilespmem:s16+$0x30]  }
0x265: {  	v54 =	vmul.f32 v59, v43;
	v61 =	vunpack.i.u.bf16.f32 v53;
	[tilespmem:s15+$0xFFFFFFC0] =	vst v49;
	v49 =	vld [tilespmem:s17+$0x0]  }
0x266: {  	[tilespmem:s28+$0xF0] =	vst v46;
	v52 =	vld.idx.msk [tilespmem:v52+s22+$0x0], $0xffff;
	v60 =	vunpack.i.l.bf16.f32 v53;
	v48 =	vmul.f32 v61, v42  }
0x267: {  	v62 =	vmul.f32 v60, v42;
	[tilespmem:s15+$0xFFFFFFD0] =	vst v54;
	v63 =	vunpack.i.l.bf16.f32 v57  }
0x268: {  	v58 =	vunpack.i.u.bf16.f32 v57;
	v59 =	vmul.f32 v63, v41;
	[tilespmem:s15+$0xFFFFFF50] =	vst v48;
	v48 =	vld [tilespmem:s17+$0xFFFFFFC0]  }
0x269: {  	v51 =	vld.idx.msk [tilespmem:v51+s22+$0x0], $0xffff;
	[tilespmem:s15+$0xFFFFFF40] =	vst v62;
	v60 =	vmul.f32 v58, v41;
	v61 =	vunpack.i.u.bf16.f32 v56  }
0x26a: {  	v63 =	vld [tilespmem:s17+$0xFFFFFF80];
	[tilespmem:s15+$0xC0] =	vst v59;
	v55 =	vmul.f32 v61, v44;
	v57 =	vunpack.i.l.bf16.f32 v49  }
0x26b: {  	v47 =	vld.idx.msk [tilespmem:v50+s22+$0x0], $0xffff;
	[tilespmem:s15+$0xD0] =	vst v60;
	v49 =	vunpack.i.u.bf16.f32 v49;
	v58 =	vmul.f32 v57, v52  }
0x26c: {  	s18 =	sadd.s32 $0x200, s15;
	v62 =	vunpack.i.l.bf16.f32 v56;
	v59 =	vld [tilespmem:s17+$0x40];
	v49 =	vmul.f32 v49, v52;
	[tilespmem:s15+$0x70] =	vst v55  }
0x26d: {  	v56 =	vmul.f32 v62, v44;
	v60 =	vunpack.i.l.bf16.f32 v48;
	[tilespmem:s18+$0x0] =	vst v58  }
0x26e: {  	v50 =	vld [tilespmem:s16+$0xFFFFFFF0];
	v48 =	vunpack.i.u.bf16.f32 v48;
	v44 =	vmul.f32 v60, v51;
	[tilespmem:s18+$0x10] =	vst v49  }
0x26f: {  	v61 =	vunpack.i.l.bf16.f32 v63;
	[tilespmem:s13+$0x60] =	vst v56;
	v48 =	vmul.f32 v48, v51;
	v62 =	vld [tilespmem:s17+$0x10]  }
0x270: {  	v63 =	vunpack.i.u.bf16.f32 v63;
	v49 =	vmul.f32 v61, v47;
	[tilespmem:s18+$0xFFFFFF80] =	vst v44  }
0x271: {  	v46 =	vmul.f32 v63, v47;
	v54 =	vunpack.i.l.bf16.f32 v59;
	[tilespmem:s18+$0xFFFFFF90] =	vst v48  }
0x272: {  	v56 =	vunpack.i.u.bf16.f32 v59;
	v44 =	vmul.f32 v54, v45;
	[tilespmem:s18+$0xFFFFFF00] =	vst v49;
	v49 =	vld [tilespmem:s17+$0xFFFFFFD0]  }
0x273: {  	v57 =	vunpack.i.l.bf16.f32 v50;
	v48 =	vmul.f32 v56, v45;
	[tilespmem:s18+$0xFFFFFF10] =	vst v46  }
0x274: {  	v58 =	vmul.f32 v57, v43;
	v53 =	vld [tilespmem:s17+$0xFFFFFF90];
	[tilespmem:s18+$0x80] =	vst v44;
	v59 =	vunpack.i.l.bf16.f32 v62  }
0x275: {  	[tilespmem:s18+$0x90] =	vst v48;
	v60 =	vunpack.i.u.bf16.f32 v62;
	v54 =	vmul.f32 v59, v52  }
0x276: {  	v61 =	vunpack.i.u.bf16.f32 v50;
	[tilespmem:s13+$0xFFFFFFE0] =	vst v58;
	v62 =	vld [tilespmem:s17+$0x50];
	v44 =	vmul.f32 v60, v52  }
0x277: {  	v63 =	vmul.f32 v61, v43;
	v56 =	vunpack.i.l.bf16.f32 v49;
	[tilespmem:s18+$0x20] =	vst v54  }
0x278: {  	v48 =	vld [tilespmem:s16+$0xFFFFFFB0];
	v49 =	vunpack.i.u.bf16.f32 v49;
	v46 =	vmul.f32 v56, v51;
	[tilespmem:s18+$0x30] =	vst v44  }
0x279: {  	[tilespmem:s13+$0xFFFFFFF0] =	vst v63;
	v58 =	vunpack.i.l.bf16.f32 v53;
	v57 =	vmul.f32 v49, v51;
	v54 =	vld [tilespmem:s17+$0x20]  }
0x27a: {  	v59 =	vunpack.i.u.bf16.f32 v53;
	v49 =	vmul.f32 v58, v47;
	[tilespmem:s18+$0xFFFFFFA0] =	vst v46  }
0x27b: {  	v43 =	vmul.f32 v59, v47;
	[tilespmem:s18+$0xFFFFFFB0] =	vst v57;
	v60 =	vunpack.i.l.bf16.f32 v62  }
0x27c: {  	v61 =	vunpack.i.u.bf16.f32 v62;
	[tilespmem:s18+$0xFFFFFF20] =	vst v49;
	v49 =	vld [tilespmem:s17+$0xFFFFFFE0];
	v44 =	vmul.f32 v60, v45  }
0x27d: {  	v62 =	vunpack.i.l.bf16.f32 v48;
	[tilespmem:s18+$0xFFFFFF30] =	vst v43;
	v46 =	vmul.f32 v61, v45  }
0x27e: {  	v63 =	vmul.f32 v62, v42;
	v50 =	vld [tilespmem:s17+$0xFFFFFFA0];
	[tilespmem:s18+$0xA0] =	vst v44;
	v56 =	vunpack.i.l.bf16.f32 v54  }
0x27f: {  	[tilespmem:s18+$0xB0] =	vst v46;
	v57 =	vunpack.i.u.bf16.f32 v54;
	v53 =	vmul.f32 v56, v52  }
0x280: {  	v58 =	vunpack.i.u.bf16.f32 v48;
	[tilespmem:s13+$0xFFFFFF60] =	vst v63;
	v59 =	vld [tilespmem:s17+$0x60];
	v44 =	vmul.f32 v57, v52  }
0x281: {  	v60 =	vmul.f32 v58, v42;
	v61 =	vunpack.i.l.bf16.f32 v49;
	[tilespmem:s18+$0x40] =	vst v53  }
0x282: {  	v46 =	vld [tilespmem:s16+$0x70];
	v49 =	vunpack.i.u.bf16.f32 v49;
	v43 =	vmul.f32 v61, v51;
	[tilespmem:s18+$0x50] =	vst v44  }
0x283: {  	[tilespmem:s13+$0xFFFFFF70] =	vst v60;
	v63 =	vunpack.i.l.bf16.f32 v50;
	v62 =	vmul.f32 v49, v51;
	v53 =	vld [tilespmem:s17+$0x30]  }
0x284: {  	v55 =	vunpack.i.u.bf16.f32 v50;
	v49 =	vmul.f32 v63, v47;
	[tilespmem:s18+$0xFFFFFFC0] =	vst v43  }
0x285: {  	v42 =	vmul.f32 v55, v47;
	[tilespmem:s18+$0xFFFFFFD0] =	vst v62;
	v56 =	vunpack.i.l.bf16.f32 v59  }
0x286: {  	v57 =	vunpack.i.u.bf16.f32 v59;
	[tilespmem:s18+$0xFFFFFF40] =	vst v49;
	v43 =	vmul.f32 v56, v45;
	v58 =	vld [tilespmem:s17+$0xFFFFFFF0]  }
0x287: {  	v59 =	vunpack.i.l.bf16.f32 v46;
	[tilespmem:s18+$0xFFFFFF50] =	vst v42;
	v44 =	vmul.f32 v57, v45  }
0x288: {  	v60 =	vmul.f32 v59, v41;
	v62 =	vld [tilespmem:s17+$0xFFFFFFB0];
	[tilespmem:s18+$0xC0] =	vst v43;
	v61 =	vunpack.i.u.bf16.f32 v53  }
0x289: {  	[tilespmem:s18+$0xD0] =	vst v44;
	v63 =	vunpack.i.l.bf16.f32 v53;
	v49 =	vmul.f32 v61, v52  }
0x28a: {  	[tilespmem:s13+$0xE0] =	vst v60;
	v53 =	vunpack.i.u.bf16.f32 v46;
	v55 =	vld [tilespmem:s17+$0x70];
	v54 =	vmul.f32 v63, v52  }
0x28b: {  	v56 =	vmul.f32 v53, v41;
	v57 =	vunpack.i.l.bf16.f32 v58;
	[tilespmem:s18+$0x70] =	vst v49  }
0x28c: {  	v58 =	vunpack.i.u.bf16.f32 v58;
	[tilespmem:s18+$0x60] =	vst v54;
	v44 =	vmul.f32 v57, v51  }
0x28d: {  	v59 =	vunpack.i.l.bf16.f32 v62;
	[tilespmem:s13+$0xF0] =	vst v56;
	v46 =	vmul.f32 v58, v51  }
0x28e: {  	v43 =	vunpack.i.u.bf16.f32 v62;
	v41 =	vmul.f32 v59, v47;
	[tilespmem:s18+$0xFFFFFFE0] =	vst v44  }
0x28f: {  	v43 =	vmul.f32 v43, v47;
	v60 =	vunpack.i.l.bf16.f32 v55;
	[tilespmem:s18+$0xFFFFFFF0] =	vst v46  }
0x290: {  	v42 =	vunpack.i.u.bf16.f32 v55;
	[tilespmem:s18+$0xFFFFFF60] =	vst v41;
	v44 =	vmul.f32 v60, v45  }
0x291: {  	[tilespmem:s18+$0xFFFFFF70] =	vst v43;
	v61 =	vmul.f32 v42, v45  }
0x292: {  	[tilespmem:s18+$0xE0] =	vst v44  }
0x293: {  	[tilespmem:s18+$0xF0] =	vst v61  }
0x294: {  	v41 =	vld [tilespmem:$0x3E30]  }
0x295: {  	v62 =	vld [tilespmem:$0x3E40]  }
0x296: {  	v43 =	vld [tilespmem:$0x3E50]  }
0x297: {  	v44 =	vld [tilespmem:$0x3E60]  }
0x298: {  	v63 =	vld [tilespmem:$0x3E70]  }
0x299: {  	[tilespmem:$0x3E80] =	vst v41  }
0x29a: {  	[tilespmem:$0x3E90] =	vst v62  }
0x29b: {  	s13 =	sadd.s32 s26, s24;
	[tilespmem:$0x3EA0] =	vst v43  }
0x29c: {  	s25 =	sadd.s32 $0x1, s25;
	s17 =	simm.s32 $0x3E80;
	p0 =	slt.s32 s13, $0x4E1B0;
	[tilespmem:$0x3EB0] =	vst v44  }
0x29d: {  	s13 =	simm.s32 @!p0 $0x4E1B0;
	p0 =	sne.s32 s25, $0x3E;
	s18 =	simm.s32 $0x3FC0;
	[tilespmem:$0x3EC0] =	vst v63  }
0x29e: {  	[spmem:s3] =	stream.indirect.scatter.add.f32 [tilespmem:s18], [sflag:$0x4], $0x80, s17, s0, $0xb8;
	[tilespmem:$0x1E8C0] =	vst v63  }
.Ltmp5:
0x29f: {  	s13 =	sshrl.u32 s13, $0x3;
	(pc) =	sbr.rel @p0 .LBB2_8-.Ltmp5, $4  }
0x2a0: {  	s28 =	sadd.s32 s6, s13  }
0x2a1: {  	[tilespmem:s2], [sflag:$0x1] =	stream.linear.gather [hbm4b:s28+s5], $0x50, $0x38;
	[tilespmem:$0x1E8C0] =	vst v63  }
0x2a2: {  	s13 =	sadd.s32 s7, s13  }
0x2a3: {  	[tilespmem:s11], [sflag:$0x1] =	stream.linear.gather [hbm4b:s13+s5], $0x50, $0x38;
	[tilespmem:$0x1E8C0] =	vst v63  }
0x2a4: {  	_ =	swait.ge [sflag:s19], $0x1400  }
0x2a5: {  	[sflag:s19] =	ssyncset.done $0x0  }
0x2a6: {  	[sflag:s19] =	ssyncadd.s32 $0xFFFFEC00  }
0x2a7: {  	_ =	swait.ge [sflag:s19], $0x50  }
0x2a8: {  	[sflag:s19] =	ssyncset.done $0x0  }
0x2a9: {  	[sflag:s19] =	ssyncadd.s32 $0xFFFFFFB0  }
0x2aa: {  	_ =	swait.ge [sflag:s19], $0x50  }
0x2ab: {  	[sflag:s19] =	ssyncset.done $0x0  }
0x2ac: {  	[sflag:s19] =	ssyncadd.s32 $0xFFFFFFB0  }
0x2ad: {  	_ =	swait.ge [sflag:s12], $0x50  }
0x2ae: {  	[sflag:s12] =	ssyncset.done $0x0  }
0x2af: {  	[sflag:s12] =	ssyncadd.s32 $0xFFFFFFB0  }
0x2b0: {  	_ =	swait.ge [sflag:s12], $0x50  }
0x2b1: {  	[sflag:s12] =	ssyncset.done $0x0  }
0x2b2: {  	[sflag:s12] =	ssyncadd.s32 $0xFFFFFFB0  }
0x2b3: {  	_ =	swait.ge [sflag:s20], $0x2800  }
0x2b4: {  	[sflag:s20] =	ssyncset.done $0x0  }
0x2b5: {  	[sflag:s20] =	ssyncadd.s32 $0xFFFFD800  }
0x2b6: {  	v41 =	vld [tilespmem:$0x140]  }
0x2b7: {  	v42 =	vld [tilespmem:$0x190];
	_ =	sdelay $0x4  }
0x2b8: {  	v41 =	vadd.f32 v42, v41;
	_ =	sdelay $0x1  }
0x2b9: {  	v42 =	vmul.f32 $2.000000030e-01, v41  }
0x2ba: {  	vm0 =	vge.f32 v41, $0.0e+00  }
0x2bb: {  	v41 =	vsel vm0, v41, v42  }
0x2bc: {  	v41 =	vmul.f32 $1.442695020e+00, v41;
	_ =	sdelay $0x1  }
0x2bd: {  	(erf) = vpow2.f32 v41;
	_ =	sdelay $0x2  }
0x2be: {  	v49 =	vld [tilespmem:$0x50];
	_ =	sdelay $0x5  }
0x2bf: {  	v50 =	vpop (erf)  }
0x2c0: {  	[tilespmem:$0xF0] =	vst v50  }
0x2c1: {  	[tilespmem:v49+s31+$0x0] =	vst.idx.add.f32.msk $0xffff, v50  }
0x2c2: {  	v41 =	vld [tilespmem:$0x150]  }
0x2c3: {  	v42 =	vld [tilespmem:$0x1A0];
	_ =	sdelay $0x4  }
0x2c4: {  	v41 =	vadd.f32 v42, v41;
	_ =	sdelay $0x1  }
0x2c5: {  	v42 =	vmul.f32 $2.000000030e-01, v41  }
0x2c6: {  	vm12 =	vge.f32 v41, $0.0e+00  }
0x2c7: {  	v41 =	vsel vm12, v41, v42  }
0x2c8: {  	v41 =	vmul.f32 $1.442695020e+00, v41;
	_ =	sdelay $0x1  }
0x2c9: {  	(erf) = vpow2.f32 v41;
	_ =	sdelay $0x2  }
0x2ca: {  	v51 =	vld [tilespmem:$0x60];
	_ =	sdelay $0x5  }
0x2cb: {  	v52 =	vpop (erf)  }
0x2cc: {  	[tilespmem:$0x100] =	vst v52  }
0x2cd: {  	[tilespmem:v51+s31+$0x0] =	vst.idx.add.f32.msk $0xffff, v52  }
0x2ce: {  	v41 =	vld [tilespmem:$0x160]  }
0x2cf: {  	v42 =	vld [tilespmem:$0x1B0];
	_ =	sdelay $0x4  }
0x2d0: {  	v41 =	vadd.f32 v42, v41;
	_ =	sdelay $0x1  }
0x2d1: {  	v42 =	vmul.f32 $2.000000030e-01, v41  }
0x2d2: {  	vm13 =	vge.f32 v41, $0.0e+00  }
0x2d3: {  	v41 =	vsel vm13, v41, v42  }
0x2d4: {  	v41 =	vmul.f32 $1.442695020e+00, v41;
	_ =	sdelay $0x1  }
0x2d5: {  	(erf) = vpow2.f32 v41;
	_ =	sdelay $0x2  }
0x2d6: {  	v53 =	vld [tilespmem:$0x70];
	_ =	sdelay $0x5  }
0x2d7: {  	v54 =	vpop (erf)  }
0x2d8: {  	[tilespmem:$0x110] =	vst v54  }
0x2d9: {  	[tilespmem:v53+s31+$0x0] =	vst.idx.add.f32.msk $0xffff, v54  }
0x2da: {  	v41 =	vld [tilespmem:$0x170]  }
0x2db: {  	v42 =	vld [tilespmem:$0x1C0];
	_ =	sdelay $0x4  }
0x2dc: {  	v41 =	vadd.f32 v42, v41;
	_ =	sdelay $0x1  }
0x2dd: {  	v42 =	vmul.f32 $2.000000030e-01, v41  }
0x2de: {  	vm14 =	vge.f32 v41, $0.0e+00  }
0x2df: {  	v41 =	vsel vm14, v41, v42  }
0x2e0: {  	v41 =	vmul.f32 $1.442695020e+00, v41;
	_ =	sdelay $0x1  }
0x2e1: {  	(erf) = vpow2.f32 v41;
	_ =	sdelay $0x2  }
0x2e2: {  	v55 =	vld [tilespmem:$0x80];
	_ =	sdelay $0x5  }
0x2e3: {  	v56 =	vpop (erf)  }
0x2e4: {  	[tilespmem:$0x120] =	vst v56  }
0x2e5: {  	[tilespmem:v55+s31+$0x0] =	vst.idx.add.f32.msk $0xffff, v56  }
0x2e6: {  	v41 =	vld [tilespmem:$0x180]  }
0x2e7: {  	v42 =	vld [tilespmem:$0x1D0];
	_ =	sdelay $0x4  }
0x2e8: {  	v41 =	vadd.f32 v42, v41;
	_ =	sdelay $0x1  }
0x2e9: {  	v42 =	vmul.f32 $2.000000030e-01, v41  }
0x2ea: {  	vm15 =	vge.f32 v41, $0.0e+00  }
0x2eb: {  	v41 =	vsel vm15, v41, v42  }
0x2ec: {  	v41 =	vmul.f32 $1.442695020e+00, v41;
	_ =	sdelay $0x1  }
0x2ed: {  	(erf) = vpow2.f32 v41;
	_ =	sdelay $0x2  }
0x2ee: {  	v57 =	vld [tilespmem:$0x90]  }
0x2ef: {  	s4 =	simm.s32 $0x2  }
0x2f0: {  	v58 =	vmov s4  }
0x2f1: {  	s14 =	simm.s32 $0x1;
	v42 =	vand.u32 $0xFFFFFFFE, v58  }
0x2f2: {  	v44 =	vmov s14;
	v42 =	vbroadcast v42, $0x0  }
0x2f3: {  	v44 =	vand.u32 $0xFFFFFFFD, v44  }
0x2f4: {  	s15 =	simm.s32 $0x0;
	v60 =	vbroadcast v44, $0x0;
	v43 =	vpop (erf)  }
0x2f5: {  	v59 =	vmov s15;
	[tilespmem:$0x130] =	vst v43  }
0x2f6: {  	s13 =	simm.s32 $0x2A60;
	v41 =	vand.u32 $0xFFFFFFFC, v59;
	[tilespmem:v57+s31+$0x0] =	vst.idx.add.f32.msk $0xffff, v43  }
0x2f7: {  	v41 =	vbroadcast v41, $0x0;
	v61 =	vld [tilespmem:s13+$0x0]  }
0x2f8: {  	v48 =	vld.idx.msk [tilespmem:v42+s10+$0x0], $0xffff  }
0x2f9: {  	s16 =	simm.s32 $0x3;
	v49 =	vld [tilespmem:s13+$0xFFFFFFC0]  }
0x2fa: {  	v62 =	vmov s16;
	v47 =	vld.idx.msk [tilespmem:v60+s10+$0x0], $0xffff;
	_ =	sdelay $0x1  }
0x2fb: {  	v50 =	vld [tilespmem:s13+$0xFFFFFF80];
	v63 =	vunpack.i.l.bf16.f32 v61  }
0x2fc: {  	v46 =	vld.idx.msk [tilespmem:v41+s10+$0x0], $0xffff;
	v44 =	vunpack.i.u.bf16.f32 v61;
	v43 =	vmul.f32 v63, v48  }
0x2fd: {  	s4 =	simm.s32 $0x2E0;
	v52 =	vld [tilespmem:s13+$0x40];
	v53 =	vunpack.i.l.bf16.f32 v49;
	v51 =	vmul.f32 v44, v48  }
0x2fe: {  	v45 =	vld.idx.msk [tilespmem:v62+s10+$0x0], $0xffff;
	v54 =	vunpack.i.u.bf16.f32 v49;
	v42 =	vmul.f32 v53, v47;
	[tilespmem:s4+$0x0] =	vst v43  }
0x2ff: {  	v41 =	vmul.f32 v54, v47;
	[tilespmem:s4+$0x10] =	vst v51  }
0x300: {  	v55 =	vunpack.i.l.bf16.f32 v50;
	[tilespmem:s4+$0xFFFFFF80] =	vst v42;
	v43 =	vld [tilespmem:s13+$0x10]  }
0x301: {  	v50 =	vunpack.i.u.bf16.f32 v50;
	v49 =	vmul.f32 v55, v46;
	[tilespmem:s4+$0xFFFFFF90] =	vst v41  }
0x302: {  	v56 =	vunpack.i.l.bf16.f32 v52;
	v50 =	vmul.f32 v50, v46;
	v58 =	vld [tilespmem:s13+$0xFFFFFFD0]  }
0x303: {  	v57 =	vunpack.i.u.bf16.f32 v52;
	v42 =	vmul.f32 v56, v45;
	[tilespmem:s4+$0xFFFFFF00] =	vst v49  }
0x304: {  	v41 =	vmul.f32 v57, v45;
	[tilespmem:s4+$0xFFFFFF10] =	vst v50  }
0x305: {  	v50 =	vld [tilespmem:s13+$0xFFFFFF90];
	[tilespmem:s4+$0x80] =	vst v42;
	v59 =	vunpack.i.l.bf16.f32 v43  }
0x306: {  	[tilespmem:s4+$0x90] =	vst v41;
	v60 =	vunpack.i.u.bf16.f32 v43;
	v61 =	vmul.f32 v59, v48  }
0x307: {  	v63 =	vld [tilespmem:s13+$0x50];
	v55 =	vunpack.i.l.bf16.f32 v58;
	v62 =	vmul.f32 v60, v48  }
0x308: {  	v56 =	vunpack.i.u.bf16.f32 v58;
	v43 =	vmul.f32 v55, v47;
	[tilespmem:s4+$0x20] =	vst v61  }
0x309: {  	v41 =	vmul.f32 v56, v47;
	[tilespmem:s4+$0x30] =	vst v62  }
0x30a: {  	s14 =	simm.s32 $0x4;
	v51 =	vunpack.i.l.bf16.f32 v50;
	v50 =	vunpack.i.u.bf16.f32 v50;
	[tilespmem:s4+$0xFFFFFFA0] =	vst v43  }
0x30b: {  	s17 =	simm.s32 $0x6;
	v58 =	vmov s14;
	v51 =	vmul.f32 v51, v46;
	v59 =	vmul.f32 v50, v46;
	[tilespmem:s4+$0xFFFFFFB0] =	vst v41;
	v57 =	vld [tilespmem:s13+$0x20]  }
0x30c: {  	v60 =	vunpack.i.l.bf16.f32 v63;
	v43 =	vand.u32 $0xFFFFFFFC, v58;
	v61 =	vmov s17;
	v50 =	vld [tilespmem:s13+$0xFFFFFFE0]  }
0x30d: {  	s18 =	simm.s32 $0x5;
	v42 =	vunpack.i.u.bf16.f32 v63;
	[tilespmem:s4+$0xFFFFFF20] =	vst v51;
	v62 =	vand.u32 $0xFFFFFFFE, v61;
	v43 =	vbroadcast v43, $0x0  }
0x30e: {  	v41 =	vmul.f32 v60, v45;
	[tilespmem:s4+$0xFFFFFF30] =	vst v59;
	v58 =	vmov s18;
	v49 =	vbroadcast v62, $0x0  }
0x30f: {  	s15 =	simm.s32 $0x7;
	v42 =	vmul.f32 v42, v45;
	v53 =	vld [tilespmem:s13+$0xFFFFFFA0];
	v60 =	vand.u32 $0xFFFFFFFD, v58  }
0x310: {  	v52 =	vmov s15;
	s15 =	simm.s32 $0x2B60;
	[tilespmem:s4+$0xA0] =	vst v41;
	v54 =	vbroadcast v60, $0x0;
	v63 =	vunpack.i.l.bf16.f32 v57  }
0x311: {  	v55 =	vld [tilespmem:s15+$0x0];
	[tilespmem:s4+$0xB0] =	vst v42;
	v56 =	vunpack.i.u.bf16.f32 v57;
	v61 =	vunpack.i.l.bf16.f32 v50;
	v57 =	vmul.f32 v63, v48  }
0x312: {  	v51 =	vld [tilespmem:s13+$0x60];
	v44 =	vmul.f32 v61, v47  }
0x313: {  	v59 =	vmul.f32 v56, v48;
	v42 =	vld.idx.msk [tilespmem:v43+s10+$0x0], $0xffff;
	[tilespmem:s4+$0x40] =	vst v57  }
0x314: {  	v62 =	vunpack.i.u.bf16.f32 v50;
	v58 =	vunpack.i.l.bf16.f32 v53;
	v53 =	vunpack.i.u.bf16.f32 v53;
	[tilespmem:s4+$0xFFFFFFC0] =	vst v44;
	v44 =	vld.idx.msk [tilespmem:v49+s10+$0x0], $0xffff  }
0x315: {  	v63 =	vmul.f32 v62, v47;
	[tilespmem:s4+$0x50] =	vst v59;
	v59 =	vmul.f32 v53, v46;
	v53 =	vld [tilespmem:s15+$0xFFFFFFC0]  }
0x316: {  	v56 =	vmul.f32 v58, v46;
	v50 =	vld [tilespmem:s13+$0x30]  }
0x317: {  	v60 =	vunpack.i.l.bf16.f32 v51;
	v43 =	vld.idx.msk [tilespmem:v54+s10+$0x0], $0xffff;
	[tilespmem:s4+$0xFFFFFFD0] =	vst v63  }
0x318: {  	v41 =	vld.idx.msk [tilespmem:v52+s10+$0x0], $0xffff;
	v51 =	vunpack.i.u.bf16.f32 v51;
	[tilespmem:s4+$0xFFFFFF40] =	vst v56;
	v61 =	vmul.f32 v60, v45  }
0x319: {  	v54 =	vld [tilespmem:s15+$0xFFFFFF80];
	v51 =	vmul.f32 v51, v45;
	v63 =	vunpack.i.l.bf16.f32 v55;
	[tilespmem:s4+$0xFFFFFF50] =	vst v59;
	v59 =	vunpack.i.u.bf16.f32 v55  }
0x31a: {  	v56 =	vld [tilespmem:s15+$0x40];
	[tilespmem:s4+$0xC0] =	vst v61;
	v52 =	vmul.f32 v63, v44;
	v60 =	vmul.f32 v59, v44  }
0x31b: {  	s14 =	simm.s32 $0x4E0;
	[tilespmem:s4+$0xD0] =	vst v51;
	v55 =	vld [tilespmem:s13+$0xFFFFFFF0];
	v61 =	vunpack.i.l.bf16.f32 v53;
	v53 =	vunpack.i.u.bf16.f32 v53;
	v62 =	vunpack.i.u.bf16.f32 v50  }
0x31c: {  	v50 =	vunpack.i.l.bf16.f32 v50;
	v51 =	vmul.f32 v61, v43;
	v63 =	vmul.f32 v53, v43;
	[tilespmem:s14+$0x0] =	vst v52  }
0x31d: {  	v49 =	vmul.f32 v62, v48;
	v48 =	vmul.f32 v50, v48;
	v50 =	vld [tilespmem:s13+$0xFFFFFFB0];
	[tilespmem:s14+$0x10] =	vst v60  }
0x31e: {  	v52 =	vld [tilespmem:s13+$0x70];
	v62 =	vunpack.i.l.bf16.f32 v54;
	v54 =	vunpack.i.u.bf16.f32 v54;
	[tilespmem:s14+$0xFFFFFF80] =	vst v51  }
0x31f: {  	v57 =	vunpack.i.u.bf16.f32 v56;
	v53 =	vld [tilespmem:s15+$0x10];
	v54 =	vmul.f32 v54, v42;
	[tilespmem:s14+$0xFFFFFF90] =	vst v63  }
0x320: {  	v60 =	vunpack.i.l.bf16.f32 v56;
	v61 =	vunpack.i.u.bf16.f32 v55;
	[tilespmem:s4+$0x70] =	vst v49;
	v49 =	vmul.f32 v62, v42  }
0x321: {  	v51 =	vmul.f32 v60, v41;
	v62 =	vunpack.i.l.bf16.f32 v55;
	v55 =	vmul.f32 v57, v41;
	[tilespmem:s14+$0xFFFFFF10] =	vst v54  }
0x322: {  	s16 =	simm.s32 $0xB;
	v56 =	vmul.f32 v61, v47;
	v57 =	vld [tilespmem:s15+$0xFFFFFFD0];
	v54 =	vmul.f32 v62, v47;
	[tilespmem:s14+$0xFFFFFF00] =	vst v49  }
0x323: {  	[tilespmem:s14+$0x90] =	vst v55;
	v55 =	vmov s16;
	v58 =	vunpack.i.u.bf16.f32 v50;
	v63 =	vunpack.i.l.bf16.f32 v50  }
0x324: {  	[tilespmem:s4+$0x60] =	vst v48;
	v50 =	vunpack.i.u.bf16.f32 v52;
	v59 =	vld [tilespmem:s15+$0xFFFFFF90];
	v60 =	vunpack.i.l.bf16.f32 v53;
	v49 =	vmul.f32 v63, v46  }
0x325: {  	[tilespmem:s14+$0x80] =	vst v51;
	v61 =	vunpack.i.u.bf16.f32 v53;
	v48 =	vmul.f32 v58, v46;
	v62 =	vmul.f32 v60, v44  }
0x326: {  	s25 =	simm.s32 $0x8;
	[tilespmem:s4+$0xFFFFFFF0] =	vst v56;
	v63 =	vunpack.i.l.bf16.f32 v52;
	v52 =	vld [tilespmem:s15+$0x50];
	v46 =	vmul.f32 v50, v45;
	v51 =	vmul.f32 v61, v44  }
0x327: {  	v47 =	vmul.f32 v63, v45;
	v58 =	vunpack.i.l.bf16.f32 v57;
	v60 =	vmov s25;
	[tilespmem:s14+$0x20] =	vst v62  }
0x328: {  	s26 =	simm.s32 $0x9;
	v61 =	vunpack.i.u.bf16.f32 v57;
	v45 =	vmul.f32 v58, v43;
	v50 =	vand.u32 $0xFFFFFFFC, v60;
	[tilespmem:s14+$0x30] =	vst v51  }
0x329: {  	[tilespmem:s4+$0xFFFFFFE0] =	vst v54;
	v60 =	vmov s26;
	v62 =	vmul.f32 v61, v43;
	v63 =	vunpack.i.l.bf16.f32 v59;
	v57 =	vld [tilespmem:s15+$0x20]  }
0x32a: {  	v50 =	vbroadcast v50, $0x0;
	v59 =	vunpack.i.u.bf16.f32 v59;
	[tilespmem:s14+$0xFFFFFFA0] =	vst v45;
	v53 =	vmul.f32 v63, v42  }
0x32b: {  	v45 =	vand.u32 $0xFFFFFFFD, v60;
	v61 =	vmul.f32 v59, v42;
	[tilespmem:s14+$0xFFFFFFB0] =	vst v62;
	v62 =	vunpack.i.l.bf16.f32 v52  }
0x32c: {  	s28 =	simm.s32 $0xA;
	v52 =	vunpack.i.u.bf16.f32 v52;
	v51 =	vbroadcast v45, $0x0;
	v58 =	vmul.f32 v62, v41;
	v54 =	vld [tilespmem:s15+$0xFFFFFFE0];
	[tilespmem:s14+$0xFFFFFF20] =	vst v53  }
0x32d: {  	v63 =	vmov s28;
	v59 =	vmul.f32 v52, v41;
	[tilespmem:s14+$0xFFFFFF30] =	vst v61  }
0x32e: {  	v56 =	vand.u32 $0xFFFFFFFE, v63;
	v53 =	vld [tilespmem:s15+$0xFFFFFFA0];
	[tilespmem:s14+$0xA0] =	vst v58;
	v60 =	vunpack.i.l.bf16.f32 v57  }
0x32f: {  	s17 =	simm.s32 $0xC;
	s13 =	simm.s32 $0x4E0;
	s16 =	simm.s32 $0x2B60;
	v45 =	vld.idx.msk [tilespmem:v55+s10+$0x0], $0xffff;
	v52 =	vbroadcast v56, $0x0;
	[tilespmem:s14+$0xB0] =	vst v59;
	v56 =	vunpack.i.u.bf16.f32 v57;
	v55 =	vmul.f32 v60, v44  }
.LBB2_14:
0x330: {  	p0 =	slt.u32 s17, $0x4C;
	v56 =	vmul.f32 v56, v44;
	v57 =	vld [tilespmem:s15+$0x60];
	[tilespmem:s4+$0xFFFFFF60] =	vst v49  }
0x331: {  	v50 =	vld.idx.msk [tilespmem:v50+s10+$0x0], $0xffff;
	v49 =	vunpack.i.u.bf16.f32 v54;
	v54 =	vunpack.i.l.bf16.f32 v54;
	[tilespmem:s14+$0x40] =	vst v55  }
0x332: {  	v51 =	vld.idx.msk [tilespmem:v51+s10+$0x0], $0xffff;
	v54 =	vmul.f32 v54, v43;
	v49 =	vmul.f32 v49, v43;
	[tilespmem:s14+$0x50] =	vst v56  }
0x333: {  	s15 =	sadd.s32 $0x100, s15;
	v55 =	vunpack.i.u.bf16.f32 v53;
	v53 =	vunpack.i.l.bf16.f32 v53;
	v56 =	vld [tilespmem:s16+$0x30];
	[tilespmem:s4+$0xFFFFFF70] =	vst v48  }
0x334: {  	v48 =	vld [tilespmem:s15+$0x0];
	v53 =	vmul.f32 v53, v42;
	v55 =	vmul.f32 v55, v42;
	[tilespmem:s14+$0xFFFFFFC0] =	vst v54  }
0x335: {  	v52 =	vld.idx.msk [tilespmem:v52+s10+$0x0], $0xffff;
	[tilespmem:s14+$0xFFFFFFD0] =	vst v49;
	v49 =	vunpack.i.u.bf16.f32 v57;
	v54 =	vunpack.i.l.bf16.f32 v57  }
0x336: {  	v57 =	vld [tilespmem:s15+$0xFFFFFF80];
	[tilespmem:s14+$0xFFFFFF40] =	vst v53;
	v53 =	vmul.f32 v54, v41;
	v49 =	vmul.f32 v49, v41  }
0x337: {  	v54 =	vld [tilespmem:s15+$0xFFFFFFC0];
	[tilespmem:s14+$0xFFFFFF50] =	vst v55  }
0x338: {  	v55 =	vld [tilespmem:s15+$0x40];
	v58 =	vunpack.i.u.bf16.f32 v56;
	v56 =	vunpack.i.l.bf16.f32 v56;
	[tilespmem:s14+$0xC0] =	vst v53  }
0x339: {  	v53 =	vld [tilespmem:s16+$0xFFFFFFF0];
	v56 =	vmul.f32 v56, v44;
	v60 =	vmul.f32 v58, v44;
	[tilespmem:s14+$0xD0] =	vst v49  }
0x33a: {  	v49 =	vunpack.i.l.bf16.f32 v48;
	v58 =	vld [tilespmem:s16+$0xFFFFFFB0];
	[tilespmem:s4+$0xE0] =	vst v47  }
0x33b: {  	v48 =	vunpack.i.u.bf16.f32 v48;
	v49 =	vmul.f32 v49, v52;
	v44 =	vmovc v52;
	v47 =	vunpack.i.u.bf16.f32 v57;
	[tilespmem:s14+$0x70] =	vst v60;
	v59 =	vld [tilespmem:s16+$0x70];
	s16 =	smov.u32 s15  }
0x33c: {  	v52 =	vunpack.i.l.bf16.f32 v57;
	v48 =	vmul.f32 v48, v44;
	s14 =	sadd.s32 $0x200, s14;
	v57 =	vunpack.i.u.bf16.f32 v54;
	[tilespmem:s13+$0x60] =	vst v56  }
0x33d: {  	v54 =	vunpack.i.l.bf16.f32 v54;
	[tilespmem:s14+$0x0] =	vst v49;
	v49 =	vunpack.i.u.bf16.f32 v55;
	v55 =	vunpack.i.l.bf16.f32 v55  }
0x33e: {  	v54 =	vmul.f32 v54, v51;
	v56 =	vmul.f32 v57, v51;
	[tilespmem:s14+$0x10] =	vst v48;
	v48 =	vunpack.i.u.bf16.f32 v53  }
0x33f: {  	v52 =	vmul.f32 v52, v50;
	v47 =	vmul.f32 v47, v50;
	v53 =	vunpack.i.l.bf16.f32 v53;
	v57 =	vld [tilespmem:s15+$0x10];
	[tilespmem:s4+$0xF0] =	vst v46;
	s4 =	smov.u32 s13;
	s13 =	smov.u32 s14  }
0x340: {  	v46 =	vmul.f32 v55, v45;
	v55 =	vunpack.i.u.bf16.f32 v58;
	[tilespmem:s14+$0xFFFFFF80] =	vst v54;
	v54 =	vmul.f32 v49, v45  }
0x341: {  	v49 =	vunpack.i.l.bf16.f32 v58;
	v58 =	vunpack.i.l.bf16.f32 v59;
	[tilespmem:s14+$0xFFFFFF90] =	vst v56;
	v56 =	vunpack.i.u.bf16.f32 v59  }
0x342: {  	v53 =	vmul.f32 v53, v43;
	v59 =	vmul.f32 v48, v43;
	v43 =	vmov v51;
	[tilespmem:s14+$0xFFFFFF00] =	vst v52;
	v52 =	vld [tilespmem:s15+$0xFFFFFFD0]  }
0x343: {  	v49 =	vmul.f32 v49, v42;
	v48 =	vmul.f32 v55, v42;
	v42 =	vmov v50;
	[tilespmem:s14+$0xFFFFFF10] =	vst v47  }
0x344: {  	v47 =	vmul.f32 v58, v41;
	v51 =	vld [tilespmem:s15+$0xFFFFFF90];
	v50 =	vunpack.i.l.bf16.f32 v57;
	[tilespmem:s14+$0x80] =	vst v46;
	v46 =	vmul.f32 v56, v41;
	v41 =	vmovc v45  }
0x345: {  	s18 =	sadd.s32 $0x3, s17;
	v45 =	vunpack.i.u.bf16.f32 v57;
	v50 =	vmul.f32 v50, v44;
	[tilespmem:s14+$0x90] =	vst v54  }
0x346: {  	v55 =	vmov s18;
	v54 =	vmov s17;
	v45 =	vmul.f32 v45, v44;
	v56 =	vld [tilespmem:s15+$0x50];
	[tilespmem:s4+$0xFFFFFFE0] =	vst v53  }
0x347: {  	s18 =	sadd.s32 $0x1, s17;
	v53 =	vand.u32 $0xFFFFFFFC, v54;
	v54 =	vunpack.i.u.bf16.f32 v52;
	v52 =	vunpack.i.l.bf16.f32 v52;
	[tilespmem:s14+$0x20] =	vst v50  }
0x348: {  	v57 =	vmov s18;
	v52 =	vmul.f32 v52, v43;
	v54 =	vmul.f32 v54, v43;
	[tilespmem:s14+$0x30] =	vst v45  }
0x349: {  	v50 =	vbroadcast v53, $0x0;
	v45 =	vunpack.i.u.bf16.f32 v51;
	v51 =	vunpack.i.l.bf16.f32 v51;
	v58 =	vld [tilespmem:s15+$0x20];
	[tilespmem:s4+$0xFFFFFFF0] =	vst v59  }
0x34a: {  	v53 =	vand.u32 $0xFFFFFFFD, v57;
	v57 =	vmul.f32 v51, v42;
	v45 =	vmul.f32 v45, v42;
	[tilespmem:s14+$0xFFFFFFA0] =	vst v52  }
.Ltmp6:
0x34b: {  	v51 =	vbroadcast v53, $0x0;
	[tilespmem:s14+$0xFFFFFFB0] =	vst v54;
	v52 =	vunpack.i.u.bf16.f32 v56;
	v53 =	vunpack.i.l.bf16.f32 v56;
	(pc) =	sbr.rel @p0 .LBB2_14-.Ltmp6, $4  }
0x34c: {  	s18 =	sadd.s32 $0x2, s17;
	[tilespmem:s14+$0xFFFFFF20] =	vst v57;
	v54 =	vld [tilespmem:s15+$0xFFFFFFE0];
	v56 =	vmul.f32 v53, v41;
	v57 =	vmul.f32 v52, v41  }
0x34d: {  	v52 =	vmov s18;
	[tilespmem:s14+$0xFFFFFF30] =	vst v45  }
0x34e: {  	v45 =	vand.u32 $0xFFFFFFFE, v52;
	v53 =	vld [tilespmem:s15+$0xFFFFFFA0];
	v59 =	vunpack.i.l.bf16.f32 v58;
	[tilespmem:s14+$0xA0] =	vst v56  }
0x34f: {  	s17 =	sadd.s32 $0x4, s17;
	v52 =	vbroadcast v45, $0x0;
	v56 =	vunpack.i.u.bf16.f32 v58;
	v45 =	vld.idx.msk [tilespmem:v55+s10+$0x0], $0xffff;
	v55 =	vmul.f32 v59, v44;
	[tilespmem:s14+$0xB0] =	vst v57  }
0x350: {  	[tilespmem:s4+$0xFFFFFF60] =	vst v49  }
0x351: {  	[tilespmem:s4+$0xFFFFFF70] =	vst v48  }
0x352: {  	v49 =	vld [tilespmem:s15+$0x60];
	[tilespmem:s4+$0xE0] =	vst v47  }
0x353: {  	v56 =	vmul.f32 v56, v44;
	s28 =	sadd.s32 $0x100, s15;
	[tilespmem:s4+$0xF0] =	vst v46;
	v58 =	vunpack.i.l.bf16.f32 v54  }
0x354: {  	[tilespmem:s14+$0x40] =	vst v55;
	v59 =	vunpack.i.u.bf16.f32 v54;
	v63 =	vld [tilespmem:s28+$0x0];
	v60 =	vmul.f32 v58, v43  }
0x355: {  	v52 =	vld.idx.msk [tilespmem:v52+s10+$0x0], $0xffff;
	[tilespmem:s14+$0x50] =	vst v56;
	v61 =	vmul.f32 v59, v43;
	v62 =	vunpack.i.l.bf16.f32 v53  }
0x356: {  	v55 =	vld [tilespmem:s16+$0x30];
	v57 =	vunpack.i.u.bf16.f32 v53;
	v47 =	vmul.f32 v62, v42;
	[tilespmem:s14+$0xFFFFFFC0] =	vst v60  }
0x357: {  	v53 =	vmul.f32 v57, v42;
	[tilespmem:s14+$0xFFFFFFD0] =	vst v61;
	v58 =	vunpack.i.l.bf16.f32 v49  }
0x358: {  	v54 =	vld [tilespmem:s28+$0xFFFFFFC0];
	v49 =	vunpack.i.u.bf16.f32 v49;
	[tilespmem:s14+$0xFFFFFF40] =	vst v47;
	v59 =	vmul.f32 v58, v41  }
0x359: {  	v46 =	vld.idx.msk [tilespmem:v51+s10+$0x0], $0xffff;
	v49 =	vmul.f32 v49, v41;
	[tilespmem:s14+$0xFFFFFF50] =	vst v53;
	v62 =	vunpack.i.l.bf16.f32 v63  }
0x35a: {  	v53 =	vld [tilespmem:s28+$0xFFFFFF80];
	v48 =	vunpack.i.u.bf16.f32 v63;
	v63 =	vmul.f32 v62, v52;
	[tilespmem:s14+$0xC0] =	vst v59  }
0x35b: {  	v50 =	vld.idx.msk [tilespmem:v50+s10+$0x0], $0xffff;
	s17 =	sadd.s32 $0x200, s14;
	v58 =	vmul.f32 v48, v52;
	v60 =	vunpack.i.u.bf16.f32 v55;
	[tilespmem:s14+$0xD0] =	vst v49  }
0x35c: {  	v57 =	vld [tilespmem:s28+$0x40];
	v55 =	vunpack.i.l.bf16.f32 v55;
	v61 =	vmul.f32 v60, v44;
	[tilespmem:s17+$0x0] =	vst v63  }
0x35d: {  	v59 =	vmul.f32 v55, v44;
	v60 =	vunpack.i.l.bf16.f32 v54;
	[tilespmem:s17+$0x10] =	vst v58  }
0x35e: {  	v49 =	vld [tilespmem:s16+$0xFFFFFFF0];
	v54 =	vunpack.i.u.bf16.f32 v54;
	v48 =	vmul.f32 v60, v46;
	[tilespmem:s14+$0x70] =	vst v61  }
0x35f: {  	v62 =	vmul.f32 v54, v46;
	v61 =	vunpack.i.l.bf16.f32 v53;
	[tilespmem:s13+$0x60] =	vst v59  }
0x360: {  	v63 =	vld [tilespmem:s28+$0x10];
	v53 =	vunpack.i.u.bf16.f32 v53;
	v47 =	vmul.f32 v61, v50;
	[tilespmem:s17+$0xFFFFFF80] =	vst v48  }
0x361: {  	v56 =	vunpack.i.l.bf16.f32 v57;
	v57 =	vunpack.i.u.bf16.f32 v57;
	v53 =	vmul.f32 v53, v50;
	[tilespmem:s17+$0xFFFFFF90] =	vst v62  }
0x362: {  	v44 =	vmul.f32 v57, v45;
	[tilespmem:s17+$0xFFFFFF00] =	vst v47;
	v47 =	vld [tilespmem:s28+$0xFFFFFFD0]  }
0x363: {  	v48 =	vmul.f32 v56, v45;
	v58 =	vunpack.i.l.bf16.f32 v49;
	[tilespmem:s17+$0xFFFFFF10] =	vst v53  }
0x364: {  	[tilespmem:s17+$0x90] =	vst v44;
	v62 =	vunpack.i.u.bf16.f32 v49;
	v51 =	vmul.f32 v58, v43;
	v53 =	vld [tilespmem:s28+$0xFFFFFF90]  }
0x365: {  	[tilespmem:s17+$0x80] =	vst v48;
	v57 =	vmul.f32 v62, v43;
	v59 =	vunpack.i.l.bf16.f32 v63  }
0x366: {  	v60 =	vunpack.i.u.bf16.f32 v63;
	v63 =	vld [tilespmem:s28+$0x50];
	v61 =	vmul.f32 v59, v52;
	[tilespmem:s13+$0xFFFFFFE0] =	vst v51  }
0x367: {  	v48 =	vmul.f32 v60, v52;
	[tilespmem:s13+$0xFFFFFFF0] =	vst v57;
	v58 =	vunpack.i.l.bf16.f32 v47  }
0x368: {  	v51 =	vld [tilespmem:s16+$0xFFFFFFB0];
	[tilespmem:s17+$0x20] =	vst v61;
	v47 =	vunpack.i.u.bf16.f32 v47;
	v44 =	vmul.f32 v58, v46  }
0x369: {  	[tilespmem:s17+$0x30] =	vst v48;
	v47 =	vmul.f32 v47, v46;
	v59 =	vunpack.i.l.bf16.f32 v53  }
0x36a: {  	v54 =	vld [tilespmem:s28+$0x20];
	v60 =	vunpack.i.u.bf16.f32 v53;
	v48 =	vmul.f32 v59, v50;
	[tilespmem:s17+$0xFFFFFFA0] =	vst v44  }
0x36b: {  	v61 =	vunpack.i.l.bf16.f32 v63;
	v43 =	vmul.f32 v60, v50;
	[tilespmem:s17+$0xFFFFFFB0] =	vst v47  }
0x36c: {  	v62 =	vunpack.i.u.bf16.f32 v63;
	v44 =	vmul.f32 v61, v45;
	[tilespmem:s17+$0xFFFFFF20] =	vst v48;
	v63 =	vld [tilespmem:s28+$0xFFFFFFE0]  }
0x36d: {  	v55 =	vunpack.i.l.bf16.f32 v51;
	v47 =	vmul.f32 v62, v45;
	[tilespmem:s17+$0xFFFFFF30] =	vst v43  }
0x36e: {  	v59 =	vunpack.i.u.bf16.f32 v51;
	v56 =	vmul.f32 v55, v42;
	v49 =	vld [tilespmem:s28+$0xFFFFFFA0];
	[tilespmem:s17+$0xA0] =	vst v44  }
0x36f: {  	v61 =	vmul.f32 v59, v42;
	v57 =	vunpack.i.l.bf16.f32 v54;
	[tilespmem:s17+$0xB0] =	vst v47  }
0x370: {  	v58 =	vunpack.i.u.bf16.f32 v54;
	[tilespmem:s13+$0xFFFFFF60] =	vst v56;
	v53 =	vmul.f32 v57, v52;
	v60 =	vld [tilespmem:s28+$0x60]  }
0x371: {  	[tilespmem:s13+$0xFFFFFF70] =	vst v61;
	v44 =	vmul.f32 v58, v52;
	v62 =	vunpack.i.l.bf16.f32 v63  }
0x372: {  	v47 =	vld [tilespmem:s16+$0x70];
	[tilespmem:s17+$0x40] =	vst v53;
	v48 =	vunpack.i.u.bf16.f32 v63;
	v43 =	vmul.f32 v62, v46  }
0x373: {  	[tilespmem:s17+$0x50] =	vst v44;
	v63 =	vmul.f32 v48, v46;
	v56 =	vunpack.i.l.bf16.f32 v49  }
0x374: {  	v53 =	vld [tilespmem:s28+$0x30];
	v57 =	vunpack.i.u.bf16.f32 v49;
	v48 =	vmul.f32 v56, v50;
	[tilespmem:s17+$0xFFFFFFC0] =	vst v43  }
0x375: {  	v42 =	vmul.f32 v57, v50;
	v58 =	vunpack.i.l.bf16.f32 v60;
	[tilespmem:s17+$0xFFFFFFD0] =	vst v63  }
0x376: {  	v59 =	vunpack.i.u.bf16.f32 v60;
	v43 =	vmul.f32 v58, v45;
	[tilespmem:s17+$0xFFFFFF40] =	vst v48;
	v60 =	vld [tilespmem:s28+$0xFFFFFFF0]  }
0x377: {  	v61 =	vunpack.i.l.bf16.f32 v47;
	v44 =	vmul.f32 v59, v45;
	[tilespmem:s17+$0xFFFFFF50] =	vst v42  }
0x378: {  	v47 =	vunpack.i.u.bf16.f32 v47;
	v62 =	vmul.f32 v61, v41;
	[tilespmem:s17+$0xC0] =	vst v43;
	v54 =	vld [tilespmem:s28+$0xFFFFFFB0]  }
0x379: {  	v56 =	vmul.f32 v47, v41;
	v63 =	vunpack.i.u.bf16.f32 v53;
	[tilespmem:s17+$0xD0] =	vst v44  }
0x37a: {  	[tilespmem:s13+$0xE0] =	vst v62;
	v55 =	vunpack.i.l.bf16.f32 v53;
	v49 =	vmul.f32 v63, v52;
	v44 =	vld [tilespmem:s28+$0x70]  }
0x37b: {  	[tilespmem:s13+$0xF0] =	vst v56;
	v51 =	vmul.f32 v55, v52;
	v57 =	vunpack.i.l.bf16.f32 v60  }
0x37c: {  	[tilespmem:s17+$0x70] =	vst v49;
	v58 =	vunpack.i.u.bf16.f32 v60;
	v42 =	vmul.f32 v57, v46  }
0x37d: {  	[tilespmem:s17+$0x60] =	vst v51;
	v59 =	vunpack.i.l.bf16.f32 v54;
	v46 =	vmul.f32 v58, v46  }
0x37e: {  	v43 =	vunpack.i.u.bf16.f32 v54;
	v41 =	vmul.f32 v59, v50;
	[tilespmem:s17+$0xFFFFFFE0] =	vst v42  }
0x37f: {  	v60 =	vunpack.i.l.bf16.f32 v44;
	v43 =	vmul.f32 v43, v50;
	[tilespmem:s17+$0xFFFFFFF0] =	vst v46  }
0x380: {  	v44 =	vunpack.i.u.bf16.f32 v44;
	v42 =	vmul.f32 v60, v45;
	[tilespmem:s17+$0xFFFFFF60] =	vst v41  }
0x381: {  	v61 =	vmul.f32 v44, v45;
	[tilespmem:s17+$0xFFFFFF70] =	vst v43  }
0x382: {  	[tilespmem:s17+$0xE0] =	vst v42  }
0x383: {  	[tilespmem:s17+$0xF0] =	vst v61  }
0x384: {  	v41 =	vld [tilespmem:$0x50]  }
0x385: {  	v42 =	vld [tilespmem:$0x60]  }
0x386: {  	v43 =	vld [tilespmem:$0x70]  }
0x387: {  	v62 =	vld [tilespmem:$0x80]  }
0x388: {  	v63 =	vld [tilespmem:$0x90]  }
0x389: {  	[tilespmem:$0xA0] =	vst v41  }
0x38a: {  	[tilespmem:$0xB0] =	vst v42  }
0x38b: {  	[tilespmem:$0xC0] =	vst v43  }
0x38c: {  	[tilespmem:$0xD0] =	vst v62  }
0x38d: {  	s18 =	simm.s32 $0xA0;
	[tilespmem:$0xE0] =	vst v63  }
0x38e: {  	[spmem:s3] =	stream.indirect.scatter.add.f32 [tilespmem:s29], [sflag:$0x3], $0x80, s18, s0, $0xb8;
	[tilespmem:$0x1E8C0] =	vst v63  }
0x38f: {  	_ =	swait.ge [sflag:s21], $0x2800  }
0x390: {  	[sflag:s21] =	ssyncset.done $0x0  }
0x391: {  	[sflag:s21] =	ssyncadd.s32 $0xFFFFD800  }
0x392: {  	s25 =	simm.s32 $0xA3C0;
	s13 =	simm.s32 $0x80;
	s4 =	rddreg [dreg:$0x3]  }
0x393: {  	[spmem:s4] =	stream.indirect.scatter.add.f32 [tilespmem:s31], [sflag:$0x5], $0x10, s25, s13, $0xb8;
	[tilespmem:$0x1E8C0] =	vst v63  }
0x394: {  	_ =	swait.ge [sflag:s30], $0x800  }
0x395: {  	[sflag:s30] =	ssyncset.done $0x0  }
0x396: {  	s26 =	simm.s32 $0xA440;
	s28 =	simm.s32 $0x83C0;
	[sflag:s30] =	ssyncadd.s32 $0xFFFFF800  }
0x397: {  	[spmem:s4] =	stream.indirect.scatter.add.f32 [tilespmem:s28], [sflag:$0x5], $0x10, s26, s13, $0xb8;
	[tilespmem:$0x1E8C0] =	vst v63  }
0x398: {  	_ =	swait.ge [sflag:s30], $0x800  }
0x399: {  	[sflag:s30] =	ssyncset.done $0x0  }
0x39a: {  	s16 =	simm.s32 $0xA4C0;
	s17 =	simm.s32 $0x8BC0;
	[sflag:s30] =	ssyncadd.s32 $0xFFFFF800  }
0x39b: {  	[spmem:s4] =	stream.indirect.scatter.add.f32 [tilespmem:s17], [sflag:$0x5], $0x10, s16, s13, $0xb8;
	[tilespmem:$0x1E8C0] =	vst v63  }
0x39c: {  	_ =	swait.ge [sflag:s30], $0x800  }
0x39d: {  	[sflag:s30] =	ssyncset.done $0x0  }
0x39e: {  	s18 =	simm.s32 $0xA540;
	s25 =	simm.s32 $0x93C0;
	[sflag:s30] =	ssyncadd.s32 $0xFFFFF800  }
0x39f: {  	[spmem:s4] =	stream.indirect.scatter.add.f32 [tilespmem:s25], [sflag:$0x5], $0x10, s18, s13, $0xb8;
	[tilespmem:$0x1E8C0] =	vst v63  }
0x3a0: {  	_ =	swait.ge [sflag:s30], $0x800  }
0x3a1: {  	[sflag:s30] =	ssyncset.done $0x0  }
0x3a2: {  	s26 =	simm.s32 $0xA5C0;
	s28 =	simm.s32 $0x9BC0;
	[sflag:s30] =	ssyncadd.s32 $0xFFFFF800  }
0x3a3: {  	[spmem:s4] =	stream.indirect.scatter.add.f32 [tilespmem:s28], [sflag:$0x5], $0x10, s26, s13, $0xb8;
	[tilespmem:$0x1E8C0] =	vst v63  }
0x3a4: {  	_ =	swait.ge [sflag:s30], $0x800  }
0x3a5: {  	[sflag:s30] =	ssyncset.done $0x0  }
0x3a6: {  	[sflag:s30] =	ssyncadd.s32 $0xFFFFF800  }
0x3a7: {  	s15 =	stileid.u32;
	[bflag:$0x0] =	sbarrier.arrive $0xFFFF  }
0x3a8: {  	s4 =	sshll.u32 s15, $0x6;
	s14 =	rddreg [dreg:$0x5]  }
0x3a9: {  	s4 =	sor.u32 $0x1C05, s4;
	s17 =	rddreg [dreg:$0x12];
	s16 =	sshrl.u32 s14, $0x3  }
0x3aa: {  	[hbm:s17], [sflag:s4] =	dma.local [spmem:s16], $0x2800  }
0x3ab: {  	_ =	swait.ge [sflag:s30], $0x2800  }
0x3ac: {  	[sflag:s30] =	ssyncset.done $0x0;
	s15 =	rddreg [dreg:$0xd]  }
0x3ad: {  	s25 =	rddreg [dreg:$0x13];
	[sflag:s30] =	ssyncadd.s32 $0xFFFFD800;
	s18 =	sshrl.u32 s15, $0x3  }
0x3ae: {  	[hbm:s25], [sflag:s4] =	dma.local [spmem:s18], $0x50  }
0x3af: {  	_ =	swait.ge [sflag:s30], $0x50  }
0x3b0: {  	s26 =	rddreg [dreg:$0x15]  }
0x3b1: {  	s28 =	rddreg [dreg:$0x14];
	s13 =	sadd.s32 $0x1, s26  }
0x3b2: {  	p0 =	sne.s32 s13, s28  }
.Ltmp7:
0x3b3: {  	_ = 	snop;
	(pc) =	sbr.rel @p0 .LBB2_1-.Ltmp7, $3  }
0x3b4: {  	_ =	sdelay $0x1  }
0x3b5: {  	[sflag:s30] =	ssyncset.done $0x0  }
0x3b6: {  	[sflag:s30] =	ssyncadd.s32 $0xFFFFFFB0  }
0x3b7: {  	_ =	sfence.sel $0x180000  }
0x3b8: {  	[bflag:$0x0] =	sbarrier.arrive $0xFFFF  }
0x3b9: {  	_ =	strace $0x90000047  }
0x3ba: {  	s0 =	stileid.u32;
	[bflag:$0x2] =	sbarrier.arrive $0xFFFF  }
0x3bb: {  	p0 =	sne.s32 s0, $0x0;
	s0 =	rddreg [dreg:$0x4]  }
0x3bc: {  	s0 =	sadd.s32 @!p0 $0x100000, s0  }
0x3bd: {  	[sflag:s0] =	ssyncadd.tile.s32 @!p0 $0x1;
	_ =	shalt  }
.Lfunc_end2:
_tile_overlayer_lowered:
.L_overlay_start_2:
0x3be: {  	(tag) =	ssettag $0x2  }
0x3bf: {  	s0 =	rddreg [dreg:$0x0];
	s2 =	stileid.u32  }
0x3c0: {  	s1 =	rddreg [dreg:$0x1];
	p0 =	sne.s32 s2, $0x0  }
0x3c1: {  	s3 =	rddreg [dreg:$0x2];
	[bflag:$0x3] =	sbarrier.arrive $0xFFFF;
	s2 =	simm.s32 @!p0 $0x1C05  }
0x3c2: {  	[timem:s3], [sflag:s2] =	dma.local @!p0 [hbm:s0], s1  }
0x3c3: {  	s0 =	simm.s32 @!p0 $0x5  }
0x3c4: {  	_ =	swait.ge @!p0 [sflag:s0], s1  }
0x3c5: {  	s1 =	ssub.s32 @!p0 $0x0, s1;
	[sflag:s0] =	ssyncset.done @!p0 $0x0  }
0x3c6: {  	[sflag:s0] =	ssyncadd.s32 @!p0 s1  }
0x3c7: {  	[bflag:$0x3] =	sbarrier.arrive $0xFFFF  }
0x3c8: {  	_ =	shalt  }

</sc_bundles>
